<compile_context>
chip_gen: v7x
topology: tpu7x:2x2x1
jax: 0.10.2.dev20260603
libtpu: 0.0.44.dev20260713+nightly
codegen_flags: <defaults>
</compile_context>

<pallas_src>
import functools

import jax
import jax.numpy as jnp
from jax import lax
from jax.experimental import pallas as pl
from jax.experimental.pallas import tpu as pltpu
from jax.experimental.pallas import tpu_sc as plsc

N = 10000
E = 320000
D = 128
DH = D // 2
NC = 2
NS = 16
K = 128
CPT = 158
EPT = CPT * K
E_PAD = NS * EPT
NBUF = 4
N_PAD = 10240
RPT = N_PAD // NS
RCH = 80


def _sc_segsum(h2, srcx, dstx):
    mesh = plsc.VectorSubcoreMesh(core_axis_name="c", subcore_axis_name="s")

    @functools.partial(
        pl.kernel,
        out_type=jax.ShapeDtypeStruct((NC * N, DH), jnp.float32),
        mesh=mesh,
        scratch_types=[
            pltpu.VMEM((CPT, K), jnp.int32),
            pltpu.VMEM((CPT, K), jnp.int32),
            pltpu.VMEM((NBUF, K, DH), jnp.float32),
            pltpu.VMEM((RCH, DH), jnp.float32),
            pltpu.VMEM_SHARED((N_PAD, DH), jnp.float32),
            [pltpu.SemaphoreType.DMA] * NBUF,
            [pltpu.SemaphoreType.DMA] * NBUF,
        ],
        compiler_params=pltpu.CompilerParams(use_tc_tiling_on_sc=False),
    )
    def seg_kernel(h_hbm, src_hbm, dst_hbm, out_hbm,
                   src_v, dst_v, rows_v, buf_v, acc_sh, gsems, ssems):
        cid = lax.axis_index("c")
        sid = lax.axis_index("s")

        zeros16 = jnp.zeros((16,), jnp.float32)

        def zrow(i, carry):
            for c16 in range(DH // 16):
                buf_v[i, pl.ds(c16 * 16, 16)] = zeros16
            return carry

        lax.fori_loop(0, RCH, zrow, 0)
        row0 = sid * RPT
        for r in range(RPT // RCH):
            pltpu.sync_copy(buf_v, acc_sh.at[pl.ds(row0 + r * RCH, RCH)])
        plsc.subcore_barrier()

        pltpu.sync_copy(src_hbm.at[cid * NS + sid], src_v)
        pltpu.sync_copy(dst_hbm.at[sid], dst_v)

        def g_start(j, b):
            pltpu.async_copy(h_hbm.at[src_v.at[j]], rows_v.at[b], gsems[b])

        def g_wait(j, b):
            pltpu.make_async_copy(h_hbm.at[src_v.at[j]], rows_v.at[b], gsems[b]).wait()

        def s_start(j, b):
            pltpu.async_copy(rows_v.at[b], acc_sh.at[dst_v.at[j]], ssems[b], add=True)

        def s_wait(j, b):
            pltpu.make_async_copy(rows_v.at[b], acc_sh.at[dst_v.at[j]], ssems[b]).wait()

        g_start(0, 0)
        g_start(1, 1)
        for j in (0, 1):
            g_wait(j, j)
            s_start(j, j)
            g_start(j + 2, j + 2)

        def outer(i, carry):
            for b in range(4):
                j = i * 4 + 2 + b
                bj = (2 + b) % 4
                g_wait(j, bj)
                s_start(j, bj)
                s_wait(j - 2, b)
                g_start(j + 2, b)
            return carry

        lax.fori_loop(0, (CPT - 6) // 4, outer, 0)
        for j in (CPT - 4, CPT - 3):
            g_wait(j, j % 4)
            s_start(j, j % 4)
            s_wait(j - 2, (j + 2) % 4)
            g_start(j + 2, (j + 2) % 4)
        for j in (CPT - 2, CPT - 1):
            g_wait(j, j % 4)
            s_start(j, j % 4)
        for j in range(CPT - 4, CPT):
            s_wait(j, j % 4)
        plsc.subcore_barrier()

        nch = jnp.minimum(RPT, N - row0) // RCH

        def wb(r, carry):
            r0 = row0 + r * RCH
            pltpu.sync_copy(acc_sh.at[pl.ds(r0, RCH)], buf_v)
            pltpu.sync_copy(buf_v, out_hbm.at[pl.ds(cid * N + r0, RCH)])
            return carry

        lax.fori_loop(0, nch, wb, 0)

    return seg_kernel(h2, srcx, dstx)


R = 2000


def _agg_specs():
    return [
        pl.BlockSpec((R, DH), lambda i: (i, 0)),
        pl.BlockSpec((R, DH), lambda i: (N // R + i, 0)),
    ]


def _w_specs():
    return [
        pl.BlockSpec((DH, D), lambda i: (0, 0)),
        pl.BlockSpec((DH, D), lambda i: (0, 0)),
        pl.BlockSpec((1, D), lambda i: (0, 0)),
        pl.BlockSpec((D, D), lambda i: (0, 0)),
        pl.BlockSpec((1, D), lambda i: (0, 0)),
    ]


def _mlp2(z0, z1, wa0, wa1, ba, wb, bb):
    z = (jnp.dot(z0, wa0, preferred_element_type=jnp.float32)
         + jnp.dot(z1, wa1, preferred_element_type=jnp.float32) + ba)
    z = jnp.maximum(z, 0.0)
    return jnp.dot(z, wb, preferred_element_type=jnp.float32) + bb


def _tc_layer1(x, agg, scale, Wa, ba, Wb, bb):

    def body(scale_ref, h_ref, a0_ref, a1_ref, wa0_ref, wa1_ref, ba_ref,
             wb_ref, bb_ref, o_ref):
        s = scale_ref[0]
        z0 = h_ref[:, :DH] * s + a0_ref[...]
        z1 = h_ref[:, DH:] * s + a1_ref[...]
        o = jnp.maximum(_mlp2(z0, z1, wa0_ref[...], wa1_ref[...], ba_ref[...],
                              wb_ref[...], bb_ref[...]), 0.0)
        o_ref[0] = o[:, :DH]
        o_ref[1] = o[:, DH:]

    return pl.pallas_call(
        body,
        grid=(N // R,),
        in_specs=[
            pl.BlockSpec(memory_space=pltpu.SMEM),
            pl.BlockSpec((R, D), lambda i: (i, 0)),
            *_agg_specs(),
            *_w_specs(),
        ],
        out_specs=pl.BlockSpec((NC, R, DH), lambda i: (0, i, 0)),
        out_shape=jax.ShapeDtypeStruct((NC, N, DH), jnp.float32),
    )(scale, x, agg, agg, Wa[:DH], Wa[DH:], ba.reshape(1, D), Wb,
      bb.reshape(1, D))


def _tc_layer2(h2, agg, scale, Wa, ba, Wb, bb):

    def body(scale_ref, h_ref, a0_ref, a1_ref, wa0_ref, wa1_ref, ba_ref,
             wb_ref, bb_ref, o_ref):
        s = scale_ref[0]
        z0 = h_ref[0] * s + a0_ref[...]
        z1 = h_ref[1] * s + a1_ref[...]
        o_ref[...] = _mlp2(z0, z1, wa0_ref[...], wa1_ref[...], ba_ref[...],
                           wb_ref[...], bb_ref[...])

    return pl.pallas_call(
        body,
        grid=(N // R,),
        in_specs=[
            pl.BlockSpec(memory_space=pltpu.SMEM),
            pl.BlockSpec((NC, R, DH), lambda i: (0, i, 0)),
            *_agg_specs(),
            *_w_specs(),
        ],
        out_specs=pl.BlockSpec((R, D), lambda i: (i, 0)),
        out_shape=jax.ShapeDtypeStruct((N, D), jnp.float32),
    )(scale, h2, agg, agg, Wa[:DH], Wa[DH:], ba.reshape(1, D), Wb,
      bb.reshape(1, D))


def kernel(x, edge_index, eps1, W1a, b1a, W1b, b1b, eps2, W2a, b2a, W2b, b2b):
    src = jnp.pad(edge_index[0], (0, E_PAD - E)).reshape(NS, CPT, K)
    dst = jnp.pad(edge_index[1], (0, E_PAD - E),
                  constant_values=N).reshape(NS, CPT, K)
    srcx = jnp.concatenate([src, src + N], axis=0)
    s1 = (1.0 + eps1).reshape(1)
    s2 = (1.0 + eps2).reshape(1)

    x2 = jnp.concatenate([x[:, :DH], x[:, DH:]], axis=0)
    agg1 = _sc_segsum(x2, srcx, dst)
    h2 = _tc_layer1(x, agg1, s1, W1a, b1a, W1b, b1b)
    agg2 = _sc_segsum(h2.reshape(NC * N, DH), srcx, dst)
    return _tc_layer2(h2, agg2, s2, W2a, b2a, W2b, b2b)

# --- scband reference (transcript-rebuilt; emitter-appended) ---
"""Pipeline reference for scband-graph-model-74998718923362 (READ-ONLY COPY).

The authoritative reference and input builder live on the scoring server;
editing this copy changes nothing except your own understanding.
"""

import jax, jax.numpy as jnp
import numpy as np

N = 10000
E = 320000
D = 128


def setup_inputs(seed: int = 0) -> dict:
    key = jax.random.key(seed)
    ks = jax.random.split(key, 12)
    x = jax.random.normal(ks[0], (N, D), dtype=jnp.float32)
    edge_index = jax.random.randint(ks[1], (2, E), 0, N, dtype=jnp.int32)
    s = 1.0 / np.sqrt(D)
    W1a = jax.random.normal(ks[2], (D, D), dtype=jnp.float32) * s
    b1a = jnp.zeros((D,), dtype=jnp.float32)
    W1b = jax.random.normal(ks[3], (D, D), dtype=jnp.float32) * s
    b1b = jnp.zeros((D,), dtype=jnp.float32)
    eps1 = jnp.zeros((), dtype=jnp.float32)
    W2a = jax.random.normal(ks[4], (D, D), dtype=jnp.float32) * s
    b2a = jnp.zeros((D,), dtype=jnp.float32)
    W2b = jax.random.normal(ks[5], (D, D), dtype=jnp.float32) * s
    b2b = jnp.zeros((D,), dtype=jnp.float32)
    eps2 = jnp.zeros((), dtype=jnp.float32)
    return {"x": x, "edge_index": edge_index,
            "eps1": eps1, "W1a": W1a, "b1a": b1a, "W1b": W1b, "b1b": b1b,
            "eps2": eps2, "W2a": W2a, "b2a": b2a, "W2b": W2b, "b2b": b2b}


def _gin_layer(h, src, dst, eps, Wa, ba, Wb, bb):
    # message passing: gather neighbor features, scatter-add into destination nodes
    msgs = jnp.take(h, src, axis=0)
    agg = jnp.zeros_like(h).at[dst].add(msgs)
    z = (1.0 + eps) * h + agg
    z = jax.nn.relu(z @ Wa + ba)
    return z @ Wb + bb


def reference(x, edge_index, eps1, W1a, b1a, W1b, b1b, eps2, W2a, b2a, W2b, b2b):
    src = edge_index[0]
    dst = edge_index[1]
    h = _gin_layer(x, src, dst, eps1, W1a, b1a, W1b, b1b)
    h = jax.nn.relu(h)
    h = _gin_layer(h, src, dst, eps2, W2a, b2a, W2b, b2b)
    return h

if __name__ == "__main__":
    import jax
    _d = setup_inputs()
    print(jax.jit(kernel)(*tuple(_d.values())))

</pallas_src>

<mosaic_0001>
#map = affine_map<(d0, d1) -> (0, 0)>
#map1 = affine_map<(d0, d1) -> (0, 0, 0)>
module attributes {stable_mosaic.version = 14 : i64} {
  func.func @seg_kernel(%arg0: i32, %arg1: i32, %arg2: memref<20000x64xf32, #tpu.memory_space<hbm>>, %arg3: memref<32x158x128xi32, #tpu.memory_space<hbm>>, %arg4: memref<16x158x128xi32, #tpu.memory_space<hbm>>, %arg5: memref<20000x64xf32, #tpu.memory_space<hbm>>, %arg6: memref<158x128xi32, #tpu.memory_space<vmem>>, %arg7: memref<158x128xi32, #tpu.memory_space<vmem>>, %arg8: memref<4x128x64xf32, #tpu.memory_space<vmem>>, %arg9: memref<80x64xf32, #tpu.memory_space<vmem>>, %arg10: memref<10240x64xf32, #tpu.memory_space<vmem_shared>>, %arg11: memref<!tpu.dma_semaphore, #tpu.memory_space<semaphore_mem>>, %arg12: memref<!tpu.dma_semaphore, #tpu.memory_space<semaphore_mem>>, %arg13: memref<!tpu.dma_semaphore, #tpu.memory_space<semaphore_mem>>, %arg14: memref<!tpu.dma_semaphore, #tpu.memory_space<semaphore_mem>>, %arg15: memref<!tpu.dma_semaphore, #tpu.memory_space<semaphore_mem>>, %arg16: memref<!tpu.dma_semaphore, #tpu.memory_space<semaphore_mem>>, %arg17: memref<!tpu.dma_semaphore, #tpu.memory_space<semaphore_mem>>, %arg18: memref<!tpu.dma_semaphore, #tpu.memory_space<semaphore_mem>>) attributes {dimension_semantics = [#tpu.dimension_semantics<core_parallel>, #tpu.dimension_semantics<subcore_parallel>], iteration_bounds = array<i64: 2, 16>, scalar_prefetch = 0 : i64, scratch_operands = 13 : i64, tpu.core_type = #tpu.core_type<sc_vector_subcore>, window_params = [{transform_indices = #map}, {transform_indices = #map1}, {transform_indices = #map1}, {transform_indices = #map}]} {
    %broadcast_in_dim3A = arith.constant 0.000000e+00 : f32
    %broadcast_in_dim3A_0 = vector.broadcast %broadcast_in_dim3A : f32 to vector<16xf32>
    %scan3A = arith.constant 0 : i32
    %scan3A_1 = arith.constant 0 : i32
    %scan3A_2 = arith.constant 80 : i32
    %scan3A_3 = arith.addi %scan3A_1, %scan3A_2 : i32
    %scan3A_4 = arith.constant 1 : i32
    scf.for %scan3A_346 = %scan3A_1 to %scan3A_3 step %scan3A_4  : i32 {
      %swap3A = arith.index_cast %scan3A_346 : i32 to index
      %swap3A_347 = arith.constant 0 : index
      %swap3A_348 = tpu.vector_load %arg9[%swap3A, %swap3A_347] {strides = array<i32>} : memref<80x64xf32, #tpu.memory_space<vmem>>, vector<1x16xf32>,
      %swap3A_349 = vector.shape_cast %swap3A_348 : vector<1x16xf32> to vector<16xf32>
      %swap3A_350 = vector.shape_cast %broadcast_in_dim3A_0 : vector<16xf32> to vector<1x16xf32>
      tpu.vector_store %arg9[%swap3A, %swap3A_347], %swap3A_350 {strides = array<i32>} : memref<80x64xf32, #tpu.memory_space<vmem>>, vector<1x16xf32>,
      %swap3A_351 = arith.index_cast %scan3A_346 : i32 to index
      %swap3A_352 = arith.constant 16 : index
      %swap3A_353 = tpu.vector_load %arg9[%swap3A_351, %swap3A_352] {strides = array<i32>} : memref<80x64xf32, #tpu.memory_space<vmem>>, vector<1x16xf32>,
      %swap3A_354 = vector.shape_cast %swap3A_353 : vector<1x16xf32> to vector<16xf32>
      %swap3A_355 = vector.shape_cast %broadcast_in_dim3A_0 : vector<16xf32> to vector<1x16xf32>
      tpu.vector_store %arg9[%swap3A_351, %swap3A_352], %swap3A_355 {strides = array<i32>} : memref<80x64xf32, #tpu.memory_space<vmem>>, vector<1x16xf32>,
      %swap3A_356 = arith.index_cast %scan3A_346 : i32 to index
      %swap3A_357 = arith.constant 32 : index
      %swap3A_358 = tpu.vector_load %arg9[%swap3A_356, %swap3A_357] {strides = array<i32>} : memref<80x64xf32, #tpu.memory_space<vmem>>, vector<1x16xf32>,
      %swap3A_359 = vector.shape_cast %swap3A_358 : vector<1x16xf32> to vector<16xf32>
      %swap3A_360 = vector.shape_cast %broadcast_in_dim3A_0 : vector<16xf32> to vector<1x16xf32>
      tpu.vector_store %arg9[%swap3A_356, %swap3A_357], %swap3A_360 {strides = array<i32>} : memref<80x64xf32, #tpu.memory_space<vmem>>, vector<1x16xf32>,
      %swap3A_361 = arith.index_cast %scan3A_346 : i32 to index
      %swap3A_362 = arith.constant 48 : index
      %swap3A_363 = tpu.vector_load %arg9[%swap3A_361, %swap3A_362] {strides = array<i32>} : memref<80x64xf32, #tpu.memory_space<vmem>>, vector<1x16xf32>,
      %swap3A_364 = vector.shape_cast %swap3A_363 : vector<1x16xf32> to vector<16xf32>
      %swap3A_365 = vector.shape_cast %broadcast_in_dim3A_0 : vector<16xf32> to vector<1x16xf32>
      tpu.vector_store %arg9[%swap3A_361, %swap3A_362], %swap3A_365 {strides = array<i32>} : memref<80x64xf32, #tpu.memory_space<vmem>>, vector<1x16xf32>,
    }
    %scan3A_5 = arith.constant 80 : i32
    %mul3A = arith.constant 640 : i32
    %mul3A_6 = arith.muli %arg1, %mul3A : i32
    %add3A = arith.constant 0 : i32
    %add3A_7 = arith.addi %mul3A_6, %add3A : i32
    "tpu.region"() ({
      %run_scoped3A = tpu.sem_alloc : memref<!tpu.dma_semaphore, #tpu.memory_space<semaphore_mem>>
      %dma_start3A_346 = arith.constant 0 : i32
      %dma_start3A_347 = tpu.memref_slice %arg10[%add3A_7, %dma_start3A_346] : memref<10240x64xf32, #tpu.memory_space<vmem_shared>> -> memref<80x64xf32, #tpu.memory_space<vmem_shared>>
      %dma_start3A_348 = arith.constant 0 : i32
      %dma_start3A_349 = tpu.memref_slice %arg10[%add3A_7, %dma_start3A_348] : memref<10240x64xf32, #tpu.memory_space<vmem_shared>> -> memref<80x64xf32, #tpu.memory_space<vmem_shared>>
      tpu.enqueue_dma source(%arg9 : memref<80x64xf32, #tpu.memory_space<vmem>>) target(%dma_start3A_349 : memref<80x64xf32, #tpu.memory_space<vmem_shared>>) target_semaphore(%run_scoped3A : memref<!tpu.dma_semaphore, #tpu.memory_space<semaphore_mem>>)
      %dma_wait3A_350 = arith.constant 0 : i32
      %dma_wait3A_351 = tpu.memref_slice %arg10[%add3A_7, %dma_wait3A_350] : memref<10240x64xf32, #tpu.memory_space<vmem_shared>> -> memref<80x64xf32, #tpu.memory_space<vmem_shared>>
      %dma_wait3A_352 = arith.constant 0 : i32
      %dma_wait3A_353 = tpu.memref_slice %arg10[%add3A_7, %dma_wait3A_352] : memref<10240x64xf32, #tpu.memory_space<vmem_shared>> -> memref<80x64xf32, #tpu.memory_space<vmem_shared>>
      tpu.wait_dma2 semaphore(%run_scoped3A : memref<!tpu.dma_semaphore, #tpu.memory_space<semaphore_mem>>) src(%arg9 : memref<80x64xf32, #tpu.memory_space<vmem>>) dst(%dma_wait3A_353 : memref<80x64xf32, #tpu.memory_space<vmem_shared>>)
      tpu.yield
    }) : () -> ()
    %add3A_8 = arith.constant 80 : i32
    %add3A_9 = arith.addi %mul3A_6, %add3A_8 : i32
    "tpu.region"() ({
      %run_scoped3A = tpu.sem_alloc : memref<!tpu.dma_semaphore, #tpu.memory_space<semaphore_mem>>
      %dma_start3A_346 = arith.constant 0 : i32
      %dma_start3A_347 = tpu.memref_slice %arg10[%add3A_9, %dma_start3A_346] : memref<10240x64xf32, #tpu.memory_space<vmem_shared>> -> memref<80x64xf32, #tpu.memory_space<vmem_shared>>
      %dma_start3A_348 = arith.constant 0 : i32
      %dma_start3A_349 = tpu.memref_slice %arg10[%add3A_9, %dma_start3A_348] : memref<10240x64xf32, #tpu.memory_space<vmem_shared>> -> memref<80x64xf32, #tpu.memory_space<vmem_shared>>
      tpu.enqueue_dma source(%arg9 : memref<80x64xf32, #tpu.memory_space<vmem>>) target(%dma_start3A_349 : memref<80x64xf32, #tpu.memory_space<vmem_shared>>) target_semaphore(%run_scoped3A : memref<!tpu.dma_semaphore, #tpu.memory_space<semaphore_mem>>)
      %dma_wait3A_350 = arith.constant 0 : i32
      %dma_wait3A_351 = tpu.memref_slice %arg10[%add3A_9, %dma_wait3A_350] : memref<10240x64xf32, #tpu.memory_space<vmem_shared>> -> memref<80x64xf32, #tpu.memory_space<vmem_shared>>
      %dma_wait3A_352 = arith.constant 0 : i32
      %dma_wait3A_353 = tpu.memref_slice %arg10[%add3A_9, %dma_wait3A_352] : memref<10240x64xf32, #tpu.memory_space<vmem_shared>> -> memref<80x64xf32, #tpu.memory_space<vmem_shared>>
      tpu.wait_dma2 semaphore(%run_scoped3A : memref<!tpu.dma_semaphore, #tpu.memory_space<semaphore_mem>>) src(%arg9 : memref<80x64xf32, #tpu.memory_space<vmem>>) dst(%dma_wait3A_353 : memref<80x64xf32, #tpu.memory_space<vmem_shared>>)
      tpu.yield
    }) : () -> ()
    %add3A_10 = arith.constant 160 : i32
    %add3A_11 = arith.addi %mul3A_6, %add3A_10 : i32
    "tpu.region"() ({
      %run_scoped3A = tpu.sem_alloc : memref<!tpu.dma_semaphore, #tpu.memory_space<semaphore_mem>>
      %dma_start3A_346 = arith.constant 0 : i32
      %dma_start3A_347 = tpu.memref_slice %arg10[%add3A_11, %dma_start3A_346] : memref<10240x64xf32, #tpu.memory_space<vmem_shared>> -> memref<80x64xf32, #tpu.memory_space<vmem_shared>>
      %dma_start3A_348 = arith.constant 0 : i32
      %dma_start3A_349 = tpu.memref_slice %arg10[%add3A_11, %dma_start3A_348] : memref<10240x64xf32, #tpu.memory_space<vmem_shared>> -> memref<80x64xf32, #tpu.memory_space<vmem_shared>>
      tpu.enqueue_dma source(%arg9 : memref<80x64xf32, #tpu.memory_space<vmem>>) target(%dma_start3A_349 : memref<80x64xf32, #tpu.memory_space<vmem_shared>>) target_semaphore(%run_scoped3A : memref<!tpu.dma_semaphore, #tpu.memory_space<semaphore_mem>>)
      %dma_wait3A_350 = arith.constant 0 : i32
      %dma_wait3A_351 = tpu.memref_slice %arg10[%add3A_11, %dma_wait3A_350] : memref<10240x64xf32, #tpu.memory_space<vmem_shared>> -> memref<80x64xf32, #tpu.memory_space<vmem_shared>>
      %dma_wait3A_352 = arith.constant 0 : i32
      %dma_wait3A_353 = tpu.memref_slice %arg10[%add3A_11, %dma_wait3A_352] : memref<10240x64xf32, #tpu.memory_space<vmem_shared>> -> memref<80x64xf32, #tpu.memory_space<vmem_shared>>
      tpu.wait_dma2 semaphore(%run_scoped3A : memref<!tpu.dma_semaphore, #tpu.memory_space<semaphore_mem>>) src(%arg9 : memref<80x64xf32, #tpu.memory_space<vmem>>) dst(%dma_wait3A_353 : memref<80x64xf32, #tpu.memory_space<vmem_shared>>)
      tpu.yield
    }) : () -> ()
    %add3A_12 = arith.constant 240 : i32
    %add3A_13 = arith.addi %mul3A_6, %add3A_12 : i32
    "tpu.region"() ({
      %run_scoped3A = tpu.sem_alloc : memref<!tpu.dma_semaphore, #tpu.memory_space<semaphore_mem>>
      %dma_start3A_346 = arith.constant 0 : i32
      %dma_start3A_347 = tpu.memref_slice %arg10[%add3A_13, %dma_start3A_346] : memref<10240x64xf32, #tpu.memory_space<vmem_shared>> -> memref<80x64xf32, #tpu.memory_space<vmem_shared>>
      %dma_start3A_348 = arith.constant 0 : i32
      %dma_start3A_349 = tpu.memref_slice %arg10[%add3A_13, %dma_start3A_348] : memref<10240x64xf32, #tpu.memory_space<vmem_shared>> -> memref<80x64xf32, #tpu.memory_space<vmem_shared>>
      tpu.enqueue_dma source(%arg9 : memref<80x64xf32, #tpu.memory_space<vmem>>) target(%dma_start3A_349 : memref<80x64xf32, #tpu.memory_space<vmem_shared>>) target_semaphore(%run_scoped3A : memref<!tpu.dma_semaphore, #tpu.memory_space<semaphore_mem>>)
      %dma_wait3A_350 = arith.constant 0 : i32
      %dma_wait3A_351 = tpu.memref_slice %arg10[%add3A_13, %dma_wait3A_350] : memref<10240x64xf32, #tpu.memory_space<vmem_shared>> -> memref<80x64xf32, #tpu.memory_space<vmem_shared>>
      %dma_wait3A_352 = arith.constant 0 : i32
      %dma_wait3A_353 = tpu.memref_slice %arg10[%add3A_13, %dma_wait3A_352] : memref<10240x64xf32, #tpu.memory_space<vmem_shared>> -> memref<80x64xf32, #tpu.memory_space<vmem_shared>>
      tpu.wait_dma2 semaphore(%run_scoped3A : memref<!tpu.dma_semaphore, #tpu.memory_space<semaphore_mem>>) src(%arg9 : memref<80x64xf32, #tpu.memory_space<vmem>>) dst(%dma_wait3A_353 : memref<80x64xf32, #tpu.memory_space<vmem_shared>>)
      tpu.yield
    }) : () -> ()
    %add3A_14 = arith.constant 320 : i32
    %add3A_15 = arith.addi %mul3A_6, %add3A_14 : i32
    "tpu.region"() ({
      %run_scoped3A = tpu.sem_alloc : memref<!tpu.dma_semaphore, #tpu.memory_space<semaphore_mem>>
      %dma_start3A_346 = arith.constant 0 : i32
      %dma_start3A_347 = tpu.memref_slice %arg10[%add3A_15, %dma_start3A_346] : memref<10240x64xf32, #tpu.memory_space<vmem_shared>> -> memref<80x64xf32, #tpu.memory_space<vmem_shared>>
      %dma_start3A_348 = arith.constant 0 : i32
      %dma_start3A_349 = tpu.memref_slice %arg10[%add3A_15, %dma_start3A_348] : memref<10240x64xf32, #tpu.memory_space<vmem_shared>> -> memref<80x64xf32, #tpu.memory_space<vmem_shared>>
      tpu.enqueue_dma source(%arg9 : memref<80x64xf32, #tpu.memory_space<vmem>>) target(%dma_start3A_349 : memref<80x64xf32, #tpu.memory_space<vmem_shared>>) target_semaphore(%run_scoped3A : memref<!tpu.dma_semaphore, #tpu.memory_space<semaphore_mem>>)
      %dma_wait3A_350 = arith.constant 0 : i32
      %dma_wait3A_351 = tpu.memref_slice %arg10[%add3A_15, %dma_wait3A_350] : memref<10240x64xf32, #tpu.memory_space<vmem_shared>> -> memref<80x64xf32, #tpu.memory_space<vmem_shared>>
      %dma_wait3A_352 = arith.constant 0 : i32
      %dma_wait3A_353 = tpu.memref_slice %arg10[%add3A_15, %dma_wait3A_352] : memref<10240x64xf32, #tpu.memory_space<vmem_shared>> -> memref<80x64xf32, #tpu.memory_space<vmem_shared>>
      tpu.wait_dma2 semaphore(%run_scoped3A : memref<!tpu.dma_semaphore, #tpu.memory_space<semaphore_mem>>) src(%arg9 : memref<80x64xf32, #tpu.memory_space<vmem>>) dst(%dma_wait3A_353 : memref<80x64xf32, #tpu.memory_space<vmem_shared>>)
      tpu.yield
    }) : () -> ()
    %add3A_16 = arith.constant 400 : i32
    %add3A_17 = arith.addi %mul3A_6, %add3A_16 : i32
    "tpu.region"() ({
      %run_scoped3A = tpu.sem_alloc : memref<!tpu.dma_semaphore, #tpu.memory_space<semaphore_mem>>
      %dma_start3A_346 = arith.constant 0 : i32
      %dma_start3A_347 = tpu.memref_slice %arg10[%add3A_17, %dma_start3A_346] : memref<10240x64xf32, #tpu.memory_space<vmem_shared>> -> memref<80x64xf32, #tpu.memory_space<vmem_shared>>
      %dma_start3A_348 = arith.constant 0 : i32
      %dma_start3A_349 = tpu.memref_slice %arg10[%add3A_17, %dma_start3A_348] : memref<10240x64xf32, #tpu.memory_space<vmem_shared>> -> memref<80x64xf32, #tpu.memory_space<vmem_shared>>
      tpu.enqueue_dma source(%arg9 : memref<80x64xf32, #tpu.memory_space<vmem>>) target(%dma_start3A_349 : memref<80x64xf32, #tpu.memory_space<vmem_shared>>) target_semaphore(%run_scoped3A : memref<!tpu.dma_semaphore, #tpu.memory_space<semaphore_mem>>)
      %dma_wait3A_350 = arith.constant 0 : i32
      %dma_wait3A_351 = tpu.memref_slice %arg10[%add3A_17, %dma_wait3A_350] : memref<10240x64xf32, #tpu.memory_space<vmem_shared>> -> memref<80x64xf32, #tpu.memory_space<vmem_shared>>
      %dma_wait3A_352 = arith.constant 0 : i32
      %dma_wait3A_353 = tpu.memref_slice %arg10[%add3A_17, %dma_wait3A_352] : memref<10240x64xf32, #tpu.memory_space<vmem_shared>> -> memref<80x64xf32, #tpu.memory_space<vmem_shared>>
      tpu.wait_dma2 semaphore(%run_scoped3A : memref<!tpu.dma_semaphore, #tpu.memory_space<semaphore_mem>>) src(%arg9 : memref<80x64xf32, #tpu.memory_space<vmem>>) dst(%dma_wait3A_353 : memref<80x64xf32, #tpu.memory_space<vmem_shared>>)
      tpu.yield
    }) : () -> ()
    %add3A_18 = arith.constant 480 : i32
    %add3A_19 = arith.addi %mul3A_6, %add3A_18 : i32
    "tpu.region"() ({
      %run_scoped3A = tpu.sem_alloc : memref<!tpu.dma_semaphore, #tpu.memory_space<semaphore_mem>>
      %dma_start3A_346 = arith.constant 0 : i32
      %dma_start3A_347 = tpu.memref_slice %arg10[%add3A_19, %dma_start3A_346] : memref<10240x64xf32, #tpu.memory_space<vmem_shared>> -> memref<80x64xf32, #tpu.memory_space<vmem_shared>>
      %dma_start3A_348 = arith.constant 0 : i32
      %dma_start3A_349 = tpu.memref_slice %arg10[%add3A_19, %dma_start3A_348] : memref<10240x64xf32, #tpu.memory_space<vmem_shared>> -> memref<80x64xf32, #tpu.memory_space<vmem_shared>>
      tpu.enqueue_dma source(%arg9 : memref<80x64xf32, #tpu.memory_space<vmem>>) target(%dma_start3A_349 : memref<80x64xf32, #tpu.memory_space<vmem_shared>>) target_semaphore(%run_scoped3A : memref<!tpu.dma_semaphore, #tpu.memory_space<semaphore_mem>>)
      %dma_wait3A_350 = arith.constant 0 : i32
      %dma_wait3A_351 = tpu.memref_slice %arg10[%add3A_19, %dma_wait3A_350] : memref<10240x64xf32, #tpu.memory_space<vmem_shared>> -> memref<80x64xf32, #tpu.memory_space<vmem_shared>>
      %dma_wait3A_352 = arith.constant 0 : i32
      %dma_wait3A_353 = tpu.memref_slice %arg10[%add3A_19, %dma_wait3A_352] : memref<10240x64xf32, #tpu.memory_space<vmem_shared>> -> memref<80x64xf32, #tpu.memory_space<vmem_shared>>
      tpu.wait_dma2 semaphore(%run_scoped3A : memref<!tpu.dma_semaphore, #tpu.memory_space<semaphore_mem>>) src(%arg9 : memref<80x64xf32, #tpu.memory_space<vmem>>) dst(%dma_wait3A_353 : memref<80x64xf32, #tpu.memory_space<vmem_shared>>)
      tpu.yield
    }) : () -> ()
    %add3A_20 = arith.constant 560 : i32
    %add3A_21 = arith.addi %mul3A_6, %add3A_20 : i32
    "tpu.region"() ({
      %run_scoped3A = tpu.sem_alloc : memref<!tpu.dma_semaphore, #tpu.memory_space<semaphore_mem>>
      %dma_start3A_346 = arith.constant 0 : i32
      %dma_start3A_347 = tpu.memref_slice %arg10[%add3A_21, %dma_start3A_346] : memref<10240x64xf32, #tpu.memory_space<vmem_shared>> -> memref<80x64xf32, #tpu.memory_space<vmem_shared>>
      %dma_start3A_348 = arith.constant 0 : i32
      %dma_start3A_349 = tpu.memref_slice %arg10[%add3A_21, %dma_start3A_348] : memref<10240x64xf32, #tpu.memory_space<vmem_shared>> -> memref<80x64xf32, #tpu.memory_space<vmem_shared>>
      tpu.enqueue_dma source(%arg9 : memref<80x64xf32, #tpu.memory_space<vmem>>) target(%dma_start3A_349 : memref<80x64xf32, #tpu.memory_space<vmem_shared>>) target_semaphore(%run_scoped3A : memref<!tpu.dma_semaphore, #tpu.memory_space<semaphore_mem>>)
      %dma_wait3A_350 = arith.constant 0 : i32
      %dma_wait3A_351 = tpu.memref_slice %arg10[%add3A_21, %dma_wait3A_350] : memref<10240x64xf32, #tpu.memory_space<vmem_shared>> -> memref<80x64xf32, #tpu.memory_space<vmem_shared>>
      %dma_wait3A_352 = arith.constant 0 : i32
      %dma_wait3A_353 = tpu.memref_slice %arg10[%add3A_21, %dma_wait3A_352] : memref<10240x64xf32, #tpu.memory_space<vmem_shared>> -> memref<80x64xf32, #tpu.memory_space<vmem_shared>>
      tpu.wait_dma2 semaphore(%run_scoped3A : memref<!tpu.dma_semaphore, #tpu.memory_space<semaphore_mem>>) src(%arg9 : memref<80x64xf32, #tpu.memory_space<vmem>>) dst(%dma_wait3A_353 : memref<80x64xf32, #tpu.memory_space<vmem_shared>>)
      tpu.yield
    }) : () -> ()
    %barrier3A = arith.constant 0 : index
    tpu.barrier barrier_id(%barrier3A)
    %mul3A_22 = arith.constant 16 : i32
    %mul3A_23 = arith.muli %arg0, %mul3A_22 : i32
    %add3A_24 = arith.addi %mul3A_23, %arg1 : i32
    "tpu.region"() ({
      %run_scoped3A = tpu.sem_alloc : memref<!tpu.dma_semaphore, #tpu.memory_space<semaphore_mem>>
      %dma_start3A_346 = arith.constant 0 : i32
      %dma_start3A_347 = arith.constant 0 : i32
      %dma_start3A_348 = tpu.memref_slice %arg3[%add3A_24, %dma_start3A_346, %dma_start3A_347] : memref<32x158x128xi32, #tpu.memory_space<hbm>> -> memref<1x158x128xi32, #tpu.memory_space<hbm>>
      %dma_start3A_349 = tpu.memref_squeeze %dma_start3A_348 : memref<1x158x128xi32, #tpu.memory_space<hbm>> -> memref<158x128xi32, #tpu.memory_space<hbm>>
      %dma_start3A_350 = arith.constant 0 : i32
      %dma_start3A_351 = arith.constant 0 : i32
      %dma_start3A_352 = tpu.memref_slice %arg3[%add3A_24, %dma_start3A_350, %dma_start3A_351] : memref<32x158x128xi32, #tpu.memory_space<hbm>> -> memref<1x158x128xi32, #tpu.memory_space<hbm>>
      %dma_start3A_353 = tpu.memref_squeeze %dma_start3A_352 : memref<1x158x128xi32, #tpu.memory_space<hbm>> -> memref<158x128xi32, #tpu.memory_space<hbm>>
      tpu.enqueue_dma source(%dma_start3A_353 : memref<158x128xi32, #tpu.memory_space<hbm>>) target(%arg6 : memref<158x128xi32, #tpu.memory_space<vmem>>) target_semaphore(%run_scoped3A : memref<!tpu.dma_semaphore, #tpu.memory_space<semaphore_mem>>)
      %dma_wait3A_354 = arith.constant 0 : i32
      %dma_wait3A_355 = arith.constant 0 : i32
      %dma_wait3A_356 = tpu.memref_slice %arg3[%add3A_24, %dma_wait3A_354, %dma_wait3A_355] : memref<32x158x128xi32, #tpu.memory_space<hbm>> -> memref<1x158x128xi32, #tpu.memory_space<hbm>>
      %dma_wait3A_357 = tpu.memref_squeeze %dma_wait3A_356 : memref<1x158x128xi32, #tpu.memory_space<hbm>> -> memref<158x128xi32, #tpu.memory_space<hbm>>
      %dma_wait3A_358 = arith.constant 0 : i32
      %dma_wait3A_359 = arith.constant 0 : i32
      %dma_wait3A_360 = tpu.memref_slice %arg3[%add3A_24, %dma_wait3A_358, %dma_wait3A_359] : memref<32x158x128xi32, #tpu.memory_space<hbm>> -> memref<1x158x128xi32, #tpu.memory_space<hbm>>
      %dma_wait3A_361 = tpu.memref_squeeze %dma_wait3A_360 : memref<1x158x128xi32, #tpu.memory_space<hbm>> -> memref<158x128xi32, #tpu.memory_space<hbm>>
      tpu.wait_dma2 semaphore(%run_scoped3A : memref<!tpu.dma_semaphore, #tpu.memory_space<semaphore_mem>>) src(%dma_wait3A_361 : memref<158x128xi32, #tpu.memory_space<hbm>>) dst(%arg6 : memref<158x128xi32, #tpu.memory_space<vmem>>)
      tpu.yield
    }) : () -> ()
    "tpu.region"() ({
      %run_scoped3A = tpu.sem_alloc : memref<!tpu.dma_semaphore, #tpu.memory_space<semaphore_mem>>
      %dma_start3A_346 = arith.constant 0 : i32
      %dma_start3A_347 = arith.constant 0 : i32
      %dma_start3A_348 = tpu.memref_slice %arg4[%arg1, %dma_start3A_346, %dma_start3A_347] : memref<16x158x128xi32, #tpu.memory_space<hbm>> -> memref<1x158x128xi32, #tpu.memory_space<hbm>>
      %dma_start3A_349 = tpu.memref_squeeze %dma_start3A_348 : memref<1x158x128xi32, #tpu.memory_space<hbm>> -> memref<158x128xi32, #tpu.memory_space<hbm>>
      %dma_start3A_350 = arith.constant 0 : i32
      %dma_start3A_351 = arith.constant 0 : i32
      %dma_start3A_352 = tpu.memref_slice %arg4[%arg1, %dma_start3A_350, %dma_start3A_351] : memref<16x158x128xi32, #tpu.memory_space<hbm>> -> memref<1x158x128xi32, #tpu.memory_space<hbm>>
      %dma_start3A_353 = tpu.memref_squeeze %dma_start3A_352 : memref<1x158x128xi32, #tpu.memory_space<hbm>> -> memref<158x128xi32, #tpu.memory_space<hbm>>
      tpu.enqueue_dma source(%dma_start3A_353 : memref<158x128xi32, #tpu.memory_space<hbm>>) target(%arg7 : memref<158x128xi32, #tpu.memory_space<vmem>>) target_semaphore(%run_scoped3A : memref<!tpu.dma_semaphore, #tpu.memory_space<semaphore_mem>>)
      %dma_wait3A_354 = arith.constant 0 : i32
      %dma_wait3A_355 = arith.constant 0 : i32
      %dma_wait3A_356 = tpu.memref_slice %arg4[%arg1, %dma_wait3A_354, %dma_wait3A_355] : memref<16x158x128xi32, #tpu.memory_space<hbm>> -> memref<1x158x128xi32, #tpu.memory_space<hbm>>
      %dma_wait3A_357 = tpu.memref_squeeze %dma_wait3A_356 : memref<1x158x128xi32, #tpu.memory_space<hbm>> -> memref<158x128xi32, #tpu.memory_space<hbm>>
      %dma_wait3A_358 = arith.constant 0 : i32
      %dma_wait3A_359 = arith.constant 0 : i32
      %dma_wait3A_360 = tpu.memref_slice %arg4[%arg1, %dma_wait3A_358, %dma_wait3A_359] : memref<16x158x128xi32, #tpu.memory_space<hbm>> -> memref<1x158x128xi32, #tpu.memory_space<hbm>>
      %dma_wait3A_361 = tpu.memref_squeeze %dma_wait3A_360 : memref<1x158x128xi32, #tpu.memory_space<hbm>> -> memref<158x128xi32, #tpu.memory_space<hbm>>
      tpu.wait_dma2 semaphore(%run_scoped3A : memref<!tpu.dma_semaphore, #tpu.memory_space<semaphore_mem>>) src(%dma_wait3A_361 : memref<158x128xi32, #tpu.memory_space<hbm>>) dst(%arg7 : memref<158x128xi32, #tpu.memory_space<vmem>>)
      tpu.yield
    }) : () -> ()
    %dma_start3A = arith.constant 0 : i32
    %dma_start3A_25 = arith.constant 0 : i32
    %dma_start3A_26 = arith.constant 0 : i32
    %dma_start3A_27 = arith.constant 0 : i32
    %dma_start3A_28 = tpu.memref_slice %arg8[%dma_start3A_25, %dma_start3A_26, %dma_start3A_27] : memref<4x128x64xf32, #tpu.memory_space<vmem>> -> memref<1x128x64xf32, #tpu.memory_space<vmem>>
    %dma_start3A_29 = tpu.memref_squeeze %dma_start3A_28 : memref<1x128x64xf32, #tpu.memory_space<vmem>> -> memref<128x64xf32, #tpu.memory_space<vmem>>
    %dma_start3A_30 = arith.constant 0 : i32
    %dma_start3A_31 = tpu.memref_slice %arg6[%dma_start3A, %dma_start3A_30] : memref<158x128xi32, #tpu.memory_space<vmem>> -> memref<1x128xi32, #tpu.memory_space<vmem>>
    %dma_start3A_32 = tpu.memref_squeeze %dma_start3A_31 : memref<1x128xi32, #tpu.memory_space<vmem>> -> memref<128xi32, #tpu.memory_space<vmem>>
    %dma_start3A_33 = arith.constant 0 : i32
    %dma_start3A_34 = arith.constant 0 : i32
    %dma_start3A_35 = tpu.memref_slice %arg2[%dma_start3A_33, %dma_start3A_34] : memref<20000x64xf32, #tpu.memory_space<hbm>> -> memref<20000x64xf32, #tpu.memory_space<hbm>>
    tpu.enqueue_indirect_dma source(%dma_start3A_35 : memref<20000x64xf32, #tpu.memory_space<hbm>>) target(%dma_start3A_29 : memref<128x64xf32, #tpu.memory_space<vmem>>) offsets(%dma_start3A_32 : memref<128xi32, #tpu.memory_space<vmem>>) semaphore(%arg11 : memref<!tpu.dma_semaphore, #tpu.memory_space<semaphore_mem>>)
    %dma_start3A_36 = arith.constant 1 : i32
    %dma_start3A_37 = arith.constant 1 : i32
    %dma_start3A_38 = arith.constant 0 : i32
    %dma_start3A_39 = arith.constant 0 : i32
    %dma_start3A_40 = tpu.memref_slice %arg8[%dma_start3A_37, %dma_start3A_38, %dma_start3A_39] : memref<4x128x64xf32, #tpu.memory_space<vmem>> -> memref<1x128x64xf32, #tpu.memory_space<vmem>>
    %dma_start3A_41 = tpu.memref_squeeze %dma_start3A_40 : memref<1x128x64xf32, #tpu.memory_space<vmem>> -> memref<128x64xf32, #tpu.memory_space<vmem>>
    %dma_start3A_42 = arith.constant 0 : i32
    %dma_start3A_43 = tpu.memref_slice %arg6[%dma_start3A_36, %dma_start3A_42] : memref<158x128xi32, #tpu.memory_space<vmem>> -> memref<1x128xi32, #tpu.memory_space<vmem>>
    %dma_start3A_44 = tpu.memref_squeeze %dma_start3A_43 : memref<1x128xi32, #tpu.memory_space<vmem>> -> memref<128xi32, #tpu.memory_space<vmem>>
    %dma_start3A_45 = arith.constant 0 : i32
    %dma_start3A_46 = arith.constant 0 : i32
    %dma_start3A_47 = tpu.memref_slice %arg2[%dma_start3A_45, %dma_start3A_46] : memref<20000x64xf32, #tpu.memory_space<hbm>> -> memref<20000x64xf32, #tpu.memory_space<hbm>>
    tpu.enqueue_indirect_dma source(%dma_start3A_47 : memref<20000x64xf32, #tpu.memory_space<hbm>>) target(%dma_start3A_41 : memref<128x64xf32, #tpu.memory_space<vmem>>) offsets(%dma_start3A_44 : memref<128xi32, #tpu.memory_space<vmem>>) semaphore(%arg12 : memref<!tpu.dma_semaphore, #tpu.memory_space<semaphore_mem>>)
    %dma_wait3A = arith.constant 0 : i32
    %dma_wait3A_48 = arith.constant 0 : i32
    %dma_wait3A_49 = arith.constant 0 : i32
    %dma_wait3A_50 = arith.constant 0 : i32
    %dma_wait3A_51 = tpu.memref_slice %arg8[%dma_wait3A_48, %dma_wait3A_49, %dma_wait3A_50] : memref<4x128x64xf32, #tpu.memory_space<vmem>> -> memref<1x128x64xf32, #tpu.memory_space<vmem>>
    %dma_wait3A_52 = tpu.memref_squeeze %dma_wait3A_51 : memref<1x128x64xf32, #tpu.memory_space<vmem>> -> memref<128x64xf32, #tpu.memory_space<vmem>>
    %dma_wait3A_53 = arith.constant 0 : i32
    %dma_wait3A_54 = tpu.memref_slice %arg6[%dma_wait3A, %dma_wait3A_53] : memref<158x128xi32, #tpu.memory_space<vmem>> -> memref<1x128xi32, #tpu.memory_space<vmem>>
    %dma_wait3A_55 = tpu.memref_squeeze %dma_wait3A_54 : memref<1x128xi32, #tpu.memory_space<vmem>> -> memref<128xi32, #tpu.memory_space<vmem>>
    %dma_wait3A_56 = arith.constant 0 : i32
    %dma_wait3A_57 = arith.constant 0 : i32
    %dma_wait3A_58 = tpu.memref_slice %arg2[%dma_wait3A_56, %dma_wait3A_57] : memref<20000x64xf32, #tpu.memory_space<hbm>> -> memref<20000x64xf32, #tpu.memory_space<hbm>>
    tpu.wait_indirect_dma semaphore(%arg11 : memref<!tpu.dma_semaphore, #tpu.memory_space<semaphore_mem>>) src(%dma_wait3A_58 : memref<20000x64xf32, #tpu.memory_space<hbm>>) dst(%dma_wait3A_52 : memref<128x64xf32, #tpu.memory_space<vmem>>)
    %dma_start3A_59 = arith.constant 0 : i32
    %dma_start3A_60 = arith.constant 0 : i32
    %dma_start3A_61 = arith.constant 0 : i32
    %dma_start3A_62 = arith.constant 0 : i32
    %dma_start3A_63 = tpu.memref_slice %arg8[%dma_start3A_59, %dma_start3A_61, %dma_start3A_62] : memref<4x128x64xf32, #tpu.memory_space<vmem>> -> memref<1x128x64xf32, #tpu.memory_space<vmem>>
    %dma_start3A_64 = tpu.memref_squeeze %dma_start3A_63 : memref<1x128x64xf32, #tpu.memory_space<vmem>> -> memref<128x64xf32, #tpu.memory_space<vmem>>
    %dma_start3A_65 = arith.constant 0 : i32
    %dma_start3A_66 = tpu.memref_slice %arg7[%dma_start3A_60, %dma_start3A_65] : memref<158x128xi32, #tpu.memory_space<vmem>> -> memref<1x128xi32, #tpu.memory_space<vmem>>
    %dma_start3A_67 = tpu.memref_squeeze %dma_start3A_66 : memref<1x128xi32, #tpu.memory_space<vmem>> -> memref<128xi32, #tpu.memory_space<vmem>>
    %dma_start3A_68 = arith.constant 0 : i32
    %dma_start3A_69 = arith.constant 0 : i32
    %dma_start3A_70 = tpu.memref_slice %arg10[%dma_start3A_68, %dma_start3A_69] : memref<10240x64xf32, #tpu.memory_space<vmem_shared>> -> memref<10240x64xf32, #tpu.memory_space<vmem_shared>>
    tpu.enqueue_indirect_dma source(%dma_start3A_64 : memref<128x64xf32, #tpu.memory_space<vmem>>) target(%dma_start3A_70 : memref<10240x64xf32, #tpu.memory_space<vmem_shared>>) offsets(%dma_start3A_67 : memref<128xi32, #tpu.memory_space<vmem>>) semaphore(%arg15 : memref<!tpu.dma_semaphore, #tpu.memory_space<semaphore_mem>>) {add = true}
    %dma_start3A_71 = arith.constant 2 : i32
    %dma_start3A_72 = arith.constant 2 : i32
    %dma_start3A_73 = arith.constant 0 : i32
    %dma_start3A_74 = arith.constant 0 : i32
    %dma_start3A_75 = tpu.memref_slice %arg8[%dma_start3A_72, %dma_start3A_73, %dma_start3A_74] : memref<4x128x64xf32, #tpu.memory_space<vmem>> -> memref<1x128x64xf32, #tpu.memory_space<vmem>>
    %dma_start3A_76 = tpu.memref_squeeze %dma_start3A_75 : memref<1x128x64xf32, #tpu.memory_space<vmem>> -> memref<128x64xf32, #tpu.memory_space<vmem>>
    %dma_start3A_77 = arith.constant 0 : i32
    %dma_start3A_78 = tpu.memref_slice %arg6[%dma_start3A_71, %dma_start3A_77] : memref<158x128xi32, #tpu.memory_space<vmem>> -> memref<1x128xi32, #tpu.memory_space<vmem>>
    %dma_start3A_79 = tpu.memref_squeeze %dma_start3A_78 : memref<1x128xi32, #tpu.memory_space<vmem>> -> memref<128xi32, #tpu.memory_space<vmem>>
    %dma_start3A_80 = arith.constant 0 : i32
    %dma_start3A_81 = arith.constant 0 : i32
    %dma_start3A_82 = tpu.memref_slice %arg2[%dma_start3A_80, %dma_start3A_81] : memref<20000x64xf32, #tpu.memory_space<hbm>> -> memref<20000x64xf32, #tpu.memory_space<hbm>>
    tpu.enqueue_indirect_dma source(%dma_start3A_82 : memref<20000x64xf32, #tpu.memory_space<hbm>>) target(%dma_start3A_76 : memref<128x64xf32, #tpu.memory_space<vmem>>) offsets(%dma_start3A_79 : memref<128xi32, #tpu.memory_space<vmem>>) semaphore(%arg13 : memref<!tpu.dma_semaphore, #tpu.memory_space<semaphore_mem>>)
    %dma_wait3A_83 = arith.constant 1 : i32
    %dma_wait3A_84 = arith.constant 1 : i32
    %dma_wait3A_85 = arith.constant 0 : i32
    %dma_wait3A_86 = arith.constant 0 : i32
    %dma_wait3A_87 = tpu.memref_slice %arg8[%dma_wait3A_84, %dma_wait3A_85, %dma_wait3A_86] : memref<4x128x64xf32, #tpu.memory_space<vmem>> -> memref<1x128x64xf32, #tpu.memory_space<vmem>>
    %dma_wait3A_88 = tpu.memref_squeeze %dma_wait3A_87 : memref<1x128x64xf32, #tpu.memory_space<vmem>> -> memref<128x64xf32, #tpu.memory_space<vmem>>
    %dma_wait3A_89 = arith.constant 0 : i32
    %dma_wait3A_90 = tpu.memref_slice %arg6[%dma_wait3A_83, %dma_wait3A_89] : memref<158x128xi32, #tpu.memory_space<vmem>> -> memref<1x128xi32, #tpu.memory_space<vmem>>
    %dma_wait3A_91 = tpu.memref_squeeze %dma_wait3A_90 : memref<1x128xi32, #tpu.memory_space<vmem>> -> memref<128xi32, #tpu.memory_space<vmem>>
    %dma_wait3A_92 = arith.constant 0 : i32
    %dma_wait3A_93 = arith.constant 0 : i32
    %dma_wait3A_94 = tpu.memref_slice %arg2[%dma_wait3A_92, %dma_wait3A_93] : memref<20000x64xf32, #tpu.memory_space<hbm>> -> memref<20000x64xf32, #tpu.memory_space<hbm>>
    tpu.wait_indirect_dma semaphore(%arg12 : memref<!tpu.dma_semaphore, #tpu.memory_space<semaphore_mem>>) src(%dma_wait3A_94 : memref<20000x64xf32, #tpu.memory_space<hbm>>) dst(%dma_wait3A_88 : memref<128x64xf32, #tpu.memory_space<vmem>>)
    %dma_start3A_95 = arith.constant 1 : i32
    %dma_start3A_96 = arith.constant 1 : i32
    %dma_start3A_97 = arith.constant 0 : i32
    %dma_start3A_98 = arith.constant 0 : i32
    %dma_start3A_99 = tpu.memref_slice %arg8[%dma_start3A_95, %dma_start3A_97, %dma_start3A_98] : memref<4x128x64xf32, #tpu.memory_space<vmem>> -> memref<1x128x64xf32, #tpu.memory_space<vmem>>
    %dma_start3A_100 = tpu.memref_squeeze %dma_start3A_99 : memref<1x128x64xf32, #tpu.memory_space<vmem>> -> memref<128x64xf32, #tpu.memory_space<vmem>>
    %dma_start3A_101 = arith.constant 0 : i32
    %dma_start3A_102 = tpu.memref_slice %arg7[%dma_start3A_96, %dma_start3A_101] : memref<158x128xi32, #tpu.memory_space<vmem>> -> memref<1x128xi32, #tpu.memory_space<vmem>>
    %dma_start3A_103 = tpu.memref_squeeze %dma_start3A_102 : memref<1x128xi32, #tpu.memory_space<vmem>> -> memref<128xi32, #tpu.memory_space<vmem>>
    %dma_start3A_104 = arith.constant 0 : i32
    %dma_start3A_105 = arith.constant 0 : i32
    %dma_start3A_106 = tpu.memref_slice %arg10[%dma_start3A_104, %dma_start3A_105] : memref<10240x64xf32, #tpu.memory_space<vmem_shared>> -> memref<10240x64xf32, #tpu.memory_space<vmem_shared>>
    tpu.enqueue_indirect_dma source(%dma_start3A_100 : memref<128x64xf32, #tpu.memory_space<vmem>>) target(%dma_start3A_106 : memref<10240x64xf32, #tpu.memory_space<vmem_shared>>) offsets(%dma_start3A_103 : memref<128xi32, #tpu.memory_space<vmem>>) semaphore(%arg16 : memref<!tpu.dma_semaphore, #tpu.memory_space<semaphore_mem>>) {add = true}
    %dma_start3A_107 = arith.constant 3 : i32
    %dma_start3A_108 = arith.constant 3 : i32
    %dma_start3A_109 = arith.constant 0 : i32
    %dma_start3A_110 = arith.constant 0 : i32
    %dma_start3A_111 = tpu.memref_slice %arg8[%dma_start3A_108, %dma_start3A_109, %dma_start3A_110] : memref<4x128x64xf32, #tpu.memory_space<vmem>> -> memref<1x128x64xf32, #tpu.memory_space<vmem>>
    %dma_start3A_112 = tpu.memref_squeeze %dma_start3A_111 : memref<1x128x64xf32, #tpu.memory_space<vmem>> -> memref<128x64xf32, #tpu.memory_space<vmem>>
    %dma_start3A_113 = arith.constant 0 : i32
    %dma_start3A_114 = tpu.memref_slice %arg6[%dma_start3A_107, %dma_start3A_113] : memref<158x128xi32, #tpu.memory_space<vmem>> -> memref<1x128xi32, #tpu.memory_space<vmem>>
    %dma_start3A_115 = tpu.memref_squeeze %dma_start3A_114 : memref<1x128xi32, #tpu.memory_space<vmem>> -> memref<128xi32, #tpu.memory_space<vmem>>
    %dma_start3A_116 = arith.constant 0 : i32
    %dma_start3A_117 = arith.constant 0 : i32
    %dma_start3A_118 = tpu.memref_slice %arg2[%dma_start3A_116, %dma_start3A_117] : memref<20000x64xf32, #tpu.memory_space<hbm>> -> memref<20000x64xf32, #tpu.memory_space<hbm>>
    tpu.enqueue_indirect_dma source(%dma_start3A_118 : memref<20000x64xf32, #tpu.memory_space<hbm>>) target(%dma_start3A_112 : memref<128x64xf32, #tpu.memory_space<vmem>>) offsets(%dma_start3A_115 : memref<128xi32, #tpu.memory_space<vmem>>) semaphore(%arg14 : memref<!tpu.dma_semaphore, #tpu.memory_space<semaphore_mem>>)
    %scan3A_119 = arith.constant 0 : i32
    %scan3A_120 = arith.constant 0 : i32
    %scan3A_121 = arith.constant 38 : i32
    %scan3A_122 = arith.addi %scan3A_120, %scan3A_121 : i32
    %scan3A_123 = arith.constant 1 : i32
    scf.for %scan3A_346 = %scan3A_120 to %scan3A_122 step %scan3A_123  : i32 {
      %mul3A_347 = arith.constant 4 : i32
      %mul3A_348 = arith.muli %scan3A_346, %mul3A_347 : i32
      %add3A_349 = arith.constant 2 : i32
      %add3A_350 = arith.addi %mul3A_348, %add3A_349 : i32
      %add3A_351 = arith.constant 0 : i32
      %add3A_352 = arith.addi %add3A_350, %add3A_351 : i32
      %dma_wait3A_353 = arith.constant 2 : i32
      %dma_wait3A_354 = arith.constant 0 : i32
      %dma_wait3A_355 = arith.constant 0 : i32
      %dma_wait3A_356 = tpu.memref_slice %arg8[%dma_wait3A_353, %dma_wait3A_354, %dma_wait3A_355] : memref<4x128x64xf32, #tpu.memory_space<vmem>> -> memref<1x128x64xf32, #tpu.memory_space<vmem>>
      %dma_wait3A_357 = tpu.memref_squeeze %dma_wait3A_356 : memref<1x128x64xf32, #tpu.memory_space<vmem>> -> memref<128x64xf32, #tpu.memory_space<vmem>>
      %dma_wait3A_358 = arith.constant 0 : i32
      %dma_wait3A_359 = tpu.memref_slice %arg6[%add3A_352, %dma_wait3A_358] : memref<158x128xi32, #tpu.memory_space<vmem>> -> memref<1x128xi32, #tpu.memory_space<vmem>>
      %dma_wait3A_360 = tpu.memref_squeeze %dma_wait3A_359 : memref<1x128xi32, #tpu.memory_space<vmem>> -> memref<128xi32, #tpu.memory_space<vmem>>
      %dma_wait3A_361 = arith.constant 0 : i32
      %dma_wait3A_362 = arith.constant 0 : i32
      %dma_wait3A_363 = tpu.memref_slice %arg2[%dma_wait3A_361, %dma_wait3A_362] : memref<20000x64xf32, #tpu.memory_space<hbm>> -> memref<20000x64xf32, #tpu.memory_space<hbm>>
      tpu.wait_indirect_dma semaphore(%arg13 : memref<!tpu.dma_semaphore, #tpu.memory_space<semaphore_mem>>) src(%dma_wait3A_363 : memref<20000x64xf32, #tpu.memory_space<hbm>>) dst(%dma_wait3A_357 : memref<128x64xf32, #tpu.memory_space<vmem>>)
      %dma_start3A_364 = arith.constant 2 : i32
      %dma_start3A_365 = arith.constant 0 : i32
      %dma_start3A_366 = arith.constant 0 : i32
      %dma_start3A_367 = tpu.memref_slice %arg8[%dma_start3A_364, %dma_start3A_365, %dma_start3A_366] : memref<4x128x64xf32, #tpu.memory_space<vmem>> -> memref<1x128x64xf32, #tpu.memory_space<vmem>>
      %dma_start3A_368 = tpu.memref_squeeze %dma_start3A_367 : memref<1x128x64xf32, #tpu.memory_space<vmem>> -> memref<128x64xf32, #tpu.memory_space<vmem>>
      %dma_start3A_369 = arith.constant 0 : i32
      %dma_start3A_370 = tpu.memref_slice %arg7[%add3A_352, %dma_start3A_369] : memref<158x128xi32, #tpu.memory_space<vmem>> -> memref<1x128xi32, #tpu.memory_space<vmem>>
      %dma_start3A_371 = tpu.memref_squeeze %dma_start3A_370 : memref<1x128xi32, #tpu.memory_space<vmem>> -> memref<128xi32, #tpu.memory_space<vmem>>
      %dma_start3A_372 = arith.constant 0 : i32
      %dma_start3A_373 = arith.constant 0 : i32
      %dma_start3A_374 = tpu.memref_slice %arg10[%dma_start3A_372, %dma_start3A_373] : memref<10240x64xf32, #tpu.memory_space<vmem_shared>> -> memref<10240x64xf32, #tpu.memory_space<vmem_shared>>
      tpu.enqueue_indirect_dma source(%dma_start3A_368 : memref<128x64xf32, #tpu.memory_space<vmem>>) target(%dma_start3A_374 : memref<10240x64xf32, #tpu.memory_space<vmem_shared>>) offsets(%dma_start3A_371 : memref<128xi32, #tpu.memory_space<vmem>>) semaphore(%arg17 : memref<!tpu.dma_semaphore, #tpu.memory_space<semaphore_mem>>) {add = true}
      %sub3A_375 = arith.constant 2 : i32
      %sub3A_376 = arith.subi %add3A_352, %sub3A_375 : i32
      %dma_wait3A_377 = arith.constant 0 : i32
      %dma_wait3A_378 = arith.constant 0 : i32
      %dma_wait3A_379 = arith.constant 0 : i32
      %dma_wait3A_380 = tpu.memref_slice %arg8[%dma_wait3A_377, %dma_wait3A_378, %dma_wait3A_379] : memref<4x128x64xf32, #tpu.memory_space<vmem>> -> memref<1x128x64xf32, #tpu.memory_space<vmem>>
      %dma_wait3A_381 = tpu.memref_squeeze %dma_wait3A_380 : memref<1x128x64xf32, #tpu.memory_space<vmem>> -> memref<128x64xf32, #tpu.memory_space<vmem>>
      %dma_wait3A_382 = arith.constant 0 : i32
      %dma_wait3A_383 = tpu.memref_slice %arg7[%sub3A_376, %dma_wait3A_382] : memref<158x128xi32, #tpu.memory_space<vmem>> -> memref<1x128xi32, #tpu.memory_space<vmem>>
      %dma_wait3A_384 = tpu.memref_squeeze %dma_wait3A_383 : memref<1x128xi32, #tpu.memory_space<vmem>> -> memref<128xi32, #tpu.memory_space<vmem>>
      %dma_wait3A_385 = arith.constant 0 : i32
      %dma_wait3A_386 = arith.constant 0 : i32
      %dma_wait3A_387 = tpu.memref_slice %arg10[%dma_wait3A_385, %dma_wait3A_386] : memref<10240x64xf32, #tpu.memory_space<vmem_shared>> -> memref<10240x64xf32, #tpu.memory_space<vmem_shared>>
      tpu.wait_indirect_dma semaphore(%arg15 : memref<!tpu.dma_semaphore, #tpu.memory_space<semaphore_mem>>) src(%dma_wait3A_381 : memref<128x64xf32, #tpu.memory_space<vmem>>) dst(%dma_wait3A_387 : memref<10240x64xf32, #tpu.memory_space<vmem_shared>>)
      %add3A_388 = arith.constant 2 : i32
      %add3A_389 = arith.addi %add3A_352, %add3A_388 : i32
      %dma_start3A_390 = arith.constant 0 : i32
      %dma_start3A_391 = arith.constant 0 : i32
      %dma_start3A_392 = arith.constant 0 : i32
      %dma_start3A_393 = tpu.memref_slice %arg8[%dma_start3A_390, %dma_start3A_391, %dma_start3A_392] : memref<4x128x64xf32, #tpu.memory_space<vmem>> -> memref<1x128x64xf32, #tpu.memory_space<vmem>>
      %dma_start3A_394 = tpu.memref_squeeze %dma_start3A_393 : memref<1x128x64xf32, #tpu.memory_space<vmem>> -> memref<128x64xf32, #tpu.memory_space<vmem>>
      %dma_start3A_395 = arith.constant 0 : i32
      %dma_start3A_396 = tpu.memref_slice %arg6[%add3A_389, %dma_start3A_395] : memref<158x128xi32, #tpu.memory_space<vmem>> -> memref<1x128xi32, #tpu.memory_space<vmem>>
      %dma_start3A_397 = tpu.memref_squeeze %dma_start3A_396 : memref<1x128xi32, #tpu.memory_space<vmem>> -> memref<128xi32, #tpu.memory_space<vmem>>
      %dma_start3A_398 = arith.constant 0 : i32
      %dma_start3A_399 = arith.constant 0 : i32
      %dma_start3A_400 = tpu.memref_slice %arg2[%dma_start3A_398, %dma_start3A_399] : memref<20000x64xf32, #tpu.memory_space<hbm>> -> memref<20000x64xf32, #tpu.memory_space<hbm>>
      tpu.enqueue_indirect_dma source(%dma_start3A_400 : memref<20000x64xf32, #tpu.memory_space<hbm>>) target(%dma_start3A_394 : memref<128x64xf32, #tpu.memory_space<vmem>>) offsets(%dma_start3A_397 : memref<128xi32, #tpu.memory_space<vmem>>) semaphore(%arg11 : memref<!tpu.dma_semaphore, #tpu.memory_space<semaphore_mem>>)
      %mul3A_401 = arith.constant 4 : i32
      %mul3A_402 = arith.muli %scan3A_346, %mul3A_401 : i32
      %add3A_403 = arith.constant 2 : i32
      %add3A_404 = arith.addi %mul3A_402, %add3A_403 : i32
      %add3A_405 = arith.constant 1 : i32
      %add3A_406 = arith.addi %add3A_404, %add3A_405 : i32
      %dma_wait3A_407 = arith.constant 3 : i32
      %dma_wait3A_408 = arith.constant 0 : i32
      %dma_wait3A_409 = arith.constant 0 : i32
      %dma_wait3A_410 = tpu.memref_slice %arg8[%dma_wait3A_407, %dma_wait3A_408, %dma_wait3A_409] : memref<4x128x64xf32, #tpu.memory_space<vmem>> -> memref<1x128x64xf32, #tpu.memory_space<vmem>>
      %dma_wait3A_411 = tpu.memref_squeeze %dma_wait3A_410 : memref<1x128x64xf32, #tpu.memory_space<vmem>> -> memref<128x64xf32, #tpu.memory_space<vmem>>
      %dma_wait3A_412 = arith.constant 0 : i32
      %dma_wait3A_413 = tpu.memref_slice %arg6[%add3A_406, %dma_wait3A_412] : memref<158x128xi32, #tpu.memory_space<vmem>> -> memref<1x128xi32, #tpu.memory_space<vmem>>
      %dma_wait3A_414 = tpu.memref_squeeze %dma_wait3A_413 : memref<1x128xi32, #tpu.memory_space<vmem>> -> memref<128xi32, #tpu.memory_space<vmem>>
      %dma_wait3A_415 = arith.constant 0 : i32
      %dma_wait3A_416 = arith.constant 0 : i32
      %dma_wait3A_417 = tpu.memref_slice %arg2[%dma_wait3A_415, %dma_wait3A_416] : memref<20000x64xf32, #tpu.memory_space<hbm>> -> memref<20000x64xf32, #tpu.memory_space<hbm>>
      tpu.wait_indirect_dma semaphore(%arg14 : memref<!tpu.dma_semaphore, #tpu.memory_space<semaphore_mem>>) src(%dma_wait3A_417 : memref<20000x64xf32, #tpu.memory_space<hbm>>) dst(%dma_wait3A_411 : memref<128x64xf32, #tpu.memory_space<vmem>>)
      %dma_start3A_418 = arith.constant 3 : i32
      %dma_start3A_419 = arith.constant 0 : i32
      %dma_start3A_420 = arith.constant 0 : i32
      %dma_start3A_421 = tpu.memref_slice %arg8[%dma_start3A_418, %dma_start3A_419, %dma_start3A_420] : memref<4x128x64xf32, #tpu.memory_space<vmem>> -> memref<1x128x64xf32, #tpu.memory_space<vmem>>
      %dma_start3A_422 = tpu.memref_squeeze %dma_start3A_421 : memref<1x128x64xf32, #tpu.memory_space<vmem>> -> memref<128x64xf32, #tpu.memory_space<vmem>>
      %dma_start3A_423 = arith.constant 0 : i32
      %dma_start3A_424 = tpu.memref_slice %arg7[%add3A_406, %dma_start3A_423] : memref<158x128xi32, #tpu.memory_space<vmem>> -> memref<1x128xi32, #tpu.memory_space<vmem>>
      %dma_start3A_425 = tpu.memref_squeeze %dma_start3A_424 : memref<1x128xi32, #tpu.memory_space<vmem>> -> memref<128xi32, #tpu.memory_space<vmem>>
      %dma_start3A_426 = arith.constant 0 : i32
      %dma_start3A_427 = arith.constant 0 : i32
      %dma_start3A_428 = tpu.memref_slice %arg10[%dma_start3A_426, %dma_start3A_427] : memref<10240x64xf32, #tpu.memory_space<vmem_shared>> -> memref<10240x64xf32, #tpu.memory_space<vmem_shared>>
      tpu.enqueue_indirect_dma source(%dma_start3A_422 : memref<128x64xf32, #tpu.memory_space<vmem>>) target(%dma_start3A_428 : memref<10240x64xf32, #tpu.memory_space<vmem_shared>>) offsets(%dma_start3A_425 : memref<128xi32, #tpu.memory_space<vmem>>) semaphore(%arg18 : memref<!tpu.dma_semaphore, #tpu.memory_space<semaphore_mem>>) {add = true}
      %sub3A_429 = arith.constant 2 : i32
      %sub3A_430 = arith.subi %add3A_406, %sub3A_429 : i32
      %dma_wait3A_431 = arith.constant 1 : i32
      %dma_wait3A_432 = arith.constant 0 : i32
      %dma_wait3A_433 = arith.constant 0 : i32
      %dma_wait3A_434 = tpu.memref_slice %arg8[%dma_wait3A_431, %dma_wait3A_432, %dma_wait3A_433] : memref<4x128x64xf32, #tpu.memory_space<vmem>> -> memref<1x128x64xf32, #tpu.memory_space<vmem>>
      %dma_wait3A_435 = tpu.memref_squeeze %dma_wait3A_434 : memref<1x128x64xf32, #tpu.memory_space<vmem>> -> memref<128x64xf32, #tpu.memory_space<vmem>>
      %dma_wait3A_436 = arith.constant 0 : i32
      %dma_wait3A_437 = tpu.memref_slice %arg7[%sub3A_430, %dma_wait3A_436] : memref<158x128xi32, #tpu.memory_space<vmem>> -> memref<1x128xi32, #tpu.memory_space<vmem>>
      %dma_wait3A_438 = tpu.memref_squeeze %dma_wait3A_437 : memref<1x128xi32, #tpu.memory_space<vmem>> -> memref<128xi32, #tpu.memory_space<vmem>>
      %dma_wait3A_439 = arith.constant 0 : i32
      %dma_wait3A_440 = arith.constant 0 : i32
      %dma_wait3A_441 = tpu.memref_slice %arg10[%dma_wait3A_439, %dma_wait3A_440] : memref<10240x64xf32, #tpu.memory_space<vmem_shared>> -> memref<10240x64xf32, #tpu.memory_space<vmem_shared>>
      tpu.wait_indirect_dma semaphore(%arg16 : memref<!tpu.dma_semaphore, #tpu.memory_space<semaphore_mem>>) src(%dma_wait3A_435 : memref<128x64xf32, #tpu.memory_space<vmem>>) dst(%dma_wait3A_441 : memref<10240x64xf32, #tpu.memory_space<vmem_shared>>)
      %add3A_442 = arith.constant 2 : i32
      %add3A_443 = arith.addi %add3A_406, %add3A_442 : i32
      %dma_start3A_444 = arith.constant 1 : i32
      %dma_start3A_445 = arith.constant 0 : i32
      %dma_start3A_446 = arith.constant 0 : i32
      %dma_start3A_447 = tpu.memref_slice %arg8[%dma_start3A_444, %dma_start3A_445, %dma_start3A_446] : memref<4x128x64xf32, #tpu.memory_space<vmem>> -> memref<1x128x64xf32, #tpu.memory_space<vmem>>
      %dma_start3A_448 = tpu.memref_squeeze %dma_start3A_447 : memref<1x128x64xf32, #tpu.memory_space<vmem>> -> memref<128x64xf32, #tpu.memory_space<vmem>>
      %dma_start3A_449 = arith.constant 0 : i32
      %dma_start3A_450 = tpu.memref_slice %arg6[%add3A_443, %dma_start3A_449] : memref<158x128xi32, #tpu.memory_space<vmem>> -> memref<1x128xi32, #tpu.memory_space<vmem>>
      %dma_start3A_451 = tpu.memref_squeeze %dma_start3A_450 : memref<1x128xi32, #tpu.memory_space<vmem>> -> memref<128xi32, #tpu.memory_space<vmem>>
      %dma_start3A_452 = arith.constant 0 : i32
      %dma_start3A_453 = arith.constant 0 : i32
      %dma_start3A_454 = tpu.memref_slice %arg2[%dma_start3A_452, %dma_start3A_453] : memref<20000x64xf32, #tpu.memory_space<hbm>> -> memref<20000x64xf32, #tpu.memory_space<hbm>>
      tpu.enqueue_indirect_dma source(%dma_start3A_454 : memref<20000x64xf32, #tpu.memory_space<hbm>>) target(%dma_start3A_448 : memref<128x64xf32, #tpu.memory_space<vmem>>) offsets(%dma_start3A_451 : memref<128xi32, #tpu.memory_space<vmem>>) semaphore(%arg12 : memref<!tpu.dma_semaphore, #tpu.memory_space<semaphore_mem>>)
      %mul3A_455 = arith.constant 4 : i32
      %mul3A_456 = arith.muli %scan3A_346, %mul3A_455 : i32
      %add3A_457 = arith.constant 2 : i32
      %add3A_458 = arith.addi %mul3A_456, %add3A_457 : i32
      %add3A_459 = arith.constant 2 : i32
      %add3A_460 = arith.addi %add3A_458, %add3A_459 : i32
      %dma_wait3A_461 = arith.constant 0 : i32
      %dma_wait3A_462 = arith.constant 0 : i32
      %dma_wait3A_463 = arith.constant 0 : i32
      %dma_wait3A_464 = tpu.memref_slice %arg8[%dma_wait3A_461, %dma_wait3A_462, %dma_wait3A_463] : memref<4x128x64xf32, #tpu.memory_space<vmem>> -> memref<1x128x64xf32, #tpu.memory_space<vmem>>
      %dma_wait3A_465 = tpu.memref_squeeze %dma_wait3A_464 : memref<1x128x64xf32, #tpu.memory_space<vmem>> -> memref<128x64xf32, #tpu.memory_space<vmem>>
      %dma_wait3A_466 = arith.constant 0 : i32
      %dma_wait3A_467 = tpu.memref_slice %arg6[%add3A_460, %dma_wait3A_466] : memref<158x128xi32, #tpu.memory_space<vmem>> -> memref<1x128xi32, #tpu.memory_space<vmem>>
      %dma_wait3A_468 = tpu.memref_squeeze %dma_wait3A_467 : memref<1x128xi32, #tpu.memory_space<vmem>> -> memref<128xi32, #tpu.memory_space<vmem>>
      %dma_wait3A_469 = arith.constant 0 : i32
      %dma_wait3A_470 = arith.constant 0 : i32
      %dma_wait3A_471 = tpu.memref_slice %arg2[%dma_wait3A_469, %dma_wait3A_470] : memref<20000x64xf32, #tpu.memory_space<hbm>> -> memref<20000x64xf32, #tpu.memory_space<hbm>>
      tpu.wait_indirect_dma semaphore(%arg11 : memref<!tpu.dma_semaphore, #tpu.memory_space<semaphore_mem>>) src(%dma_wait3A_471 : memref<20000x64xf32, #tpu.memory_space<hbm>>) dst(%dma_wait3A_465 : memref<128x64xf32, #tpu.memory_space<vmem>>)
      %dma_start3A_472 = arith.constant 0 : i32
      %dma_start3A_473 = arith.constant 0 : i32
      %dma_start3A_474 = arith.constant 0 : i32
      %dma_start3A_475 = tpu.memref_slice %arg8[%dma_start3A_472, %dma_start3A_473, %dma_start3A_474] : memref<4x128x64xf32, #tpu.memory_space<vmem>> -> memref<1x128x64xf32, #tpu.memory_space<vmem>>
      %dma_start3A_476 = tpu.memref_squeeze %dma_start3A_475 : memref<1x128x64xf32, #tpu.memory_space<vmem>> -> memref<128x64xf32, #tpu.memory_space<vmem>>
      %dma_start3A_477 = arith.constant 0 : i32
      %dma_start3A_478 = tpu.memref_slice %arg7[%add3A_460, %dma_start3A_477] : memref<158x128xi32, #tpu.memory_space<vmem>> -> memref<1x128xi32, #tpu.memory_space<vmem>>
      %dma_start3A_479 = tpu.memref_squeeze %dma_start3A_478 : memref<1x128xi32, #tpu.memory_space<vmem>> -> memref<128xi32, #tpu.memory_space<vmem>>
      %dma_start3A_480 = arith.constant 0 : i32
      %dma_start3A_481 = arith.constant 0 : i32
      %dma_start3A_482 = tpu.memref_slice %arg10[%dma_start3A_480, %dma_start3A_481] : memref<10240x64xf32, #tpu.memory_space<vmem_shared>> -> memref<10240x64xf32, #tpu.memory_space<vmem_shared>>
      tpu.enqueue_indirect_dma source(%dma_start3A_476 : memref<128x64xf32, #tpu.memory_space<vmem>>) target(%dma_start3A_482 : memref<10240x64xf32, #tpu.memory_space<vmem_shared>>) offsets(%dma_start3A_479 : memref<128xi32, #tpu.memory_space<vmem>>) semaphore(%arg15 : memref<!tpu.dma_semaphore, #tpu.memory_space<semaphore_mem>>) {add = true}
      %sub3A_483 = arith.constant 2 : i32
      %sub3A_484 = arith.subi %add3A_460, %sub3A_483 : i32
      %dma_wait3A_485 = arith.constant 2 : i32
      %dma_wait3A_486 = arith.constant 0 : i32
      %dma_wait3A_487 = arith.constant 0 : i32
      %dma_wait3A_488 = tpu.memref_slice %arg8[%dma_wait3A_485, %dma_wait3A_486, %dma_wait3A_487] : memref<4x128x64xf32, #tpu.memory_space<vmem>> -> memref<1x128x64xf32, #tpu.memory_space<vmem>>
      %dma_wait3A_489 = tpu.memref_squeeze %dma_wait3A_488 : memref<1x128x64xf32, #tpu.memory_space<vmem>> -> memref<128x64xf32, #tpu.memory_space<vmem>>
      %dma_wait3A_490 = arith.constant 0 : i32
      %dma_wait3A_491 = tpu.memref_slice %arg7[%sub3A_484, %dma_wait3A_490] : memref<158x128xi32, #tpu.memory_space<vmem>> -> memref<1x128xi32, #tpu.memory_space<vmem>>
      %dma_wait3A_492 = tpu.memref_squeeze %dma_wait3A_491 : memref<1x128xi32, #tpu.memory_space<vmem>> -> memref<128xi32, #tpu.memory_space<vmem>>
      %dma_wait3A_493 = arith.constant 0 : i32
      %dma_wait3A_494 = arith.constant 0 : i32
      %dma_wait3A_495 = tpu.memref_slice %arg10[%dma_wait3A_493, %dma_wait3A_494] : memref<10240x64xf32, #tpu.memory_space<vmem_shared>> -> memref<10240x64xf32, #tpu.memory_space<vmem_shared>>
      tpu.wait_indirect_dma semaphore(%arg17 : memref<!tpu.dma_semaphore, #tpu.memory_space<semaphore_mem>>) src(%dma_wait3A_489 : memref<128x64xf32, #tpu.memory_space<vmem>>) dst(%dma_wait3A_495 : memref<10240x64xf32, #tpu.memory_space<vmem_shared>>)
      %add3A_496 = arith.constant 2 : i32
      %add3A_497 = arith.addi %add3A_460, %add3A_496 : i32
      %dma_start3A_498 = arith.constant 2 : i32
      %dma_start3A_499 = arith.constant 0 : i32
      %dma_start3A_500 = arith.constant 0 : i32
      %dma_start3A_501 = tpu.memref_slice %arg8[%dma_start3A_498, %dma_start3A_499, %dma_start3A_500] : memref<4x128x64xf32, #tpu.memory_space<vmem>> -> memref<1x128x64xf32, #tpu.memory_space<vmem>>
      %dma_start3A_502 = tpu.memref_squeeze %dma_start3A_501 : memref<1x128x64xf32, #tpu.memory_space<vmem>> -> memref<128x64xf32, #tpu.memory_space<vmem>>
      %dma_start3A_503 = arith.constant 0 : i32
      %dma_start3A_504 = tpu.memref_slice %arg6[%add3A_497, %dma_start3A_503] : memref<158x128xi32, #tpu.memory_space<vmem>> -> memref<1x128xi32, #tpu.memory_space<vmem>>
      %dma_start3A_505 = tpu.memref_squeeze %dma_start3A_504 : memref<1x128xi32, #tpu.memory_space<vmem>> -> memref<128xi32, #tpu.memory_space<vmem>>
      %dma_start3A_506 = arith.constant 0 : i32
      %dma_start3A_507 = arith.constant 0 : i32
      %dma_start3A_508 = tpu.memref_slice %arg2[%dma_start3A_506, %dma_start3A_507] : memref<20000x64xf32, #tpu.memory_space<hbm>> -> memref<20000x64xf32, #tpu.memory_space<hbm>>
      tpu.enqueue_indirect_dma source(%dma_start3A_508 : memref<20000x64xf32, #tpu.memory_space<hbm>>) target(%dma_start3A_502 : memref<128x64xf32, #tpu.memory_space<vmem>>) offsets(%dma_start3A_505 : memref<128xi32, #tpu.memory_space<vmem>>) semaphore(%arg13 : memref<!tpu.dma_semaphore, #tpu.memory_space<semaphore_mem>>)
      %mul3A_509 = arith.constant 4 : i32
      %mul3A_510 = arith.muli %scan3A_346, %mul3A_509 : i32
      %add3A_511 = arith.constant 2 : i32
      %add3A_512 = arith.addi %mul3A_510, %add3A_511 : i32
      %add3A_513 = arith.constant 3 : i32
      %add3A_514 = arith.addi %add3A_512, %add3A_513 : i32
      %dma_wait3A_515 = arith.constant 1 : i32
      %dma_wait3A_516 = arith.constant 0 : i32
      %dma_wait3A_517 = arith.constant 0 : i32
      %dma_wait3A_518 = tpu.memref_slice %arg8[%dma_wait3A_515, %dma_wait3A_516, %dma_wait3A_517] : memref<4x128x64xf32, #tpu.memory_space<vmem>> -> memref<1x128x64xf32, #tpu.memory_space<vmem>>
      %dma_wait3A_519 = tpu.memref_squeeze %dma_wait3A_518 : memref<1x128x64xf32, #tpu.memory_space<vmem>> -> memref<128x64xf32, #tpu.memory_space<vmem>>
      %dma_wait3A_520 = arith.constant 0 : i32
      %dma_wait3A_521 = tpu.memref_slice %arg6[%add3A_514, %dma_wait3A_520] : memref<158x128xi32, #tpu.memory_space<vmem>> -> memref<1x128xi32, #tpu.memory_space<vmem>>
      %dma_wait3A_522 = tpu.memref_squeeze %dma_wait3A_521 : memref<1x128xi32, #tpu.memory_space<vmem>> -> memref<128xi32, #tpu.memory_space<vmem>>
      %dma_wait3A_523 = arith.constant 0 : i32
      %dma_wait3A_524 = arith.constant 0 : i32
      %dma_wait3A_525 = tpu.memref_slice %arg2[%dma_wait3A_523, %dma_wait3A_524] : memref<20000x64xf32, #tpu.memory_space<hbm>> -> memref<20000x64xf32, #tpu.memory_space<hbm>>
      tpu.wait_indirect_dma semaphore(%arg12 : memref<!tpu.dma_semaphore, #tpu.memory_space<semaphore_mem>>) src(%dma_wait3A_525 : memref<20000x64xf32, #tpu.memory_space<hbm>>) dst(%dma_wait3A_519 : memref<128x64xf32, #tpu.memory_space<vmem>>)
      %dma_start3A_526 = arith.constant 1 : i32
      %dma_start3A_527 = arith.constant 0 : i32
      %dma_start3A_528 = arith.constant 0 : i32
      %dma_start3A_529 = tpu.memref_slice %arg8[%dma_start3A_526, %dma_start3A_527, %dma_start3A_528] : memref<4x128x64xf32, #tpu.memory_space<vmem>> -> memref<1x128x64xf32, #tpu.memory_space<vmem>>
      %dma_start3A_530 = tpu.memref_squeeze %dma_start3A_529 : memref<1x128x64xf32, #tpu.memory_space<vmem>> -> memref<128x64xf32, #tpu.memory_space<vmem>>
      %dma_start3A_531 = arith.constant 0 : i32
      %dma_start3A_532 = tpu.memref_slice %arg7[%add3A_514, %dma_start3A_531] : memref<158x128xi32, #tpu.memory_space<vmem>> -> memref<1x128xi32, #tpu.memory_space<vmem>>
      %dma_start3A_533 = tpu.memref_squeeze %dma_start3A_532 : memref<1x128xi32, #tpu.memory_space<vmem>> -> memref<128xi32, #tpu.memory_space<vmem>>
      %dma_start3A_534 = arith.constant 0 : i32
      %dma_start3A_535 = arith.constant 0 : i32
      %dma_start3A_536 = tpu.memref_slice %arg10[%dma_start3A_534, %dma_start3A_535] : memref<10240x64xf32, #tpu.memory_space<vmem_shared>> -> memref<10240x64xf32, #tpu.memory_space<vmem_shared>>
      tpu.enqueue_indirect_dma source(%dma_start3A_530 : memref<128x64xf32, #tpu.memory_space<vmem>>) target(%dma_start3A_536 : memref<10240x64xf32, #tpu.memory_space<vmem_shared>>) offsets(%dma_start3A_533 : memref<128xi32, #tpu.memory_space<vmem>>) semaphore(%arg16 : memref<!tpu.dma_semaphore, #tpu.memory_space<semaphore_mem>>) {add = true}
      %sub3A_537 = arith.constant 2 : i32
      %sub3A_538 = arith.subi %add3A_514, %sub3A_537 : i32
      %dma_wait3A_539 = arith.constant 3 : i32
      %dma_wait3A_540 = arith.constant 0 : i32
      %dma_wait3A_541 = arith.constant 0 : i32
      %dma_wait3A_542 = tpu.memref_slice %arg8[%dma_wait3A_539, %dma_wait3A_540, %dma_wait3A_541] : memref<4x128x64xf32, #tpu.memory_space<vmem>> -> memref<1x128x64xf32, #tpu.memory_space<vmem>>
      %dma_wait3A_543 = tpu.memref_squeeze %dma_wait3A_542 : memref<1x128x64xf32, #tpu.memory_space<vmem>> -> memref<128x64xf32, #tpu.memory_space<vmem>>
      %dma_wait3A_544 = arith.constant 0 : i32
      %dma_wait3A_545 = tpu.memref_slice %arg7[%sub3A_538, %dma_wait3A_544] : memref<158x128xi32, #tpu.memory_space<vmem>> -> memref<1x128xi32, #tpu.memory_space<vmem>>
      %dma_wait3A_546 = tpu.memref_squeeze %dma_wait3A_545 : memref<1x128xi32, #tpu.memory_space<vmem>> -> memref<128xi32, #tpu.memory_space<vmem>>
      %dma_wait3A_547 = arith.constant 0 : i32
      %dma_wait3A_548 = arith.constant 0 : i32
      %dma_wait3A_549 = tpu.memref_slice %arg10[%dma_wait3A_547, %dma_wait3A_548] : memref<10240x64xf32, #tpu.memory_space<vmem_shared>> -> memref<10240x64xf32, #tpu.memory_space<vmem_shared>>
      tpu.wait_indirect_dma semaphore(%arg18 : memref<!tpu.dma_semaphore, #tpu.memory_space<semaphore_mem>>) src(%dma_wait3A_543 : memref<128x64xf32, #tpu.memory_space<vmem>>) dst(%dma_wait3A_549 : memref<10240x64xf32, #tpu.memory_space<vmem_shared>>)
      %add3A_550 = arith.constant 2 : i32
      %add3A_551 = arith.addi %add3A_514, %add3A_550 : i32
      %dma_start3A_552 = arith.constant 3 : i32
      %dma_start3A_553 = arith.constant 0 : i32
      %dma_start3A_554 = arith.constant 0 : i32
      %dma_start3A_555 = tpu.memref_slice %arg8[%dma_start3A_552, %dma_start3A_553, %dma_start3A_554] : memref<4x128x64xf32, #tpu.memory_space<vmem>> -> memref<1x128x64xf32, #tpu.memory_space<vmem>>
      %dma_start3A_556 = tpu.memref_squeeze %dma_start3A_555 : memref<1x128x64xf32, #tpu.memory_space<vmem>> -> memref<128x64xf32, #tpu.memory_space<vmem>>
      %dma_start3A_557 = arith.constant 0 : i32
      %dma_start3A_558 = tpu.memref_slice %arg6[%add3A_551, %dma_start3A_557] : memref<158x128xi32, #tpu.memory_space<vmem>> -> memref<1x128xi32, #tpu.memory_space<vmem>>
      %dma_start3A_559 = tpu.memref_squeeze %dma_start3A_558 : memref<1x128xi32, #tpu.memory_space<vmem>> -> memref<128xi32, #tpu.memory_space<vmem>>
      %dma_start3A_560 = arith.constant 0 : i32
      %dma_start3A_561 = arith.constant 0 : i32
      %dma_start3A_562 = tpu.memref_slice %arg2[%dma_start3A_560, %dma_start3A_561] : memref<20000x64xf32, #tpu.memory_space<hbm>> -> memref<20000x64xf32, #tpu.memory_space<hbm>>
      tpu.enqueue_indirect_dma source(%dma_start3A_562 : memref<20000x64xf32, #tpu.memory_space<hbm>>) target(%dma_start3A_556 : memref<128x64xf32, #tpu.memory_space<vmem>>) offsets(%dma_start3A_559 : memref<128xi32, #tpu.memory_space<vmem>>) semaphore(%arg14 : memref<!tpu.dma_semaphore, #tpu.memory_space<semaphore_mem>>)
    }
    %scan3A_124 = arith.constant 38 : i32
    %dma_wait3A_125 = arith.constant 154 : i32
    %dma_wait3A_126 = arith.constant 2 : i32
    %dma_wait3A_127 = arith.constant 0 : i32
    %dma_wait3A_128 = arith.constant 0 : i32
    %dma_wait3A_129 = tpu.memref_slice %arg8[%dma_wait3A_126, %dma_wait3A_127, %dma_wait3A_128] : memref<4x128x64xf32, #tpu.memory_space<vmem>> -> memref<1x128x64xf32, #tpu.memory_space<vmem>>
    %dma_wait3A_130 = tpu.memref_squeeze %dma_wait3A_129 : memref<1x128x64xf32, #tpu.memory_space<vmem>> -> memref<128x64xf32, #tpu.memory_space<vmem>>
    %dma_wait3A_131 = arith.constant 0 : i32
    %dma_wait3A_132 = tpu.memref_slice %arg6[%dma_wait3A_125, %dma_wait3A_131] : memref<158x128xi32, #tpu.memory_space<vmem>> -> memref<1x128xi32, #tpu.memory_space<vmem>>
    %dma_wait3A_133 = tpu.memref_squeeze %dma_wait3A_132 : memref<1x128xi32, #tpu.memory_space<vmem>> -> memref<128xi32, #tpu.memory_space<vmem>>
    %dma_wait3A_134 = arith.constant 0 : i32
    %dma_wait3A_135 = arith.constant 0 : i32
    %dma_wait3A_136 = tpu.memref_slice %arg2[%dma_wait3A_134, %dma_wait3A_135] : memref<20000x64xf32, #tpu.memory_space<hbm>> -> memref<20000x64xf32, #tpu.memory_space<hbm>>
    tpu.wait_indirect_dma semaphore(%arg13 : memref<!tpu.dma_semaphore, #tpu.memory_space<semaphore_mem>>) src(%dma_wait3A_136 : memref<20000x64xf32, #tpu.memory_space<hbm>>) dst(%dma_wait3A_130 : memref<128x64xf32, #tpu.memory_space<vmem>>)
    %dma_start3A_137 = arith.constant 2 : i32
    %dma_start3A_138 = arith.constant 154 : i32
    %dma_start3A_139 = arith.constant 0 : i32
    %dma_start3A_140 = arith.constant 0 : i32
    %dma_start3A_141 = tpu.memref_slice %arg8[%dma_start3A_137, %dma_start3A_139, %dma_start3A_140] : memref<4x128x64xf32, #tpu.memory_space<vmem>> -> memref<1x128x64xf32, #tpu.memory_space<vmem>>
    %dma_start3A_142 = tpu.memref_squeeze %dma_start3A_141 : memref<1x128x64xf32, #tpu.memory_space<vmem>> -> memref<128x64xf32, #tpu.memory_space<vmem>>
    %dma_start3A_143 = arith.constant 0 : i32
    %dma_start3A_144 = tpu.memref_slice %arg7[%dma_start3A_138, %dma_start3A_143] : memref<158x128xi32, #tpu.memory_space<vmem>> -> memref<1x128xi32, #tpu.memory_space<vmem>>
    %dma_start3A_145 = tpu.memref_squeeze %dma_start3A_144 : memref<1x128xi32, #tpu.memory_space<vmem>> -> memref<128xi32, #tpu.memory_space<vmem>>
    %dma_start3A_146 = arith.constant 0 : i32
    %dma_start3A_147 = arith.constant 0 : i32
    %dma_start3A_148 = tpu.memref_slice %arg10[%dma_start3A_146, %dma_start3A_147] : memref<10240x64xf32, #tpu.memory_space<vmem_shared>> -> memref<10240x64xf32, #tpu.memory_space<vmem_shared>>
    tpu.enqueue_indirect_dma source(%dma_start3A_142 : memref<128x64xf32, #tpu.memory_space<vmem>>) target(%dma_start3A_148 : memref<10240x64xf32, #tpu.memory_space<vmem_shared>>) offsets(%dma_start3A_145 : memref<128xi32, #tpu.memory_space<vmem>>) semaphore(%arg17 : memref<!tpu.dma_semaphore, #tpu.memory_space<semaphore_mem>>) {add = true}
    %dma_wait3A_149 = arith.constant 0 : i32
    %dma_wait3A_150 = arith.constant 152 : i32
    %dma_wait3A_151 = arith.constant 0 : i32
    %dma_wait3A_152 = arith.constant 0 : i32
    %dma_wait3A_153 = tpu.memref_slice %arg8[%dma_wait3A_149, %dma_wait3A_151, %dma_wait3A_152] : memref<4x128x64xf32, #tpu.memory_space<vmem>> -> memref<1x128x64xf32, #tpu.memory_space<vmem>>
    %dma_wait3A_154 = tpu.memref_squeeze %dma_wait3A_153 : memref<1x128x64xf32, #tpu.memory_space<vmem>> -> memref<128x64xf32, #tpu.memory_space<vmem>>
    %dma_wait3A_155 = arith.constant 0 : i32
    %dma_wait3A_156 = tpu.memref_slice %arg7[%dma_wait3A_150, %dma_wait3A_155] : memref<158x128xi32, #tpu.memory_space<vmem>> -> memref<1x128xi32, #tpu.memory_space<vmem>>
    %dma_wait3A_157 = tpu.memref_squeeze %dma_wait3A_156 : memref<1x128xi32, #tpu.memory_space<vmem>> -> memref<128xi32, #tpu.memory_space<vmem>>
    %dma_wait3A_158 = arith.constant 0 : i32
    %dma_wait3A_159 = arith.constant 0 : i32
    %dma_wait3A_160 = tpu.memref_slice %arg10[%dma_wait3A_158, %dma_wait3A_159] : memref<10240x64xf32, #tpu.memory_space<vmem_shared>> -> memref<10240x64xf32, #tpu.memory_space<vmem_shared>>
    tpu.wait_indirect_dma semaphore(%arg15 : memref<!tpu.dma_semaphore, #tpu.memory_space<semaphore_mem>>) src(%dma_wait3A_154 : memref<128x64xf32, #tpu.memory_space<vmem>>) dst(%dma_wait3A_160 : memref<10240x64xf32, #tpu.memory_space<vmem_shared>>)
    %dma_start3A_161 = arith.constant 156 : i32
    %dma_start3A_162 = arith.constant 0 : i32
    %dma_start3A_163 = arith.constant 0 : i32
    %dma_start3A_164 = arith.constant 0 : i32
    %dma_start3A_165 = tpu.memref_slice %arg8[%dma_start3A_162, %dma_start3A_163, %dma_start3A_164] : memref<4x128x64xf32, #tpu.memory_space<vmem>> -> memref<1x128x64xf32, #tpu.memory_space<vmem>>
    %dma_start3A_166 = tpu.memref_squeeze %dma_start3A_165 : memref<1x128x64xf32, #tpu.memory_space<vmem>> -> memref<128x64xf32, #tpu.memory_space<vmem>>
    %dma_start3A_167 = arith.constant 0 : i32
    %dma_start3A_168 = tpu.memref_slice %arg6[%dma_start3A_161, %dma_start3A_167] : memref<158x128xi32, #tpu.memory_space<vmem>> -> memref<1x128xi32, #tpu.memory_space<vmem>>
    %dma_start3A_169 = tpu.memref_squeeze %dma_start3A_168 : memref<1x128xi32, #tpu.memory_space<vmem>> -> memref<128xi32, #tpu.memory_space<vmem>>
    %dma_start3A_170 = arith.constant 0 : i32
    %dma_start3A_171 = arith.constant 0 : i32
    %dma_start3A_172 = tpu.memref_slice %arg2[%dma_start3A_170, %dma_start3A_171] : memref<20000x64xf32, #tpu.memory_space<hbm>> -> memref<20000x64xf32, #tpu.memory_space<hbm>>
    tpu.enqueue_indirect_dma source(%dma_start3A_172 : memref<20000x64xf32, #tpu.memory_space<hbm>>) target(%dma_start3A_166 : memref<128x64xf32, #tpu.memory_space<vmem>>) offsets(%dma_start3A_169 : memref<128xi32, #tpu.memory_space<vmem>>) semaphore(%arg11 : memref<!tpu.dma_semaphore, #tpu.memory_space<semaphore_mem>>)
    %dma_wait3A_173 = arith.constant 155 : i32
    %dma_wait3A_174 = arith.constant 3 : i32
    %dma_wait3A_175 = arith.constant 0 : i32
    %dma_wait3A_176 = arith.constant 0 : i32
    %dma_wait3A_177 = tpu.memref_slice %arg8[%dma_wait3A_174, %dma_wait3A_175, %dma_wait3A_176] : memref<4x128x64xf32, #tpu.memory_space<vmem>> -> memref<1x128x64xf32, #tpu.memory_space<vmem>>
    %dma_wait3A_178 = tpu.memref_squeeze %dma_wait3A_177 : memref<1x128x64xf32, #tpu.memory_space<vmem>> -> memref<128x64xf32, #tpu.memory_space<vmem>>
    %dma_wait3A_179 = arith.constant 0 : i32
    %dma_wait3A_180 = tpu.memref_slice %arg6[%dma_wait3A_173, %dma_wait3A_179] : memref<158x128xi32, #tpu.memory_space<vmem>> -> memref<1x128xi32, #tpu.memory_space<vmem>>
    %dma_wait3A_181 = tpu.memref_squeeze %dma_wait3A_180 : memref<1x128xi32, #tpu.memory_space<vmem>> -> memref<128xi32, #tpu.memory_space<vmem>>
    %dma_wait3A_182 = arith.constant 0 : i32
    %dma_wait3A_183 = arith.constant 0 : i32
    %dma_wait3A_184 = tpu.memref_slice %arg2[%dma_wait3A_182, %dma_wait3A_183] : memref<20000x64xf32, #tpu.memory_space<hbm>> -> memref<20000x64xf32, #tpu.memory_space<hbm>>
    tpu.wait_indirect_dma semaphore(%arg14 : memref<!tpu.dma_semaphore, #tpu.memory_space<semaphore_mem>>) src(%dma_wait3A_184 : memref<20000x64xf32, #tpu.memory_space<hbm>>) dst(%dma_wait3A_178 : memref<128x64xf32, #tpu.memory_space<vmem>>)
    %dma_start3A_185 = arith.constant 3 : i32
    %dma_start3A_186 = arith.constant 155 : i32
    %dma_start3A_187 = arith.constant 0 : i32
    %dma_start3A_188 = arith.constant 0 : i32
    %dma_start3A_189 = tpu.memref_slice %arg8[%dma_start3A_185, %dma_start3A_187, %dma_start3A_188] : memref<4x128x64xf32, #tpu.memory_space<vmem>> -> memref<1x128x64xf32, #tpu.memory_space<vmem>>
    %dma_start3A_190 = tpu.memref_squeeze %dma_start3A_189 : memref<1x128x64xf32, #tpu.memory_space<vmem>> -> memref<128x64xf32, #tpu.memory_space<vmem>>
    %dma_start3A_191 = arith.constant 0 : i32
    %dma_start3A_192 = tpu.memref_slice %arg7[%dma_start3A_186, %dma_start3A_191] : memref<158x128xi32, #tpu.memory_space<vmem>> -> memref<1x128xi32, #tpu.memory_space<vmem>>
    %dma_start3A_193 = tpu.memref_squeeze %dma_start3A_192 : memref<1x128xi32, #tpu.memory_space<vmem>> -> memref<128xi32, #tpu.memory_space<vmem>>
    %dma_start3A_194 = arith.constant 0 : i32
    %dma_start3A_195 = arith.constant 0 : i32
    %dma_start3A_196 = tpu.memref_slice %arg10[%dma_start3A_194, %dma_start3A_195] : memref<10240x64xf32, #tpu.memory_space<vmem_shared>> -> memref<10240x64xf32, #tpu.memory_space<vmem_shared>>
    tpu.enqueue_indirect_dma source(%dma_start3A_190 : memref<128x64xf32, #tpu.memory_space<vmem>>) target(%dma_start3A_196 : memref<10240x64xf32, #tpu.memory_space<vmem_shared>>) offsets(%dma_start3A_193 : memref<128xi32, #tpu.memory_space<vmem>>) semaphore(%arg18 : memref<!tpu.dma_semaphore, #tpu.memory_space<semaphore_mem>>) {add = true}
    %dma_wait3A_197 = arith.constant 1 : i32
    %dma_wait3A_198 = arith.constant 153 : i32
    %dma_wait3A_199 = arith.constant 0 : i32
    %dma_wait3A_200 = arith.constant 0 : i32
    %dma_wait3A_201 = tpu.memref_slice %arg8[%dma_wait3A_197, %dma_wait3A_199, %dma_wait3A_200] : memref<4x128x64xf32, #tpu.memory_space<vmem>> -> memref<1x128x64xf32, #tpu.memory_space<vmem>>
    %dma_wait3A_202 = tpu.memref_squeeze %dma_wait3A_201 : memref<1x128x64xf32, #tpu.memory_space<vmem>> -> memref<128x64xf32, #tpu.memory_space<vmem>>
    %dma_wait3A_203 = arith.constant 0 : i32
    %dma_wait3A_204 = tpu.memref_slice %arg7[%dma_wait3A_198, %dma_wait3A_203] : memref<158x128xi32, #tpu.memory_space<vmem>> -> memref<1x128xi32, #tpu.memory_space<vmem>>
    %dma_wait3A_205 = tpu.memref_squeeze %dma_wait3A_204 : memref<1x128xi32, #tpu.memory_space<vmem>> -> memref<128xi32, #tpu.memory_space<vmem>>
    %dma_wait3A_206 = arith.constant 0 : i32
    %dma_wait3A_207 = arith.constant 0 : i32
    %dma_wait3A_208 = tpu.memref_slice %arg10[%dma_wait3A_206, %dma_wait3A_207] : memref<10240x64xf32, #tpu.memory_space<vmem_shared>> -> memref<10240x64xf32, #tpu.memory_space<vmem_shared>>
    tpu.wait_indirect_dma semaphore(%arg16 : memref<!tpu.dma_semaphore, #tpu.memory_space<semaphore_mem>>) src(%dma_wait3A_202 : memref<128x64xf32, #tpu.memory_space<vmem>>) dst(%dma_wait3A_208 : memref<10240x64xf32, #tpu.memory_space<vmem_shared>>)
    %dma_start3A_209 = arith.constant 157 : i32
    %dma_start3A_210 = arith.constant 1 : i32
    %dma_start3A_211 = arith.constant 0 : i32
    %dma_start3A_212 = arith.constant 0 : i32
    %dma_start3A_213 = tpu.memref_slice %arg8[%dma_start3A_210, %dma_start3A_211, %dma_start3A_212] : memref<4x128x64xf32, #tpu.memory_space<vmem>> -> memref<1x128x64xf32, #tpu.memory_space<vmem>>
    %dma_start3A_214 = tpu.memref_squeeze %dma_start3A_213 : memref<1x128x64xf32, #tpu.memory_space<vmem>> -> memref<128x64xf32, #tpu.memory_space<vmem>>
    %dma_start3A_215 = arith.constant 0 : i32
    %dma_start3A_216 = tpu.memref_slice %arg6[%dma_start3A_209, %dma_start3A_215] : memref<158x128xi32, #tpu.memory_space<vmem>> -> memref<1x128xi32, #tpu.memory_space<vmem>>
    %dma_start3A_217 = tpu.memref_squeeze %dma_start3A_216 : memref<1x128xi32, #tpu.memory_space<vmem>> -> memref<128xi32, #tpu.memory_space<vmem>>
    %dma_start3A_218 = arith.constant 0 : i32
    %dma_start3A_219 = arith.constant 0 : i32
    %dma_start3A_220 = tpu.memref_slice %arg2[%dma_start3A_218, %dma_start3A_219] : memref<20000x64xf32, #tpu.memory_space<hbm>> -> memref<20000x64xf32, #tpu.memory_space<hbm>>
    tpu.enqueue_indirect_dma source(%dma_start3A_220 : memref<20000x64xf32, #tpu.memory_space<hbm>>) target(%dma_start3A_214 : memref<128x64xf32, #tpu.memory_space<vmem>>) offsets(%dma_start3A_217 : memref<128xi32, #tpu.memory_space<vmem>>) semaphore(%arg12 : memref<!tpu.dma_semaphore, #tpu.memory_space<semaphore_mem>>)
    %dma_wait3A_221 = arith.constant 156 : i32
    %dma_wait3A_222 = arith.constant 0 : i32
    %dma_wait3A_223 = arith.constant 0 : i32
    %dma_wait3A_224 = arith.constant 0 : i32
    %dma_wait3A_225 = tpu.memref_slice %arg8[%dma_wait3A_222, %dma_wait3A_223, %dma_wait3A_224] : memref<4x128x64xf32, #tpu.memory_space<vmem>> -> memref<1x128x64xf32, #tpu.memory_space<vmem>>
    %dma_wait3A_226 = tpu.memref_squeeze %dma_wait3A_225 : memref<1x128x64xf32, #tpu.memory_space<vmem>> -> memref<128x64xf32, #tpu.memory_space<vmem>>
    %dma_wait3A_227 = arith.constant 0 : i32
    %dma_wait3A_228 = tpu.memref_slice %arg6[%dma_wait3A_221, %dma_wait3A_227] : memref<158x128xi32, #tpu.memory_space<vmem>> -> memref<1x128xi32, #tpu.memory_space<vmem>>
    %dma_wait3A_229 = tpu.memref_squeeze %dma_wait3A_228 : memref<1x128xi32, #tpu.memory_space<vmem>> -> memref<128xi32, #tpu.memory_space<vmem>>
    %dma_wait3A_230 = arith.constant 0 : i32
    %dma_wait3A_231 = arith.constant 0 : i32
    %dma_wait3A_232 = tpu.memref_slice %arg2[%dma_wait3A_230, %dma_wait3A_231] : memref<20000x64xf32, #tpu.memory_space<hbm>> -> memref<20000x64xf32, #tpu.memory_space<hbm>>
    tpu.wait_indirect_dma semaphore(%arg11 : memref<!tpu.dma_semaphore, #tpu.memory_space<semaphore_mem>>) src(%dma_wait3A_232 : memref<20000x64xf32, #tpu.memory_space<hbm>>) dst(%dma_wait3A_226 : memref<128x64xf32, #tpu.memory_space<vmem>>)
    %dma_start3A_233 = arith.constant 0 : i32
    %dma_start3A_234 = arith.constant 156 : i32
    %dma_start3A_235 = arith.constant 0 : i32
    %dma_start3A_236 = arith.constant 0 : i32
    %dma_start3A_237 = tpu.memref_slice %arg8[%dma_start3A_233, %dma_start3A_235, %dma_start3A_236] : memref<4x128x64xf32, #tpu.memory_space<vmem>> -> memref<1x128x64xf32, #tpu.memory_space<vmem>>
    %dma_start3A_238 = tpu.memref_squeeze %dma_start3A_237 : memref<1x128x64xf32, #tpu.memory_space<vmem>> -> memref<128x64xf32, #tpu.memory_space<vmem>>
    %dma_start3A_239 = arith.constant 0 : i32
    %dma_start3A_240 = tpu.memref_slice %arg7[%dma_start3A_234, %dma_start3A_239] : memref<158x128xi32, #tpu.memory_space<vmem>> -> memref<1x128xi32, #tpu.memory_space<vmem>>
    %dma_start3A_241 = tpu.memref_squeeze %dma_start3A_240 : memref<1x128xi32, #tpu.memory_space<vmem>> -> memref<128xi32, #tpu.memory_space<vmem>>
    %dma_start3A_242 = arith.constant 0 : i32
    %dma_start3A_243 = arith.constant 0 : i32
    %dma_start3A_244 = tpu.memref_slice %arg10[%dma_start3A_242, %dma_start3A_243] : memref<10240x64xf32, #tpu.memory_space<vmem_shared>> -> memref<10240x64xf32, #tpu.memory_space<vmem_shared>>
    tpu.enqueue_indirect_dma source(%dma_start3A_238 : memref<128x64xf32, #tpu.memory_space<vmem>>) target(%dma_start3A_244 : memref<10240x64xf32, #tpu.memory_space<vmem_shared>>) offsets(%dma_start3A_241 : memref<128xi32, #tpu.memory_space<vmem>>) semaphore(%arg15 : memref<!tpu.dma_semaphore, #tpu.memory_space<semaphore_mem>>) {add = true}
    %dma_wait3A_245 = arith.constant 157 : i32
    %dma_wait3A_246 = arith.constant 1 : i32
    %dma_wait3A_247 = arith.constant 0 : i32
    %dma_wait3A_248 = arith.constant 0 : i32
    %dma_wait3A_249 = tpu.memref_slice %arg8[%dma_wait3A_246, %dma_wait3A_247, %dma_wait3A_248] : memref<4x128x64xf32, #tpu.memory_space<vmem>> -> memref<1x128x64xf32, #tpu.memory_space<vmem>>
    %dma_wait3A_250 = tpu.memref_squeeze %dma_wait3A_249 : memref<1x128x64xf32, #tpu.memory_space<vmem>> -> memref<128x64xf32, #tpu.memory_space<vmem>>
    %dma_wait3A_251 = arith.constant 0 : i32
    %dma_wait3A_252 = tpu.memref_slice %arg6[%dma_wait3A_245, %dma_wait3A_251] : memref<158x128xi32, #tpu.memory_space<vmem>> -> memref<1x128xi32, #tpu.memory_space<vmem>>
    %dma_wait3A_253 = tpu.memref_squeeze %dma_wait3A_252 : memref<1x128xi32, #tpu.memory_space<vmem>> -> memref<128xi32, #tpu.memory_space<vmem>>
    %dma_wait3A_254 = arith.constant 0 : i32
    %dma_wait3A_255 = arith.constant 0 : i32
    %dma_wait3A_256 = tpu.memref_slice %arg2[%dma_wait3A_254, %dma_wait3A_255] : memref<20000x64xf32, #tpu.memory_space<hbm>> -> memref<20000x64xf32, #tpu.memory_space<hbm>>
    tpu.wait_indirect_dma semaphore(%arg12 : memref<!tpu.dma_semaphore, #tpu.memory_space<semaphore_mem>>) src(%dma_wait3A_256 : memref<20000x64xf32, #tpu.memory_space<hbm>>) dst(%dma_wait3A_250 : memref<128x64xf32, #tpu.memory_space<vmem>>)
    %dma_start3A_257 = arith.constant 1 : i32
    %dma_start3A_258 = arith.constant 157 : i32
    %dma_start3A_259 = arith.constant 0 : i32
    %dma_start3A_260 = arith.constant 0 : i32
    %dma_start3A_261 = tpu.memref_slice %arg8[%dma_start3A_257, %dma_start3A_259, %dma_start3A_260] : memref<4x128x64xf32, #tpu.memory_space<vmem>> -> memref<1x128x64xf32, #tpu.memory_space<vmem>>
    %dma_start3A_262 = tpu.memref_squeeze %dma_start3A_261 : memref<1x128x64xf32, #tpu.memory_space<vmem>> -> memref<128x64xf32, #tpu.memory_space<vmem>>
    %dma_start3A_263 = arith.constant 0 : i32
    %dma_start3A_264 = tpu.memref_slice %arg7[%dma_start3A_258, %dma_start3A_263] : memref<158x128xi32, #tpu.memory_space<vmem>> -> memref<1x128xi32, #tpu.memory_space<vmem>>
    %dma_start3A_265 = tpu.memref_squeeze %dma_start3A_264 : memref<1x128xi32, #tpu.memory_space<vmem>> -> memref<128xi32, #tpu.memory_space<vmem>>
    %dma_start3A_266 = arith.constant 0 : i32
    %dma_start3A_267 = arith.constant 0 : i32
    %dma_start3A_268 = tpu.memref_slice %arg10[%dma_start3A_266, %dma_start3A_267] : memref<10240x64xf32, #tpu.memory_space<vmem_shared>> -> memref<10240x64xf32, #tpu.memory_space<vmem_shared>>
    tpu.enqueue_indirect_dma source(%dma_start3A_262 : memref<128x64xf32, #tpu.memory_space<vmem>>) target(%dma_start3A_268 : memref<10240x64xf32, #tpu.memory_space<vmem_shared>>) offsets(%dma_start3A_265 : memref<128xi32, #tpu.memory_space<vmem>>) semaphore(%arg16 : memref<!tpu.dma_semaphore, #tpu.memory_space<semaphore_mem>>) {add = true}
    %dma_wait3A_269 = arith.constant 2 : i32
    %dma_wait3A_270 = arith.constant 154 : i32
    %dma_wait3A_271 = arith.constant 0 : i32
    %dma_wait3A_272 = arith.constant 0 : i32
    %dma_wait3A_273 = tpu.memref_slice %arg8[%dma_wait3A_269, %dma_wait3A_271, %dma_wait3A_272] : memref<4x128x64xf32, #tpu.memory_space<vmem>> -> memref<1x128x64xf32, #tpu.memory_space<vmem>>
    %dma_wait3A_274 = tpu.memref_squeeze %dma_wait3A_273 : memref<1x128x64xf32, #tpu.memory_space<vmem>> -> memref<128x64xf32, #tpu.memory_space<vmem>>
    %dma_wait3A_275 = arith.constant 0 : i32
    %dma_wait3A_276 = tpu.memref_slice %arg7[%dma_wait3A_270, %dma_wait3A_275] : memref<158x128xi32, #tpu.memory_space<vmem>> -> memref<1x128xi32, #tpu.memory_space<vmem>>
    %dma_wait3A_277 = tpu.memref_squeeze %dma_wait3A_276 : memref<1x128xi32, #tpu.memory_space<vmem>> -> memref<128xi32, #tpu.memory_space<vmem>>
    %dma_wait3A_278 = arith.constant 0 : i32
    %dma_wait3A_279 = arith.constant 0 : i32
    %dma_wait3A_280 = tpu.memref_slice %arg10[%dma_wait3A_278, %dma_wait3A_279] : memref<10240x64xf32, #tpu.memory_space<vmem_shared>> -> memref<10240x64xf32, #tpu.memory_space<vmem_shared>>
    tpu.wait_indirect_dma semaphore(%arg17 : memref<!tpu.dma_semaphore, #tpu.memory_space<semaphore_mem>>) src(%dma_wait3A_274 : memref<128x64xf32, #tpu.memory_space<vmem>>) dst(%dma_wait3A_280 : memref<10240x64xf32, #tpu.memory_space<vmem_shared>>)
    %dma_wait3A_281 = arith.constant 3 : i32
    %dma_wait3A_282 = arith.constant 155 : i32
    %dma_wait3A_283 = arith.constant 0 : i32
    %dma_wait3A_284 = arith.constant 0 : i32
    %dma_wait3A_285 = tpu.memref_slice %arg8[%dma_wait3A_281, %dma_wait3A_283, %dma_wait3A_284] : memref<4x128x64xf32, #tpu.memory_space<vmem>> -> memref<1x128x64xf32, #tpu.memory_space<vmem>>
    %dma_wait3A_286 = tpu.memref_squeeze %dma_wait3A_285 : memref<1x128x64xf32, #tpu.memory_space<vmem>> -> memref<128x64xf32, #tpu.memory_space<vmem>>
    %dma_wait3A_287 = arith.constant 0 : i32
    %dma_wait3A_288 = tpu.memref_slice %arg7[%dma_wait3A_282, %dma_wait3A_287] : memref<158x128xi32, #tpu.memory_space<vmem>> -> memref<1x128xi32, #tpu.memory_space<vmem>>
    %dma_wait3A_289 = tpu.memref_squeeze %dma_wait3A_288 : memref<1x128xi32, #tpu.memory_space<vmem>> -> memref<128xi32, #tpu.memory_space<vmem>>
    %dma_wait3A_290 = arith.constant 0 : i32
    %dma_wait3A_291 = arith.constant 0 : i32
    %dma_wait3A_292 = tpu.memref_slice %arg10[%dma_wait3A_290, %dma_wait3A_291] : memref<10240x64xf32, #tpu.memory_space<vmem_shared>> -> memref<10240x64xf32, #tpu.memory_space<vmem_shared>>
    tpu.wait_indirect_dma semaphore(%arg18 : memref<!tpu.dma_semaphore, #tpu.memory_space<semaphore_mem>>) src(%dma_wait3A_286 : memref<128x64xf32, #tpu.memory_space<vmem>>) dst(%dma_wait3A_292 : memref<10240x64xf32, #tpu.memory_space<vmem_shared>>)
    %dma_wait3A_293 = arith.constant 0 : i32
    %dma_wait3A_294 = arith.constant 156 : i32
    %dma_wait3A_295 = arith.constant 0 : i32
    %dma_wait3A_296 = arith.constant 0 : i32
    %dma_wait3A_297 = tpu.memref_slice %arg8[%dma_wait3A_293, %dma_wait3A_295, %dma_wait3A_296] : memref<4x128x64xf32, #tpu.memory_space<vmem>> -> memref<1x128x64xf32, #tpu.memory_space<vmem>>
    %dma_wait3A_298 = tpu.memref_squeeze %dma_wait3A_297 : memref<1x128x64xf32, #tpu.memory_space<vmem>> -> memref<128x64xf32, #tpu.memory_space<vmem>>
    %dma_wait3A_299 = arith.constant 0 : i32
    %dma_wait3A_300 = tpu.memref_slice %arg7[%dma_wait3A_294, %dma_wait3A_299] : memref<158x128xi32, #tpu.memory_space<vmem>> -> memref<1x128xi32, #tpu.memory_space<vmem>>
    %dma_wait3A_301 = tpu.memref_squeeze %dma_wait3A_300 : memref<1x128xi32, #tpu.memory_space<vmem>> -> memref<128xi32, #tpu.memory_space<vmem>>
    %dma_wait3A_302 = arith.constant 0 : i32
    %dma_wait3A_303 = arith.constant 0 : i32
    %dma_wait3A_304 = tpu.memref_slice %arg10[%dma_wait3A_302, %dma_wait3A_303] : memref<10240x64xf32, #tpu.memory_space<vmem_shared>> -> memref<10240x64xf32, #tpu.memory_space<vmem_shared>>
    tpu.wait_indirect_dma semaphore(%arg15 : memref<!tpu.dma_semaphore, #tpu.memory_space<semaphore_mem>>) src(%dma_wait3A_298 : memref<128x64xf32, #tpu.memory_space<vmem>>) dst(%dma_wait3A_304 : memref<10240x64xf32, #tpu.memory_space<vmem_shared>>)
    %dma_wait3A_305 = arith.constant 1 : i32
    %dma_wait3A_306 = arith.constant 157 : i32
    %dma_wait3A_307 = arith.constant 0 : i32
    %dma_wait3A_308 = arith.constant 0 : i32
    %dma_wait3A_309 = tpu.memref_slice %arg8[%dma_wait3A_305, %dma_wait3A_307, %dma_wait3A_308] : memref<4x128x64xf32, #tpu.memory_space<vmem>> -> memref<1x128x64xf32, #tpu.memory_space<vmem>>
    %dma_wait3A_310 = tpu.memref_squeeze %dma_wait3A_309 : memref<1x128x64xf32, #tpu.memory_space<vmem>> -> memref<128x64xf32, #tpu.memory_space<vmem>>
    %dma_wait3A_311 = arith.constant 0 : i32
    %dma_wait3A_312 = tpu.memref_slice %arg7[%dma_wait3A_306, %dma_wait3A_311] : memref<158x128xi32, #tpu.memory_space<vmem>> -> memref<1x128xi32, #tpu.memory_space<vmem>>
    %dma_wait3A_313 = tpu.memref_squeeze %dma_wait3A_312 : memref<1x128xi32, #tpu.memory_space<vmem>> -> memref<128xi32, #tpu.memory_space<vmem>>
    %dma_wait3A_314 = arith.constant 0 : i32
    %dma_wait3A_315 = arith.constant 0 : i32
    %dma_wait3A_316 = tpu.memref_slice %arg10[%dma_wait3A_314, %dma_wait3A_315] : memref<10240x64xf32, #tpu.memory_space<vmem_shared>> -> memref<10240x64xf32, #tpu.memory_space<vmem_shared>>
    tpu.wait_indirect_dma semaphore(%arg16 : memref<!tpu.dma_semaphore, #tpu.memory_space<semaphore_mem>>) src(%dma_wait3A_310 : memref<128x64xf32, #tpu.memory_space<vmem>>) dst(%dma_wait3A_316 : memref<10240x64xf32, #tpu.memory_space<vmem_shared>>)
    %barrier3A_317 = arith.constant 0 : index
    tpu.barrier barrier_id(%barrier3A_317)
    %sub3A = arith.constant 10000 : i32
    %sub3A_318 = arith.subi %sub3A, %mul3A_6 : i32
    %min3A = arith.constant 640 : i32
    %min3A_319 = arith.minsi %min3A, %sub3A_318 : i32
    %jit3A = arith.constant 80 : i32
    %div3A = arith.divsi %min3A_319, %jit3A : i32
    %sign3A = arith.constant 0 : i32
    %sign3A_320 = arith.cmpi sgt, %min3A_319, %sign3A : i32
    %sign3A_321 = arith.extui %sign3A_320 : i1 to i32
    %sign3A_322 = arith.constant 0 : i32
    %sign3A_323 = arith.cmpi slt, %min3A_319, %sign3A_322 : i32
    %sign3A_324 = arith.extui %sign3A_323 : i1 to i32
    %sign3A_325 = arith.subi %sign3A_321, %sign3A_324 : i32
    %sign3A_326 = arith.constant 0 : i32
    %sign3A_327 = arith.cmpi sgt, %jit3A, %sign3A_326 : i32
    %sign3A_328 = arith.extui %sign3A_327 : i1 to i32
    %sign3A_329 = arith.constant 0 : i32
    %sign3A_330 = arith.cmpi slt, %jit3A, %sign3A_329 : i32
    %sign3A_331 = arith.extui %sign3A_330 : i1 to i32
    %sign3A_332 = arith.subi %sign3A_328, %sign3A_331 : i32
    %ne3A = arith.cmpi ne, %sign3A_325, %sign3A_332 : i32
    %rem3A = arith.remsi %min3A_319, %jit3A : i32
    %ne3A_333 = arith.constant 0 : i32
    %ne3A_334 = arith.cmpi ne, %rem3A, %ne3A_333 : i32
    %and3A = arith.andi %ne3A, %ne3A_334 : i1
    %sub3A_335 = arith.constant 1 : i32
    %sub3A_336 = arith.subi %div3A, %sub3A_335 : i32
    %select_n3A = arith.select %and3A, %sub3A_336, %div3A : i32
    %while3A = arith.constant 0 : i32
    %while3A_337 = arith.constant 0 : i32
    %while3A_338 = arith.subi %select_n3A, %while3A_337 : i32
    %while3A_339 = arith.addi %while3A_337, %while3A_338 : i32
    %while3A_340 = arith.constant 1 : i32
    %while3A_341 = arith.divsi %while3A_338, %while3A_340 : i32
    %while3A_342 = arith.muli %while3A_341, %while3A_340 : i32
    %while3A_343 = arith.addi %while3A_337, %while3A_342 : i32
    %while3A_344 = arith.constant 1 : i32
    scf.for %while3A_346 = %while3A_337 to %while3A_343 step %while3A_344  : i32 {
      %mul3A_347 = arith.constant 80 : i32
      %mul3A_348 = arith.muli %while3A_346, %mul3A_347 : i32
      %add3A_349 = arith.addi %mul3A_6, %mul3A_348 : i32
      "tpu.region"() ({
        %run_scoped3A = tpu.sem_alloc : memref<!tpu.dma_semaphore, #tpu.memory_space<semaphore_mem>>
        %dma_start3A_353 = arith.constant 0 : i32
        %dma_start3A_354 = tpu.memref_slice %arg10[%add3A_349, %dma_start3A_353] : memref<10240x64xf32, #tpu.memory_space<vmem_shared>> -> memref<80x64xf32, #tpu.memory_space<vmem_shared>>
        %dma_start3A_355 = arith.constant 0 : i32
        %dma_start3A_356 = tpu.memref_slice %arg10[%add3A_349, %dma_start3A_355] : memref<10240x64xf32, #tpu.memory_space<vmem_shared>> -> memref<80x64xf32, #tpu.memory_space<vmem_shared>>
        tpu.enqueue_dma source(%dma_start3A_356 : memref<80x64xf32, #tpu.memory_space<vmem_shared>>) target(%arg9 : memref<80x64xf32, #tpu.memory_space<vmem>>) target_semaphore(%run_scoped3A : memref<!tpu.dma_semaphore, #tpu.memory_space<semaphore_mem>>)
        %dma_wait3A_357 = arith.constant 0 : i32
        %dma_wait3A_358 = tpu.memref_slice %arg10[%add3A_349, %dma_wait3A_357] : memref<10240x64xf32, #tpu.memory_space<vmem_shared>> -> memref<80x64xf32, #tpu.memory_space<vmem_shared>>
        %dma_wait3A_359 = arith.constant 0 : i32
        %dma_wait3A_360 = tpu.memref_slice %arg10[%add3A_349, %dma_wait3A_359] : memref<10240x64xf32, #tpu.memory_space<vmem_shared>> -> memref<80x64xf32, #tpu.memory_space<vmem_shared>>
        tpu.wait_dma2 semaphore(%run_scoped3A : memref<!tpu.dma_semaphore, #tpu.memory_space<semaphore_mem>>) src(%dma_wait3A_360 : memref<80x64xf32, #tpu.memory_space<vmem_shared>>) dst(%arg9 : memref<80x64xf32, #tpu.memory_space<vmem>>)
        tpu.yield
      }) : () -> ()
      %mul3A_350 = arith.constant 10000 : i32
      %mul3A_351 = arith.muli %arg0, %mul3A_350 : i32
      %add3A_352 = arith.addi %mul3A_351, %add3A_349 : i32
      "tpu.region"() ({
        %run_scoped3A = tpu.sem_alloc : memref<!tpu.dma_semaphore, #tpu.memory_space<semaphore_mem>>
        %dma_start3A_353 = arith.constant 0 : i32
        %dma_start3A_354 = tpu.memref_slice %arg5[%add3A_352, %dma_start3A_353] : memref<20000x64xf32, #tpu.memory_space<hbm>> -> memref<80x64xf32, #tpu.memory_space<hbm>>
        %dma_start3A_355 = arith.constant 0 : i32
        %dma_start3A_356 = tpu.memref_slice %arg5[%add3A_352, %dma_start3A_355] : memref<20000x64xf32, #tpu.memory_space<hbm>> -> memref<80x64xf32, #tpu.memory_space<hbm>>
        tpu.enqueue_dma source(%arg9 : memref<80x64xf32, #tpu.memory_space<vmem>>) target(%dma_start3A_356 : memref<80x64xf32, #tpu.memory_space<hbm>>) target_semaphore(%run_scoped3A : memref<!tpu.dma_semaphore, #tpu.memory_space<semaphore_mem>>)
        %dma_wait3A_357 = arith.constant 0 : i32
        %dma_wait3A_358 = tpu.memref_slice %arg5[%add3A_352, %dma_wait3A_357] : memref<20000x64xf32, #tpu.memory_space<hbm>> -> memref<80x64xf32, #tpu.memory_space<hbm>>
        %dma_wait3A_359 = arith.constant 0 : i32
        %dma_wait3A_360 = tpu.memref_slice %arg5[%add3A_352, %dma_wait3A_359] : memref<20000x64xf32, #tpu.memory_space<hbm>> -> memref<80x64xf32, #tpu.memory_space<hbm>>
        tpu.wait_dma2 semaphore(%run_scoped3A : memref<!tpu.dma_semaphore, #tpu.memory_space<semaphore_mem>>) src(%arg9 : memref<80x64xf32, #tpu.memory_space<vmem>>) dst(%dma_wait3A_360 : memref<80x64xf32, #tpu.memory_space<hbm>>)
        tpu.yield
      }) : () -> ()
    }
    %while3A_345 = arith.constant 1 : i32
    scf.for %while3A_346 = %while3A_343 to %while3A_339 step %while3A_345  : i32 {
      %mul3A_347 = arith.constant 80 : i32
      %mul3A_348 = arith.muli %while3A_346, %mul3A_347 : i32
      %add3A_349 = arith.addi %mul3A_6, %mul3A_348 : i32
      "tpu.region"() ({
        %run_scoped3A = tpu.sem_alloc : memref<!tpu.dma_semaphore, #tpu.memory_space<semaphore_mem>>
        %dma_start3A_353 = arith.constant 0 : i32
        %dma_start3A_354 = tpu.memref_slice %arg10[%add3A_349, %dma_start3A_353] : memref<10240x64xf32, #tpu.memory_space<vmem_shared>> -> memref<80x64xf32, #tpu.memory_space<vmem_shared>>
        %dma_start3A_355 = arith.constant 0 : i32
        %dma_start3A_356 = tpu.memref_slice %arg10[%add3A_349, %dma_start3A_355] : memref<10240x64xf32, #tpu.memory_space<vmem_shared>> -> memref<80x64xf32, #tpu.memory_space<vmem_shared>>
        tpu.enqueue_dma source(%dma_start3A_356 : memref<80x64xf32, #tpu.memory_space<vmem_shared>>) target(%arg9 : memref<80x64xf32, #tpu.memory_space<vmem>>) target_semaphore(%run_scoped3A : memref<!tpu.dma_semaphore, #tpu.memory_space<semaphore_mem>>)
        %dma_wait3A_357 = arith.constant 0 : i32
        %dma_wait3A_358 = tpu.memref_slice %arg10[%add3A_349, %dma_wait3A_357] : memref<10240x64xf32, #tpu.memory_space<vmem_shared>> -> memref<80x64xf32, #tpu.memory_space<vmem_shared>>
        %dma_wait3A_359 = arith.constant 0 : i32
        %dma_wait3A_360 = tpu.memref_slice %arg10[%add3A_349, %dma_wait3A_359] : memref<10240x64xf32, #tpu.memory_space<vmem_shared>> -> memref<80x64xf32, #tpu.memory_space<vmem_shared>>
        tpu.wait_dma2 semaphore(%run_scoped3A : memref<!tpu.dma_semaphore, #tpu.memory_space<semaphore_mem>>) src(%dma_wait3A_360 : memref<80x64xf32, #tpu.memory_space<vmem_shared>>) dst(%arg9 : memref<80x64xf32, #tpu.memory_space<vmem>>)
        tpu.yield
      }) : () -> ()
      %mul3A_350 = arith.constant 10000 : i32
      %mul3A_351 = arith.muli %arg0, %mul3A_350 : i32
      %add3A_352 = arith.addi %mul3A_351, %add3A_349 : i32
      "tpu.region"() ({
        %run_scoped3A = tpu.sem_alloc : memref<!tpu.dma_semaphore, #tpu.memory_space<semaphore_mem>>
        %dma_start3A_353 = arith.constant 0 : i32
        %dma_start3A_354 = tpu.memref_slice %arg5[%add3A_352, %dma_start3A_353] : memref<20000x64xf32, #tpu.memory_space<hbm>> -> memref<80x64xf32, #tpu.memory_space<hbm>>
        %dma_start3A_355 = arith.constant 0 : i32
        %dma_start3A_356 = tpu.memref_slice %arg5[%add3A_352, %dma_start3A_355] : memref<20000x64xf32, #tpu.memory_space<hbm>> -> memref<80x64xf32, #tpu.memory_space<hbm>>
        tpu.enqueue_dma source(%arg9 : memref<80x64xf32, #tpu.memory_space<vmem>>) target(%dma_start3A_356 : memref<80x64xf32, #tpu.memory_space<hbm>>) target_semaphore(%run_scoped3A : memref<!tpu.dma_semaphore, #tpu.memory_space<semaphore_mem>>)
        %dma_wait3A_357 = arith.constant 0 : i32
        %dma_wait3A_358 = tpu.memref_slice %arg5[%add3A_352, %dma_wait3A_357] : memref<20000x64xf32, #tpu.memory_space<hbm>> -> memref<80x64xf32, #tpu.memory_space<hbm>>
        %dma_wait3A_359 = arith.constant 0 : i32
        %dma_wait3A_360 = tpu.memref_slice %arg5[%add3A_352, %dma_wait3A_359] : memref<20000x64xf32, #tpu.memory_space<hbm>> -> memref<80x64xf32, #tpu.memory_space<hbm>>
        tpu.wait_dma2 semaphore(%run_scoped3A : memref<!tpu.dma_semaphore, #tpu.memory_space<semaphore_mem>>) src(%arg9 : memref<80x64xf32, #tpu.memory_space<vmem>>) dst(%dma_wait3A_360 : memref<80x64xf32, #tpu.memory_space<hbm>>)
        tpu.yield
      }) : () -> ()
    }
    return
  }
}

#map = affine_map<(d0, d1) -> (0, 0)>
#map1 = affine_map<(d0, d1) -> (0, 0, 0)>
module attributes {stable_mosaic.version = 14 : i64} {
  func.func @seg_kernel(%arg0: i32, %arg1: i32, %arg2: memref<20000x64xf32, #tpu.memory_space<hbm>>, %arg3: memref<32x158x128xi32, #tpu.memory_space<hbm>>, %arg4: memref<16x158x128xi32, #tpu.memory_space<hbm>>, %arg5: memref<20000x64xf32, #tpu.memory_space<hbm>>, %arg6: memref<158x128xi32, #tpu.memory_space<vmem>>, %arg7: memref<158x128xi32, #tpu.memory_space<vmem>>, %arg8: memref<4x128x64xf32, #tpu.memory_space<vmem>>, %arg9: memref<80x64xf32, #tpu.memory_space<vmem>>, %arg10: memref<10240x64xf32, #tpu.memory_space<vmem_shared>>, %arg11: memref<!tpu.dma_semaphore, #tpu.memory_space<semaphore_mem>>, %arg12: memref<!tpu.dma_semaphore, #tpu.memory_space<semaphore_mem>>, %arg13: memref<!tpu.dma_semaphore, #tpu.memory_space<semaphore_mem>>, %arg14: memref<!tpu.dma_semaphore, #tpu.memory_space<semaphore_mem>>, %arg15: memref<!tpu.dma_semaphore, #tpu.memory_space<semaphore_mem>>, %arg16: memref<!tpu.dma_semaphore, #tpu.memory_space<semaphore_mem>>, %arg17: memref<!tpu.dma_semaphore, #tpu.memory_space<semaphore_mem>>, %arg18: memref<!tpu.dma_semaphore, #tpu.memory_space<semaphore_mem>>) attributes {dimension_semantics = [#tpu.dimension_semantics<core_parallel>, #tpu.dimension_semantics<subcore_parallel>], iteration_bounds = array<i64: 2, 16>, scalar_prefetch = 0 : i64, scratch_operands = 13 : i64, tpu.core_type = #tpu.core_type<sc_vector_subcore>, window_params = [{transform_indices = #map}, {transform_indices = #map1}, {transform_indices = #map1}, {transform_indices = #map}]} {
    %broadcast_in_dim3A = arith.constant 0.000000e+00 : f32
    %broadcast_in_dim3A_0 = vector.broadcast %broadcast_in_dim3A : f32 to vector<16xf32>
    %scan3A = arith.constant 0 : i32
    %scan3A_1 = arith.constant 0 : i32
    %scan3A_2 = arith.constant 80 : i32
    %scan3A_3 = arith.addi %scan3A_1, %scan3A_2 : i32
    %scan3A_4 = arith.constant 1 : i32
    scf.for %scan3A_346 = %scan3A_1 to %scan3A_3 step %scan3A_4  : i32 {
      %swap3A = arith.index_cast %scan3A_346 : i32 to index
      %swap3A_347 = arith.constant 0 : index
      %swap3A_348 = tpu.vector_load %arg9[%swap3A, %swap3A_347] {strides = array<i32>} : memref<80x64xf32, #tpu.memory_space<vmem>>, vector<1x16xf32>,
      %swap3A_349 = vector.shape_cast %swap3A_348 : vector<1x16xf32> to vector<16xf32>
      %swap3A_350 = vector.shape_cast %broadcast_in_dim3A_0 : vector<16xf32> to vector<1x16xf32>
      tpu.vector_store %arg9[%swap3A, %swap3A_347], %swap3A_350 {strides = array<i32>} : memref<80x64xf32, #tpu.memory_space<vmem>>, vector<1x16xf32>,
      %swap3A_351 = arith.index_cast %scan3A_346 : i32 to index
      %swap3A_352 = arith.constant 16 : index
      %swap3A_353 = tpu.vector_load %arg9[%swap3A_351, %swap3A_352] {strides = array<i32>} : memref<80x64xf32, #tpu.memory_space<vmem>>, vector<1x16xf32>,
      %swap3A_354 = vector.shape_cast %swap3A_353 : vector<1x16xf32> to vector<16xf32>
      %swap3A_355 = vector.shape_cast %broadcast_in_dim3A_0 : vector<16xf32> to vector<1x16xf32>
      tpu.vector_store %arg9[%swap3A_351, %swap3A_352], %swap3A_355 {strides = array<i32>} : memref<80x64xf32, #tpu.memory_space<vmem>>, vector<1x16xf32>,
      %swap3A_356 = arith.index_cast %scan3A_346 : i32 to index
      %swap3A_357 = arith.constant 32 : index
      %swap3A_358 = tpu.vector_load %arg9[%swap3A_356, %swap3A_357] {strides = array<i32>} : memref<80x64xf32, #tpu.memory_space<vmem>>, vector<1x16xf32>,
      %swap3A_359 = vector.shape_cast %swap3A_358 : vector<1x16xf32> to vector<16xf32>
      %swap3A_360 = vector.shape_cast %broadcast_in_dim3A_0 : vector<16xf32> to vector<1x16xf32>
      tpu.vector_store %arg9[%swap3A_356, %swap3A_357], %swap3A_360 {strides = array<i32>} : memref<80x64xf32, #tpu.memory_space<vmem>>, vector<1x16xf32>,
      %swap3A_361 = arith.index_cast %scan3A_346 : i32 to index
      %swap3A_362 = arith.constant 48 : index
      %swap3A_363 = tpu.vector_load %arg9[%swap3A_361, %swap3A_362] {strides = array<i32>} : memref<80x64xf32, #tpu.memory_space<vmem>>, vector<1x16xf32>,
      %swap3A_364 = vector.shape_cast %swap3A_363 : vector<1x16xf32> to vector<16xf32>
      %swap3A_365 = vector.shape_cast %broadcast_in_dim3A_0 : vector<16xf32> to vector<1x16xf32>
      tpu.vector_store %arg9[%swap3A_361, %swap3A_362], %swap3A_365 {strides = array<i32>} : memref<80x64xf32, #tpu.memory_space<vmem>>, vector<1x16xf32>,
    }
    %scan3A_5 = arith.constant 80 : i32
    %mul3A = arith.constant 640 : i32
    %mul3A_6 = arith.muli %arg1, %mul3A : i32
    %add3A = arith.constant 0 : i32
    %add3A_7 = arith.addi %mul3A_6, %add3A : i32
    "tpu.region"() ({
      %run_scoped3A = tpu.sem_alloc : memref<!tpu.dma_semaphore, #tpu.memory_space<semaphore_mem>>
      %dma_start3A_346 = arith.constant 0 : i32
      %dma_start3A_347 = tpu.memref_slice %arg10[%add3A_7, %dma_start3A_346] : memref<10240x64xf32, #tpu.memory_space<vmem_shared>> -> memref<80x64xf32, #tpu.memory_space<vmem_shared>>
      %dma_start3A_348 = arith.constant 0 : i32
      %dma_start3A_349 = tpu.memref_slice %arg10[%add3A_7, %dma_start3A_348] : memref<10240x64xf32, #tpu.memory_space<vmem_shared>> -> memref<80x64xf32, #tpu.memory_space<vmem_shared>>
      tpu.enqueue_dma source(%arg9 : memref<80x64xf32, #tpu.memory_space<vmem>>) target(%dma_start3A_349 : memref<80x64xf32, #tpu.memory_space<vmem_shared>>) target_semaphore(%run_scoped3A : memref<!tpu.dma_semaphore, #tpu.memory_space<semaphore_mem>>)
      %dma_wait3A_350 = arith.constant 0 : i32
      %dma_wait3A_351 = tpu.memref_slice %arg10[%add3A_7, %dma_wait3A_350] : memref<10240x64xf32, #tpu.memory_space<vmem_shared>> -> memref<80x64xf32, #tpu.memory_space<vmem_shared>>
      %dma_wait3A_352 = arith.constant 0 : i32
      %dma_wait3A_353 = tpu.memref_slice %arg10[%add3A_7, %dma_wait3A_352] : memref<10240x64xf32, #tpu.memory_space<vmem_shared>> -> memref<80x64xf32, #tpu.memory_space<vmem_shared>>
      tpu.wait_dma2 semaphore(%run_scoped3A : memref<!tpu.dma_semaphore, #tpu.memory_space<semaphore_mem>>) src(%arg9 : memref<80x64xf32, #tpu.memory_space<vmem>>) dst(%dma_wait3A_353 : memref<80x64xf32, #tpu.memory_space<vmem_shared>>)
      tpu.yield
    }) : () -> ()
    %add3A_8 = arith.constant 80 : i32
    %add3A_9 = arith.addi %mul3A_6, %add3A_8 : i32
    "tpu.region"() ({
      %run_scoped3A = tpu.sem_alloc : memref<!tpu.dma_semaphore, #tpu.memory_space<semaphore_mem>>
      %dma_start3A_346 = arith.constant 0 : i32
      %dma_start3A_347 = tpu.memref_slice %arg10[%add3A_9, %dma_start3A_346] : memref<10240x64xf32, #tpu.memory_space<vmem_shared>> -> memref<80x64xf32, #tpu.memory_space<vmem_shared>>
      %dma_start3A_348 = arith.constant 0 : i32
      %dma_start3A_349 = tpu.memref_slice %arg10[%add3A_9, %dma_start3A_348] : memref<10240x64xf32, #tpu.memory_space<vmem_shared>> -> memref<80x64xf32, #tpu.memory_space<vmem_shared>>
      tpu.enqueue_dma source(%arg9 : memref<80x64xf32, #tpu.memory_space<vmem>>) target(%dma_start3A_349 : memref<80x64xf32, #tpu.memory_space<vmem_shared>>) target_semaphore(%run_scoped3A : memref<!tpu.dma_semaphore, #tpu.memory_space<semaphore_mem>>)
      %dma_wait3A_350 = arith.constant 0 : i32
      %dma_wait3A_351 = tpu.memref_slice %arg10[%add3A_9, %dma_wait3A_350] : memref<10240x64xf32, #tpu.memory_space<vmem_shared>> -> memref<80x64xf32, #tpu.memory_space<vmem_shared>>
      %dma_wait3A_352 = arith.constant 0 : i32
      %dma_wait3A_353 = tpu.memref_slice %arg10[%add3A_9, %dma_wait3A_352] : memref<10240x64xf32, #tpu.memory_space<vmem_shared>> -> memref<80x64xf32, #tpu.memory_space<vmem_shared>>
      tpu.wait_dma2 semaphore(%run_scoped3A : memref<!tpu.dma_semaphore, #tpu.memory_space<semaphore_mem>>) src(%arg9 : memref<80x64xf32, #tpu.memory_space<vmem>>) dst(%dma_wait3A_353 : memref<80x64xf32, #tpu.memory_space<vmem_shared>>)
      tpu.yield
    }) : () -> ()
    %add3A_10 = arith.constant 160 : i32
    %add3A_11 = arith.addi %mul3A_6, %add3A_10 : i32
    "tpu.region"() ({
      %run_scoped3A = tpu.sem_alloc : memref<!tpu.dma_semaphore, #tpu.memory_space<semaphore_mem>>
      %dma_start3A_346 = arith.constant 0 : i32
      %dma_start3A_347 = tpu.memref_slice %arg10[%add3A_11, %dma_start3A_346] : memref<10240x64xf32, #tpu.memory_space<vmem_shared>> -> memref<80x64xf32, #tpu.memory_space<vmem_shared>>
      %dma_start3A_348 = arith.constant 0 : i32
      %dma_start3A_349 = tpu.memref_slice %arg10[%add3A_11, %dma_start3A_348] : memref<10240x64xf32, #tpu.memory_space<vmem_shared>> -> memref<80x64xf32, #tpu.memory_space<vmem_shared>>
      tpu.enqueue_dma source(%arg9 : memref<80x64xf32, #tpu.memory_space<vmem>>) target(%dma_start3A_349 : memref<80x64xf32, #tpu.memory_space<vmem_shared>>) target_semaphore(%run_scoped3A : memref<!tpu.dma_semaphore, #tpu.memory_space<semaphore_mem>>)
      %dma_wait3A_350 = arith.constant 0 : i32
      %dma_wait3A_351 = tpu.memref_slice %arg10[%add3A_11, %dma_wait3A_350] : memref<10240x64xf32, #tpu.memory_space<vmem_shared>> -> memref<80x64xf32, #tpu.memory_space<vmem_shared>>
      %dma_wait3A_352 = arith.constant 0 : i32
      %dma_wait3A_353 = tpu.memref_slice %arg10[%add3A_11, %dma_wait3A_352] : memref<10240x64xf32, #tpu.memory_space<vmem_shared>> -> memref<80x64xf32, #tpu.memory_space<vmem_shared>>
      tpu.wait_dma2 semaphore(%run_scoped3A : memref<!tpu.dma_semaphore, #tpu.memory_space<semaphore_mem>>) src(%arg9 : memref<80x64xf32, #tpu.memory_space<vmem>>) dst(%dma_wait3A_353 : memref<80x64xf32, #tpu.memory_space<vmem_shared>>)
      tpu.yield
    }) : () -> ()
    %add3A_12 = arith.constant 240 : i32
    %add3A_13 = arith.addi %mul3A_6, %add3A_12 : i32
    "tpu.region"() ({
      %run_scoped3A = tpu.sem_alloc : memref<!tpu.dma_semaphore, #tpu.memory_space<semaphore_mem>>
      %dma_start3A_346 = arith.constant 0 : i32
      %dma_start3A_347 = tpu.memref_slice %arg10[%add3A_13, %dma_start3A_346] : memref<10240x64xf32, #tpu.memory_space<vmem_shared>> -> memref<80x64xf32, #tpu.memory_space<vmem_shared>>
      %dma_start3A_348 = arith.constant 0 : i32
      %dma_start3A_349 = tpu.memref_slice %arg10[%add3A_13, %dma_start3A_348] : memref<10240x64xf32, #tpu.memory_space<vmem_shared>> -> memref<80x64xf32, #tpu.memory_space<vmem_shared>>
      tpu.enqueue_dma source(%arg9 : memref<80x64xf32, #tpu.memory_space<vmem>>) target(%dma_start3A_349 : memref<80x64xf32, #tpu.memory_space<vmem_shared>>) target_semaphore(%run_scoped3A : memref<!tpu.dma_semaphore, #tpu.memory_space<semaphore_mem>>)
      %dma_wait3A_350 = arith.constant 0 : i32
      %dma_wait3A_351 = tpu.memref_slice %arg10[%add3A_13, %dma_wait3A_350] : memref<10240x64xf32, #tpu.memory_space<vmem_shared>> -> memref<80x64xf32, #tpu.memory_space<vmem_shared>>
      %dma_wait3A_352 = arith.constant 0 : i32
      %dma_wait3A_353 = tpu.memref_slice %arg10[%add3A_13, %dma_wait3A_352] : memref<10240x64xf32, #tpu.memory_space<vmem_shared>> -> memref<80x64xf32, #tpu.memory_space<vmem_shared>>
      tpu.wait_dma2 semaphore(%run_scoped3A : memref<!tpu.dma_semaphore, #tpu.memory_space<semaphore_mem>>) src(%arg9 : memref<80x64xf32, #tpu.memory_space<vmem>>) dst(%dma_wait3A_353 : memref<80x64xf32, #tpu.memory_space<vmem_shared>>)
      tpu.yield
    }) : () -> ()
    %add3A_14 = arith.constant 320 : i32
    %add3A_15 = arith.addi %mul3A_6, %add3A_14 : i32
    "tpu.region"() ({
      %run_scoped3A = tpu.sem_alloc : memref<!tpu.dma_semaphore, #tpu.memory_space<semaphore_mem>>
      %dma_start3A_346 = arith.constant 0 : i32
      %dma_start3A_347 = tpu.memref_slice %arg10[%add3A_15, %dma_start3A_346] : memref<10240x64xf32, #tpu.memory_space<vmem_shared>> -> memref<80x64xf32, #tpu.memory_space<vmem_shared>>
      %dma_start3A_348 = arith.constant 0 : i32
      %dma_start3A_349 = tpu.memref_slice %arg10[%add3A_15, %dma_start3A_348] : memref<10240x64xf32, #tpu.memory_space<vmem_shared>> -> memref<80x64xf32, #tpu.memory_space<vmem_shared>>
      tpu.enqueue_dma source(%arg9 : memref<80x64xf32, #tpu.memory_space<vmem>>) target(%dma_start3A_349 : memref<80x64xf32, #tpu.memory_space<vmem_shared>>) target_semaphore(%run_scoped3A : memref<!tpu.dma_semaphore, #tpu.memory_space<semaphore_mem>>)
      %dma_wait3A_350 = arith.constant 0 : i32
      %dma_wait3A_351 = tpu.memref_slice %arg10[%add3A_15, %dma_wait3A_350] : memref<10240x64xf32, #tpu.memory_space<vmem_shared>> -> memref<80x64xf32, #tpu.memory_space<vmem_shared>>
      %dma_wait3A_352 = arith.constant 0 : i32
      %dma_wait3A_353 = tpu.memref_slice %arg10[%add3A_15, %dma_wait3A_352] : memref<10240x64xf32, #tpu.memory_space<vmem_shared>> -> memref<80x64xf32, #tpu.memory_space<vmem_shared>>
      tpu.wait_dma2 semaphore(%run_scoped3A : memref<!tpu.dma_semaphore, #tpu.memory_space<semaphore_mem>>) src(%arg9 : memref<80x64xf32, #tpu.memory_space<vmem>>) dst(%dma_wait3A_353 : memref<80x64xf32, #tpu.memory_space<vmem_shared>>)
      tpu.yield
    }) : () -> ()
    %add3A_16 = arith.constant 400 : i32
    %add3A_17 = arith.addi %mul3A_6, %add3A_16 : i32
    "tpu.region"() ({
      %run_scoped3A = tpu.sem_alloc : memref<!tpu.dma_semaphore, #tpu.memory_space<semaphore_mem>>
      %dma_start3A_346 = arith.constant 0 : i32
      %dma_start3A_347 = tpu.memref_slice %arg10[%add3A_17, %dma_start3A_346] : memref<10240x64xf32, #tpu.memory_space<vmem_shared>> -> memref<80x64xf32, #tpu.memory_space<vmem_shared>>
      %dma_start3A_348 = arith.constant 0 : i32
      %dma_start3A_349 = tpu.memref_slice %arg10[%add3A_17, %dma_start3A_348] : memref<10240x64xf32, #tpu.memory_space<vmem_shared>> -> memref<80x64xf32, #tpu.memory_space<vmem_shared>>
      tpu.enqueue_dma source(%arg9 : memref<80x64xf32, #tpu.memory_space<vmem>>) target(%dma_start3A_349 : memref<80x64xf32, #tpu.memory_space<vmem_shared>>) target_semaphore(%run_scoped3A : memref<!tpu.dma_semaphore, #tpu.memory_space<semaphore_mem>>)
      %dma_wait3A_350 = arith.constant 0 : i32
      %dma_wait3A_351 = tpu.memref_slice %arg10[%add3A_17, %dma_wait3A_350] : memref<10240x64xf32, #tpu.memory_space<vmem_shared>> -> memref<80x64xf32, #tpu.memory_space<vmem_shared>>
      %dma_wait3A_352 = arith.constant 0 : i32
      %dma_wait3A_353 = tpu.memref_slice %arg10[%add3A_17, %dma_wait3A_352] : memref<10240x64xf32, #tpu.memory_space<vmem_shared>> -> memref<80x64xf32, #tpu.memory_space<vmem_shared>>
      tpu.wait_dma2 semaphore(%run_scoped3A : memref<!tpu.dma_semaphore, #tpu.memory_space<semaphore_mem>>) src(%arg9 : memref<80x64xf32, #tpu.memory_space<vmem>>) dst(%dma_wait3A_353 : memref<80x64xf32, #tpu.memory_space<vmem_shared>>)
      tpu.yield
    }) : () -> ()
    %add3A_18 = arith.constant 480 : i32
    %add3A_19 = arith.addi %mul3A_6, %add3A_18 : i32
    "tpu.region"() ({
      %run_scoped3A = tpu.sem_alloc : memref<!tpu.dma_semaphore, #tpu.memory_space<semaphore_mem>>
      %dma_start3A_346 = arith.constant 0 : i32
      %dma_start3A_347 = tpu.memref_slice %arg10[%add3A_19, %dma_start3A_346] : memref<10240x64xf32, #tpu.memory_space<vmem_shared>> -> memref<80x64xf32, #tpu.memory_space<vmem_shared>>
      %dma_start3A_348 = arith.constant 0 : i32
      %dma_start3A_349 = tpu.memref_slice %arg10[%add3A_19, %dma_start3A_348] : memref<10240x64xf32, #tpu.memory_space<vmem_shared>> -> memref<80x64xf32, #tpu.memory_space<vmem_shared>>
      tpu.enqueue_dma source(%arg9 : memref<80x64xf32, #tpu.memory_space<vmem>>) target(%dma_start3A_349 : memref<80x64xf32, #tpu.memory_space<vmem_shared>>) target_semaphore(%run_scoped3A : memref<!tpu.dma_semaphore, #tpu.memory_space<semaphore_mem>>)
      %dma_wait3A_350 = arith.constant 0 : i32
      %dma_wait3A_351 = tpu.memref_slice %arg10[%add3A_19, %dma_wait3A_350] : memref<10240x64xf32, #tpu.memory_space<vmem_shared>> -> memref<80x64xf32, #tpu.memory_space<vmem_shared>>
      %dma_wait3A_352 = arith.constant 0 : i32
      %dma_wait3A_353 = tpu.memref_slice %arg10[%add3A_19, %dma_wait3A_352] : memref<10240x64xf32, #tpu.memory_space<vmem_shared>> -> memref<80x64xf32, #tpu.memory_space<vmem_shared>>
      tpu.wait_dma2 semaphore(%run_scoped3A : memref<!tpu.dma_semaphore, #tpu.memory_space<semaphore_mem>>) src(%arg9 : memref<80x64xf32, #tpu.memory_space<vmem>>) dst(%dma_wait3A_353 : memref<80x64xf32, #tpu.memory_space<vmem_shared>>)
      tpu.yield
    }) : () -> ()
    %add3A_20 = arith.constant 560 : i32
    %add3A_21 = arith.addi %mul3A_6, %add3A_20 : i32
    "tpu.region"() ({
      %run_scoped3A = tpu.sem_alloc : memref<!tpu.dma_semaphore, #tpu.memory_space<semaphore_mem>>
      %dma_start3A_346 = arith.constant 0 : i32
      %dma_start3A_347 = tpu.memref_slice %arg10[%add3A_21, %dma_start3A_346] : memref<10240x64xf32, #tpu.memory_space<vmem_shared>> -> memref<80x64xf32, #tpu.memory_space<vmem_shared>>
      %dma_start3A_348 = arith.constant 0 : i32
      %dma_start3A_349 = tpu.memref_slice %arg10[%add3A_21, %dma_start3A_348] : memref<10240x64xf32, #tpu.memory_space<vmem_shared>> -> memref<80x64xf32, #tpu.memory_space<vmem_shared>>
      tpu.enqueue_dma source(%arg9 : memref<80x64xf32, #tpu.memory_space<vmem>>) target(%dma_start3A_349 : memref<80x64xf32, #tpu.memory_space<vmem_shared>>) target_semaphore(%run_scoped3A : memref<!tpu.dma_semaphore, #tpu.memory_space<semaphore_mem>>)
      %dma_wait3A_350 = arith.constant 0 : i32
      %dma_wait3A_351 = tpu.memref_slice %arg10[%add3A_21, %dma_wait3A_350] : memref<10240x64xf32, #tpu.memory_space<vmem_shared>> -> memref<80x64xf32, #tpu.memory_space<vmem_shared>>
      %dma_wait3A_352 = arith.constant 0 : i32
      %dma_wait3A_353 = tpu.memref_slice %arg10[%add3A_21, %dma_wait3A_352] : memref<10240x64xf32, #tpu.memory_space<vmem_shared>> -> memref<80x64xf32, #tpu.memory_space<vmem_shared>>
      tpu.wait_dma2 semaphore(%run_scoped3A : memref<!tpu.dma_semaphore, #tpu.memory_space<semaphore_mem>>) src(%arg9 : memref<80x64xf32, #tpu.memory_space<vmem>>) dst(%dma_wait3A_353 : memref<80x64xf32, #tpu.memory_space<vmem_shared>>)
      tpu.yield
    }) : () -> ()
    %barrier3A = arith.constant 0 : index
    tpu.barrier barrier_id(%barrier3A)
    %mul3A_22 = arith.constant 16 : i32
    %mul3A_23 = arith.muli %arg0, %mul3A_22 : i32
    %add3A_24 = arith.addi %mul3A_23, %arg1 : i32
    "tpu.region"() ({
      %run_scoped3A = tpu.sem_alloc : memref<!tpu.dma_semaphore, #tpu.memory_space<semaphore_mem>>
      %dma_start3A_346 = arith.constant 0 : i32
      %dma_start3A_347 = arith.constant 0 : i32
      %dma_start3A_348 = tpu.memref_slice %arg3[%add3A_24, %dma_start3A_346, %dma_start3A_347] : memref<32x158x128xi32, #tpu.memory_space<hbm>> -> memref<1x158x128xi32, #tpu.memory_space<hbm>>
      %dma_start3A_349 = tpu.memref_squeeze %dma_start3A_348 : memref<1x158x128xi32, #tpu.memory_space<hbm>> -> memref<158x128xi32, #tpu.memory_space<hbm>>
      %dma_start3A_350 = arith.constant 0 : i32
      %dma_start3A_351 = arith.constant 0 : i32
      %dma_start3A_352 = tpu.memref_slice %arg3[%add3A_24, %dma_start3A_350, %dma_start3A_351] : memref<32x158x128xi32, #tpu.memory_space<hbm>> -> memref<1x158x128xi32, #tpu.memory_space<hbm>>
      %dma_start3A_353 = tpu.memref_squeeze %dma_start3A_352 : memref<1x158x128xi32, #tpu.memory_space<hbm>> -> memref<158x128xi32, #tpu.memory_space<hbm>>
      tpu.enqueue_dma source(%dma_start3A_353 : memref<158x128xi32, #tpu.memory_space<hbm>>) target(%arg6 : memref<158x128xi32, #tpu.memory_space<vmem>>) target_semaphore(%run_scoped3A : memref<!tpu.dma_semaphore, #tpu.memory_space<semaphore_mem>>)
      %dma_wait3A_354 = arith.constant 0 : i32
      %dma_wait3A_355 = arith.constant 0 : i32
      %dma_wait3A_356 = tpu.memref_slice %arg3[%add3A_24, %dma_wait3A_354, %dma_wait3A_355] : memref<32x158x128xi32, #tpu.memory_space<hbm>> -> memref<1x158x128xi32, #tpu.memory_space<hbm>>
      %dma_wait3A_357 = tpu.memref_squeeze %dma_wait3A_356 : memref<1x158x128xi32, #tpu.memory_space<hbm>> -> memref<158x128xi32, #tpu.memory_space<hbm>>
      %dma_wait3A_358 = arith.constant 0 : i32
      %dma_wait3A_359 = arith.constant 0 : i32
      %dma_wait3A_360 = tpu.memref_slice %arg3[%add3A_24, %dma_wait3A_358, %dma_wait3A_359] : memref<32x158x128xi32, #tpu.memory_space<hbm>> -> memref<1x158x128xi32, #tpu.memory_space<hbm>>
      %dma_wait3A_361 = tpu.memref_squeeze %dma_wait3A_360 : memref<1x158x128xi32, #tpu.memory_space<hbm>> -> memref<158x128xi32, #tpu.memory_space<hbm>>
      tpu.wait_dma2 semaphore(%run_scoped3A : memref<!tpu.dma_semaphore, #tpu.memory_space<semaphore_mem>>) src(%dma_wait3A_361 : memref<158x128xi32, #tpu.memory_space<hbm>>) dst(%arg6 : memref<158x128xi32, #tpu.memory_space<vmem>>)
      tpu.yield
    }) : () -> ()
    "tpu.region"() ({
      %run_scoped3A = tpu.sem_alloc : memref<!tpu.dma_semaphore, #tpu.memory_space<semaphore_mem>>
      %dma_start3A_346 = arith.constant 0 : i32
      %dma_start3A_347 = arith.constant 0 : i32
      %dma_start3A_348 = tpu.memref_slice %arg4[%arg1, %dma_start3A_346, %dma_start3A_347] : memref<16x158x128xi32, #tpu.memory_space<hbm>> -> memref<1x158x128xi32, #tpu.memory_space<hbm>>
      %dma_start3A_349 = tpu.memref_squeeze %dma_start3A_348 : memref<1x158x128xi32, #tpu.memory_space<hbm>> -> memref<158x128xi32, #tpu.memory_space<hbm>>
      %dma_start3A_350 = arith.constant 0 : i32
      %dma_start3A_351 = arith.constant 0 : i32
      %dma_start3A_352 = tpu.memref_slice %arg4[%arg1, %dma_start3A_350, %dma_start3A_351] : memref<16x158x128xi32, #tpu.memory_space<hbm>> -> memref<1x158x128xi32, #tpu.memory_space<hbm>>
      %dma_start3A_353 = tpu.memref_squeeze %dma_start3A_352 : memref<1x158x128xi32, #tpu.memory_space<hbm>> -> memref<158x128xi32, #tpu.memory_space<hbm>>
      tpu.enqueue_dma source(%dma_start3A_353 : memref<158x128xi32, #tpu.memory_space<hbm>>) target(%arg7 : memref<158x128xi32, #tpu.memory_space<vmem>>) target_semaphore(%run_scoped3A : memref<!tpu.dma_semaphore, #tpu.memory_space<semaphore_mem>>)
      %dma_wait3A_354 = arith.constant 0 : i32
      %dma_wait3A_355 = arith.constant 0 : i32
      %dma_wait3A_356 = tpu.memref_slice %arg4[%arg1, %dma_wait3A_354, %dma_wait3A_355] : memref<16x158x128xi32, #tpu.memory_space<hbm>> -> memref<1x158x128xi32, #tpu.memory_space<hbm>>
      %dma_wait3A_357 = tpu.memref_squeeze %dma_wait3A_356 : memref<1x158x128xi32, #tpu.memory_space<hbm>> -> memref<158x128xi32, #tpu.memory_space<hbm>>
      %dma_wait3A_358 = arith.constant 0 : i32
      %dma_wait3A_359 = arith.constant 0 : i32
      %dma_wait3A_360 = tpu.memref_slice %arg4[%arg1, %dma_wait3A_358, %dma_wait3A_359] : memref<16x158x128xi32, #tpu.memory_space<hbm>> -> memref<1x158x128xi32, #tpu.memory_space<hbm>>
      %dma_wait3A_361 = tpu.memref_squeeze %dma_wait3A_360 : memref<1x158x128xi32, #tpu.memory_space<hbm>> -> memref<158x128xi32, #tpu.memory_space<hbm>>
      tpu.wait_dma2 semaphore(%run_scoped3A : memref<!tpu.dma_semaphore, #tpu.memory_space<semaphore_mem>>) src(%dma_wait3A_361 : memref<158x128xi32, #tpu.memory_space<hbm>>) dst(%arg7 : memref<158x128xi32, #tpu.memory_space<vmem>>)
      tpu.yield
    }) : () -> ()
    %dma_start3A = arith.constant 0 : i32
    %dma_start3A_25 = arith.constant 0 : i32
    %dma_start3A_26 = arith.constant 0 : i32
    %dma_start3A_27 = arith.constant 0 : i32
    %dma_start3A_28 = tpu.memref_slice %arg8[%dma_start3A_25, %dma_start3A_26, %dma_start3A_27] : memref<4x128x64xf32, #tpu.memory_space<vmem>> -> memref<1x128x64xf32, #tpu.memory_space<vmem>>
    %dma_start3A_29 = tpu.memref_squeeze %dma_start3A_28 : memref<1x128x64xf32, #tpu.memory_space<vmem>> -> memref<128x64xf32, #tpu.memory_space<vmem>>
    %dma_start3A_30 = arith.constant 0 : i32
    %dma_start3A_31 = tpu.memref_slice %arg6[%dma_start3A, %dma_start3A_30] : memref<158x128xi32, #tpu.memory_space<vmem>> -> memref<1x128xi32, #tpu.memory_space<vmem>>
    %dma_start3A_32 = tpu.memref_squeeze %dma_start3A_31 : memref<1x128xi32, #tpu.memory_space<vmem>> -> memref<128xi32, #tpu.memory_space<vmem>>
    %dma_start3A_33 = arith.constant 0 : i32
    %dma_start3A_34 = arith.constant 0 : i32
    %dma_start3A_35 = tpu.memref_slice %arg2[%dma_start3A_33, %dma_start3A_34] : memref<20000x64xf32, #tpu.memory_space<hbm>> -> memref<20000x64xf32, #tpu.memory_space<hbm>>
    tpu.enqueue_indirect_dma source(%dma_start3A_35 : memref<20000x64xf32, #tpu.memory_space<hbm>>) target(%dma_start3A_29 : memref<128x64xf32, #tpu.memory_space<vmem>>) offsets(%dma_start3A_32 : memref<128xi32, #tpu.memory_space<vmem>>) semaphore(%arg11 : memref<!tpu.dma_semaphore, #tpu.memory_space<semaphore_mem>>)
    %dma_start3A_36 = arith.constant 1 : i32
    %dma_start3A_37 = arith.constant 1 : i32
    %dma_start3A_38 = arith.constant 0 : i32
    %dma_start3A_39 = arith.constant 0 : i32
    %dma_start3A_40 = tpu.memref_slice %arg8[%dma_start3A_37, %dma_start3A_38, %dma_start3A_39] : memref<4x128x64xf32, #tpu.memory_space<vmem>> -> memref<1x128x64xf32, #tpu.memory_space<vmem>>
    %dma_start3A_41 = tpu.memref_squeeze %dma_start3A_40 : memref<1x128x64xf32, #tpu.memory_space<vmem>> -> memref<128x64xf32, #tpu.memory_space<vmem>>
    %dma_start3A_42 = arith.constant 0 : i32
    %dma_start3A_43 = tpu.memref_slice %arg6[%dma_start3A_36, %dma_start3A_42] : memref<158x128xi32, #tpu.memory_space<vmem>> -> memref<1x128xi32, #tpu.memory_space<vmem>>
    %dma_start3A_44 = tpu.memref_squeeze %dma_start3A_43 : memref<1x128xi32, #tpu.memory_space<vmem>> -> memref<128xi32, #tpu.memory_space<vmem>>
    %dma_start3A_45 = arith.constant 0 : i32
    %dma_start3A_46 = arith.constant 0 : i32
    %dma_start3A_47 = tpu.memref_slice %arg2[%dma_start3A_45, %dma_start3A_46] : memref<20000x64xf32, #tpu.memory_space<hbm>> -> memref<20000x64xf32, #tpu.memory_space<hbm>>
    tpu.enqueue_indirect_dma source(%dma_start3A_47 : memref<20000x64xf32, #tpu.memory_space<hbm>>) target(%dma_start3A_41 : memref<128x64xf32, #tpu.memory_space<vmem>>) offsets(%dma_start3A_44 : memref<128xi32, #tpu.memory_space<vmem>>) semaphore(%arg12 : memref<!tpu.dma_semaphore, #tpu.memory_space<semaphore_mem>>)
    %dma_wait3A = arith.constant 0 : i32
    %dma_wait3A_48 = arith.constant 0 : i32
    %dma_wait3A_49 = arith.constant 0 : i32
    %dma_wait3A_50 = arith.constant 0 : i32
    %dma_wait3A_51 = tpu.memref_slice %arg8[%dma_wait3A_48, %dma_wait3A_49, %dma_wait3A_50] : memref<4x128x64xf32, #tpu.memory_space<vmem>> -> memref<1x128x64xf32, #tpu.memory_space<vmem>>
    %dma_wait3A_52 = tpu.memref_squeeze %dma_wait3A_51 : memref<1x128x64xf32, #tpu.memory_space<vmem>> -> memref<128x64xf32, #tpu.memory_space<vmem>>
    %dma_wait3A_53 = arith.constant 0 : i32
    %dma_wait3A_54 = tpu.memref_slice %arg6[%dma_wait3A, %dma_wait3A_53] : memref<158x128xi32, #tpu.memory_space<vmem>> -> memref<1x128xi32, #tpu.memory_space<vmem>>
    %dma_wait3A_55 = tpu.memref_squeeze %dma_wait3A_54 : memref<1x128xi32, #tpu.memory_space<vmem>> -> memref<128xi32, #tpu.memory_space<vmem>>
    %dma_wait3A_56 = arith.constant 0 : i32
    %dma_wait3A_57 = arith.constant 0 : i32
    %dma_wait3A_58 = tpu.memref_slice %arg2[%dma_wait3A_56, %dma_wait3A_57] : memref<20000x64xf32, #tpu.memory_space<hbm>> -> memref<20000x64xf32, #tpu.memory_space<hbm>>
    tpu.wait_indirect_dma semaphore(%arg11 : memref<!tpu.dma_semaphore, #tpu.memory_space<semaphore_mem>>) src(%dma_wait3A_58 : memref<20000x64xf32, #tpu.memory_space<hbm>>) dst(%dma_wait3A_52 : memref<128x64xf32, #tpu.memory_space<vmem>>)
    %dma_start3A_59 = arith.constant 0 : i32
    %dma_start3A_60 = arith.constant 0 : i32
    %dma_start3A_61 = arith.constant 0 : i32
    %dma_start3A_62 = arith.constant 0 : i32
    %dma_start3A_63 = tpu.memref_slice %arg8[%dma_start3A_59, %dma_start3A_61, %dma_start3A_62] : memref<4x128x64xf32, #tpu.memory_space<vmem>> -> memref<1x128x64xf32, #tpu.memory_space<vmem>>
    %dma_start3A_64 = tpu.memref_squeeze %dma_start3A_63 : memref<1x128x64xf32, #tpu.memory_space<vmem>> -> memref<128x64xf32, #tpu.memory_space<vmem>>
    %dma_start3A_65 = arith.constant 0 : i32
    %dma_start3A_66 = tpu.memref_slice %arg7[%dma_start3A_60, %dma_start3A_65] : memref<158x128xi32, #tpu.memory_space<vmem>> -> memref<1x128xi32, #tpu.memory_space<vmem>>
    %dma_start3A_67 = tpu.memref_squeeze %dma_start3A_66 : memref<1x128xi32, #tpu.memory_space<vmem>> -> memref<128xi32, #tpu.memory_space<vmem>>
    %dma_start3A_68 = arith.constant 0 : i32
    %dma_start3A_69 = arith.constant 0 : i32
    %dma_start3A_70 = tpu.memref_slice %arg10[%dma_start3A_68, %dma_start3A_69] : memref<10240x64xf32, #tpu.memory_space<vmem_shared>> -> memref<10240x64xf32, #tpu.memory_space<vmem_shared>>
    tpu.enqueue_indirect_dma source(%dma_start3A_64 : memref<128x64xf32, #tpu.memory_space<vmem>>) target(%dma_start3A_70 : memref<10240x64xf32, #tpu.memory_space<vmem_shared>>) offsets(%dma_start3A_67 : memref<128xi32, #tpu.memory_space<vmem>>) semaphore(%arg15 : memref<!tpu.dma_semaphore, #tpu.memory_space<semaphore_mem>>) {add = true}
    %dma_start3A_71 = arith.constant 2 : i32
    %dma_start3A_72 = arith.constant 2 : i32
    %dma_start3A_73 = arith.constant 0 : i32
    %dma_start3A_74 = arith.constant 0 : i32
    %dma_start3A_75 = tpu.memref_slice %arg8[%dma_start3A_72, %dma_start3A_73, %dma_start3A_74] : memref<4x128x64xf32, #tpu.memory_space<vmem>> -> memref<1x128x64xf32, #tpu.memory_space<vmem>>
    %dma_start3A_76 = tpu.memref_squeeze %dma_start3A_75 : memref<1x128x64xf32, #tpu.memory_space<vmem>> -> memref<128x64xf32, #tpu.memory_space<vmem>>
    %dma_start3A_77 = arith.constant 0 : i32
    %dma_start3A_78 = tpu.memref_slice %arg6[%dma_start3A_71, %dma_start3A_77] : memref<158x128xi32, #tpu.memory_space<vmem>> -> memref<1x128xi32, #tpu.memory_space<vmem>>
    %dma_start3A_79 = tpu.memref_squeeze %dma_start3A_78 : memref<1x128xi32, #tpu.memory_space<vmem>> -> memref<128xi32, #tpu.memory_space<vmem>>
    %dma_start3A_80 = arith.constant 0 : i32
    %dma_start3A_81 = arith.constant 0 : i32
    %dma_start3A_82 = tpu.memref_slice %arg2[%dma_start3A_80, %dma_start3A_81] : memref<20000x64xf32, #tpu.memory_space<hbm>> -> memref<20000x64xf32, #tpu.memory_space<hbm>>
    tpu.enqueue_indirect_dma source(%dma_start3A_82 : memref<20000x64xf32, #tpu.memory_space<hbm>>) target(%dma_start3A_76 : memref<128x64xf32, #tpu.memory_space<vmem>>) offsets(%dma_start3A_79 : memref<128xi32, #tpu.memory_space<vmem>>) semaphore(%arg13 : memref<!tpu.dma_semaphore, #tpu.memory_space<semaphore_mem>>)
    %dma_wait3A_83 = arith.constant 1 : i32
    %dma_wait3A_84 = arith.constant 1 : i32
    %dma_wait3A_85 = arith.constant 0 : i32
    %dma_wait3A_86 = arith.constant 0 : i32
    %dma_wait3A_87 = tpu.memref_slice %arg8[%dma_wait3A_84, %dma_wait3A_85, %dma_wait3A_86] : memref<4x128x64xf32, #tpu.memory_space<vmem>> -> memref<1x128x64xf32, #tpu.memory_space<vmem>>
    %dma_wait3A_88 = tpu.memref_squeeze %dma_wait3A_87 : memref<1x128x64xf32, #tpu.memory_space<vmem>> -> memref<128x64xf32, #tpu.memory_space<vmem>>
    %dma_wait3A_89 = arith.constant 0 : i32
    %dma_wait3A_90 = tpu.memref_slice %arg6[%dma_wait3A_83, %dma_wait3A_89] : memref<158x128xi32, #tpu.memory_space<vmem>> -> memref<1x128xi32, #tpu.memory_space<vmem>>
    %dma_wait3A_91 = tpu.memref_squeeze %dma_wait3A_90 : memref<1x128xi32, #tpu.memory_space<vmem>> -> memref<128xi32, #tpu.memory_space<vmem>>
    %dma_wait3A_92 = arith.constant 0 : i32
    %dma_wait3A_93 = arith.constant 0 : i32
    %dma_wait3A_94 = tpu.memref_slice %arg2[%dma_wait3A_92, %dma_wait3A_93] : memref<20000x64xf32, #tpu.memory_space<hbm>> -> memref<20000x64xf32, #tpu.memory_space<hbm>>
    tpu.wait_indirect_dma semaphore(%arg12 : memref<!tpu.dma_semaphore, #tpu.memory_space<semaphore_mem>>) src(%dma_wait3A_94 : memref<20000x64xf32, #tpu.memory_space<hbm>>) dst(%dma_wait3A_88 : memref<128x64xf32, #tpu.memory_space<vmem>>)
    %dma_start3A_95 = arith.constant 1 : i32
    %dma_start3A_96 = arith.constant 1 : i32
    %dma_start3A_97 = arith.constant 0 : i32
    %dma_start3A_98 = arith.constant 0 : i32
    %dma_start3A_99 = tpu.memref_slice %arg8[%dma_start3A_95, %dma_start3A_97, %dma_start3A_98] : memref<4x128x64xf32, #tpu.memory_space<vmem>> -> memref<1x128x64xf32, #tpu.memory_space<vmem>>
    %dma_start3A_100 = tpu.memref_squeeze %dma_start3A_99 : memref<1x128x64xf32, #tpu.memory_space<vmem>> -> memref<128x64xf32, #tpu.memory_space<vmem>>
    %dma_start3A_101 = arith.constant 0 : i32
    %dma_start3A_102 = tpu.memref_slice %arg7[%dma_start3A_96, %dma_start3A_101] : memref<158x128xi32, #tpu.memory_space<vmem>> -> memref<1x128xi32, #tpu.memory_space<vmem>>
    %dma_start3A_103 = tpu.memref_squeeze %dma_start3A_102 : memref<1x128xi32, #tpu.memory_space<vmem>> -> memref<128xi32, #tpu.memory_space<vmem>>
    %dma_start3A_104 = arith.constant 0 : i32
    %dma_start3A_105 = arith.constant 0 : i32
    %dma_start3A_106 = tpu.memref_slice %arg10[%dma_start3A_104, %dma_start3A_105] : memref<10240x64xf32, #tpu.memory_space<vmem_shared>> -> memref<10240x64xf32, #tpu.memory_space<vmem_shared>>
    tpu.enqueue_indirect_dma source(%dma_start3A_100 : memref<128x64xf32, #tpu.memory_space<vmem>>) target(%dma_start3A_106 : memref<10240x64xf32, #tpu.memory_space<vmem_shared>>) offsets(%dma_start3A_103 : memref<128xi32, #tpu.memory_space<vmem>>) semaphore(%arg16 : memref<!tpu.dma_semaphore, #tpu.memory_space<semaphore_mem>>) {add = true}
    %dma_start3A_107 = arith.constant 3 : i32
    %dma_start3A_108 = arith.constant 3 : i32
    %dma_start3A_109 = arith.constant 0 : i32
    %dma_start3A_110 = arith.constant 0 : i32
    %dma_start3A_111 = tpu.memref_slice %arg8[%dma_start3A_108, %dma_start3A_109, %dma_start3A_110] : memref<4x128x64xf32, #tpu.memory_space<vmem>> -> memref<1x128x64xf32, #tpu.memory_space<vmem>>
    %dma_start3A_112 = tpu.memref_squeeze %dma_start3A_111 : memref<1x128x64xf32, #tpu.memory_space<vmem>> -> memref<128x64xf32, #tpu.memory_space<vmem>>
    %dma_start3A_113 = arith.constant 0 : i32
    %dma_start3A_114 = tpu.memref_slice %arg6[%dma_start3A_107, %dma_start3A_113] : memref<158x128xi32, #tpu.memory_space<vmem>> -> memref<1x128xi32, #tpu.memory_space<vmem>>
    %dma_start3A_115 = tpu.memref_squeeze %dma_start3A_114 : memref<1x128xi32, #tpu.memory_space<vmem>> -> memref<128xi32, #tpu.memory_space<vmem>>
    %dma_start3A_116 = arith.constant 0 : i32
    %dma_start3A_117 = arith.constant 0 : i32
    %dma_start3A_118 = tpu.memref_slice %arg2[%dma_start3A_116, %dma_start3A_117] : memref<20000x64xf32, #tpu.memory_space<hbm>> -> memref<20000x64xf32, #tpu.memory_space<hbm>>
    tpu.enqueue_indirect_dma source(%dma_start3A_118 : memref<20000x64xf32, #tpu.memory_space<hbm>>) target(%dma_start3A_112 : memref<128x64xf32, #tpu.memory_space<vmem>>) offsets(%dma_start3A_115 : memref<128xi32, #tpu.memory_space<vmem>>) semaphore(%arg14 : memref<!tpu.dma_semaphore, #tpu.memory_space<semaphore_mem>>)
    %scan3A_119 = arith.constant 0 : i32
    %scan3A_120 = arith.constant 0 : i32
    %scan3A_121 = arith.constant 38 : i32
    %scan3A_122 = arith.addi %scan3A_120, %scan3A_121 : i32
    %scan3A_123 = arith.constant 1 : i32
    scf.for %scan3A_346 = %scan3A_120 to %scan3A_122 step %scan3A_123  : i32 {
      %mul3A_347 = arith.constant 4 : i32
      %mul3A_348 = arith.muli %scan3A_346, %mul3A_347 : i32
      %add3A_349 = arith.constant 2 : i32
      %add3A_350 = arith.addi %mul3A_348, %add3A_349 : i32
      %add3A_351 = arith.constant 0 : i32
      %add3A_352 = arith.addi %add3A_350, %add3A_351 : i32
      %dma_wait3A_353 = arith.constant 2 : i32
      %dma_wait3A_354 = arith.constant 0 : i32
      %dma_wait3A_355 = arith.constant 0 : i32
      %dma_wait3A_356 = tpu.memref_slice %arg8[%dma_wait3A_353, %dma_wait3A_354, %dma_wait3A_355] : memref<4x128x64xf32, #tpu.memory_space<vmem>> -> memref<1x128x64xf32, #tpu.memory_space<vmem>>
      %dma_wait3A_357 = tpu.memref_squeeze %dma_wait3A_356 : memref<1x128x64xf32, #tpu.memory_space<vmem>> -> memref<128x64xf32, #tpu.memory_space<vmem>>
      %dma_wait3A_358 = arith.constant 0 : i32
      %dma_wait3A_359 = tpu.memref_slice %arg6[%add3A_352, %dma_wait3A_358] : memref<158x128xi32, #tpu.memory_space<vmem>> -> memref<1x128xi32, #tpu.memory_space<vmem>>
      %dma_wait3A_360 = tpu.memref_squeeze %dma_wait3A_359 : memref<1x128xi32, #tpu.memory_space<vmem>> -> memref<128xi32, #tpu.memory_space<vmem>>
      %dma_wait3A_361 = arith.constant 0 : i32
      %dma_wait3A_362 = arith.constant 0 : i32
      %dma_wait3A_363 = tpu.memref_slice %arg2[%dma_wait3A_361, %dma_wait3A_362] : memref<20000x64xf32, #tpu.memory_space<hbm>> -> memref<20000x64xf32, #tpu.memory_space<hbm>>
      tpu.wait_indirect_dma semaphore(%arg13 : memref<!tpu.dma_semaphore, #tpu.memory_space<semaphore_mem>>) src(%dma_wait3A_363 : memref<20000x64xf32, #tpu.memory_space<hbm>>) dst(%dma_wait3A_357 : memref<128x64xf32, #tpu.memory_space<vmem>>)
      %dma_start3A_364 = arith.constant 2 : i32
      %dma_start3A_365 = arith.constant 0 : i32
      %dma_start3A_366 = arith.constant 0 : i32
      %dma_start3A_367 = tpu.memref_slice %arg8[%dma_start3A_364, %dma_start3A_365, %dma_start3A_366] : memref<4x128x64xf32, #tpu.memory_space<vmem>> -> memref<1x128x64xf32, #tpu.memory_space<vmem>>
      %dma_start3A_368 = tpu.memref_squeeze %dma_start3A_367 : memref<1x128x64xf32, #tpu.memory_space<vmem>> -> memref<128x64xf32, #tpu.memory_space<vmem>>
      %dma_start3A_369 = arith.constant 0 : i32
      %dma_start3A_370 = tpu.memref_slice %arg7[%add3A_352, %dma_start3A_369] : memref<158x128xi32, #tpu.memory_space<vmem>> -> memref<1x128xi32, #tpu.memory_space<vmem>>
      %dma_start3A_371 = tpu.memref_squeeze %dma_start3A_370 : memref<1x128xi32, #tpu.memory_space<vmem>> -> memref<128xi32, #tpu.memory_space<vmem>>
      %dma_start3A_372 = arith.constant 0 : i32
      %dma_start3A_373 = arith.constant 0 : i32
      %dma_start3A_374 = tpu.memref_slice %arg10[%dma_start3A_372, %dma_start3A_373] : memref<10240x64xf32, #tpu.memory_space<vmem_shared>> -> memref<10240x64xf32, #tpu.memory_space<vmem_shared>>
      tpu.enqueue_indirect_dma source(%dma_start3A_368 : memref<128x64xf32, #tpu.memory_space<vmem>>) target(%dma_start3A_374 : memref<10240x64xf32, #tpu.memory_space<vmem_shared>>) offsets(%dma_start3A_371 : memref<128xi32, #tpu.memory_space<vmem>>) semaphore(%arg17 : memref<!tpu.dma_semaphore, #tpu.memory_space<semaphore_mem>>) {add = true}
      %sub3A_375 = arith.constant 2 : i32
      %sub3A_376 = arith.subi %add3A_352, %sub3A_375 : i32
      %dma_wait3A_377 = arith.constant 0 : i32
      %dma_wait3A_378 = arith.constant 0 : i32
      %dma_wait3A_379 = arith.constant 0 : i32
      %dma_wait3A_380 = tpu.memref_slice %arg8[%dma_wait3A_377, %dma_wait3A_378, %dma_wait3A_379] : memref<4x128x64xf32, #tpu.memory_space<vmem>> -> memref<1x128x64xf32, #tpu.memory_space<vmem>>
      %dma_wait3A_381 = tpu.memref_squeeze %dma_wait3A_380 : memref<1x128x64xf32, #tpu.memory_space<vmem>> -> memref<128x64xf32, #tpu.memory_space<vmem>>
      %dma_wait3A_382 = arith.constant 0 : i32
      %dma_wait3A_383 = tpu.memref_slice %arg7[%sub3A_376, %dma_wait3A_382] : memref<158x128xi32, #tpu.memory_space<vmem>> -> memref<1x128xi32, #tpu.memory_space<vmem>>
      %dma_wait3A_384 = tpu.memref_squeeze %dma_wait3A_383 : memref<1x128xi32, #tpu.memory_space<vmem>> -> memref<128xi32, #tpu.memory_space<vmem>>
      %dma_wait3A_385 = arith.constant 0 : i32
      %dma_wait3A_386 = arith.constant 0 : i32
      %dma_wait3A_387 = tpu.memref_slice %arg10[%dma_wait3A_385, %dma_wait3A_386] : memref<10240x64xf32, #tpu.memory_space<vmem_shared>> -> memref<10240x64xf32, #tpu.memory_space<vmem_shared>>
      tpu.wait_indirect_dma semaphore(%arg15 : memref<!tpu.dma_semaphore, #tpu.memory_space<semaphore_mem>>) src(%dma_wait3A_381 : memref<128x64xf32, #tpu.memory_space<vmem>>) dst(%dma_wait3A_387 : memref<10240x64xf32, #tpu.memory_space<vmem_shared>>)
      %add3A_388 = arith.constant 2 : i32
      %add3A_389 = arith.addi %add3A_352, %add3A_388 : i32
      %dma_start3A_390 = arith.constant 0 : i32
      %dma_start3A_391 = arith.constant 0 : i32
      %dma_start3A_392 = arith.constant 0 : i32
      %dma_start3A_393 = tpu.memref_slice %arg8[%dma_start3A_390, %dma_start3A_391, %dma_start3A_392] : memref<4x128x64xf32, #tpu.memory_space<vmem>> -> memref<1x128x64xf32, #tpu.memory_space<vmem>>
      %dma_start3A_394 = tpu.memref_squeeze %dma_start3A_393 : memref<1x128x64xf32, #tpu.memory_space<vmem>> -> memref<128x64xf32, #tpu.memory_space<vmem>>
      %dma_start3A_395 = arith.constant 0 : i32
      %dma_start3A_396 = tpu.memref_slice %arg6[%add3A_389, %dma_start3A_395] : memref<158x128xi32, #tpu.memory_space<vmem>> -> memref<1x128xi32, #tpu.memory_space<vmem>>
      %dma_start3A_397 = tpu.memref_squeeze %dma_start3A_396 : memref<1x128xi32, #tpu.memory_space<vmem>> -> memref<128xi32, #tpu.memory_space<vmem>>
      %dma_start3A_398 = arith.constant 0 : i32
      %dma_start3A_399 = arith.constant 0 : i32
      %dma_start3A_400 = tpu.memref_slice %arg2[%dma_start3A_398, %dma_start3A_399] : memref<20000x64xf32, #tpu.memory_space<hbm>> -> memref<20000x64xf32, #tpu.memory_space<hbm>>
      tpu.enqueue_indirect_dma source(%dma_start3A_400 : memref<20000x64xf32, #tpu.memory_space<hbm>>) target(%dma_start3A_394 : memref<128x64xf32, #tpu.memory_space<vmem>>) offsets(%dma_start3A_397 : memref<128xi32, #tpu.memory_space<vmem>>) semaphore(%arg11 : memref<!tpu.dma_semaphore, #tpu.memory_space<semaphore_mem>>)
      %mul3A_401 = arith.constant 4 : i32
      %mul3A_402 = arith.muli %scan3A_346, %mul3A_401 : i32
      %add3A_403 = arith.constant 2 : i32
      %add3A_404 = arith.addi %mul3A_402, %add3A_403 : i32
      %add3A_405 = arith.constant 1 : i32
      %add3A_406 = arith.addi %add3A_404, %add3A_405 : i32
      %dma_wait3A_407 = arith.constant 3 : i32
      %dma_wait3A_408 = arith.constant 0 : i32
      %dma_wait3A_409 = arith.constant 0 : i32
      %dma_wait3A_410 = tpu.memref_slice %arg8[%dma_wait3A_407, %dma_wait3A_408, %dma_wait3A_409] : memref<4x128x64xf32, #tpu.memory_space<vmem>> -> memref<1x128x64xf32, #tpu.memory_space<vmem>>
      %dma_wait3A_411 = tpu.memref_squeeze %dma_wait3A_410 : memref<1x128x64xf32, #tpu.memory_space<vmem>> -> memref<128x64xf32, #tpu.memory_space<vmem>>
      %dma_wait3A_412 = arith.constant 0 : i32
      %dma_wait3A_413 = tpu.memref_slice %arg6[%add3A_406, %dma_wait3A_412] : memref<158x128xi32, #tpu.memory_space<vmem>> -> memref<1x128xi32, #tpu.memory_space<vmem>>
      %dma_wait3A_414 = tpu.memref_squeeze %dma_wait3A_413 : memref<1x128xi32, #tpu.memory_space<vmem>> -> memref<128xi32, #tpu.memory_space<vmem>>
      %dma_wait3A_415 = arith.constant 0 : i32
      %dma_wait3A_416 = arith.constant 0 : i32
      %dma_wait3A_417 = tpu.memref_slice %arg2[%dma_wait3A_415, %dma_wait3A_416] : memref<20000x64xf32, #tpu.memory_space<hbm>> -> memref<20000x64xf32, #tpu.memory_space<hbm>>
      tpu.wait_indirect_dma semaphore(%arg14 : memref<!tpu.dma_semaphore, #tpu.memory_space<semaphore_mem>>) src(%dma_wait3A_417 : memref<20000x64xf32, #tpu.memory_space<hbm>>) dst(%dma_wait3A_411 : memref<128x64xf32, #tpu.memory_space<vmem>>)
      %dma_start3A_418 = arith.constant 3 : i32
      %dma_start3A_419 = arith.constant 0 : i32
      %dma_start3A_420 = arith.constant 0 : i32
      %dma_start3A_421 = tpu.memref_slice %arg8[%dma_start3A_418, %dma_start3A_419, %dma_start3A_420] : memref<4x128x64xf32, #tpu.memory_space<vmem>> -> memref<1x128x64xf32, #tpu.memory_space<vmem>>
      %dma_start3A_422 = tpu.memref_squeeze %dma_start3A_421 : memref<1x128x64xf32, #tpu.memory_space<vmem>> -> memref<128x64xf32, #tpu.memory_space<vmem>>
      %dma_start3A_423 = arith.constant 0 : i32
      %dma_start3A_424 = tpu.memref_slice %arg7[%add3A_406, %dma_start3A_423] : memref<158x128xi32, #tpu.memory_space<vmem>> -> memref<1x128xi32, #tpu.memory_space<vmem>>
      %dma_start3A_425 = tpu.memref_squeeze %dma_start3A_424 : memref<1x128xi32, #tpu.memory_space<vmem>> -> memref<128xi32, #tpu.memory_space<vmem>>
      %dma_start3A_426 = arith.constant 0 : i32
      %dma_start3A_427 = arith.constant 0 : i32
      %dma_start3A_428 = tpu.memref_slice %arg10[%dma_start3A_426, %dma_start3A_427] : memref<10240x64xf32, #tpu.memory_space<vmem_shared>> -> memref<10240x64xf32, #tpu.memory_space<vmem_shared>>
      tpu.enqueue_indirect_dma source(%dma_start3A_422 : memref<128x64xf32, #tpu.memory_space<vmem>>) target(%dma_start3A_428 : memref<10240x64xf32, #tpu.memory_space<vmem_shared>>) offsets(%dma_start3A_425 : memref<128xi32, #tpu.memory_space<vmem>>) semaphore(%arg18 : memref<!tpu.dma_semaphore, #tpu.memory_space<semaphore_mem>>) {add = true}
      %sub3A_429 = arith.constant 2 : i32
      %sub3A_430 = arith.subi %add3A_406, %sub3A_429 : i32
      %dma_wait3A_431 = arith.constant 1 : i32
      %dma_wait3A_432 = arith.constant 0 : i32
      %dma_wait3A_433 = arith.constant 0 : i32
      %dma_wait3A_434 = tpu.memref_slice %arg8[%dma_wait3A_431, %dma_wait3A_432, %dma_wait3A_433] : memref<4x128x64xf32, #tpu.memory_space<vmem>> -> memref<1x128x64xf32, #tpu.memory_space<vmem>>
      %dma_wait3A_435 = tpu.memref_squeeze %dma_wait3A_434 : memref<1x128x64xf32, #tpu.memory_space<vmem>> -> memref<128x64xf32, #tpu.memory_space<vmem>>
      %dma_wait3A_436 = arith.constant 0 : i32
      %dma_wait3A_437 = tpu.memref_slice %arg7[%sub3A_430, %dma_wait3A_436] : memref<158x128xi32, #tpu.memory_space<vmem>> -> memref<1x128xi32, #tpu.memory_space<vmem>>
      %dma_wait3A_438 = tpu.memref_squeeze %dma_wait3A_437 : memref<1x128xi32, #tpu.memory_space<vmem>> -> memref<128xi32, #tpu.memory_space<vmem>>
      %dma_wait3A_439 = arith.constant 0 : i32
      %dma_wait3A_440 = arith.constant 0 : i32
      %dma_wait3A_441 = tpu.memref_slice %arg10[%dma_wait3A_439, %dma_wait3A_440] : memref<10240x64xf32, #tpu.memory_space<vmem_shared>> -> memref<10240x64xf32, #tpu.memory_space<vmem_shared>>
      tpu.wait_indirect_dma semaphore(%arg16 : memref<!tpu.dma_semaphore, #tpu.memory_space<semaphore_mem>>) src(%dma_wait3A_435 : memref<128x64xf32, #tpu.memory_space<vmem>>) dst(%dma_wait3A_441 : memref<10240x64xf32, #tpu.memory_space<vmem_shared>>)
      %add3A_442 = arith.constant 2 : i32
      %add3A_443 = arith.addi %add3A_406, %add3A_442 : i32
      %dma_start3A_444 = arith.constant 1 : i32
      %dma_start3A_445 = arith.constant 0 : i32
      %dma_start3A_446 = arith.constant 0 : i32
      %dma_start3A_447 = tpu.memref_slice %arg8[%dma_start3A_444, %dma_start3A_445, %dma_start3A_446] : memref<4x128x64xf32, #tpu.memory_space<vmem>> -> memref<1x128x64xf32, #tpu.memory_space<vmem>>
      %dma_start3A_448 = tpu.memref_squeeze %dma_start3A_447 : memref<1x128x64xf32, #tpu.memory_space<vmem>> -> memref<128x64xf32, #tpu.memory_space<vmem>>
      %dma_start3A_449 = arith.constant 0 : i32
      %dma_start3A_450 = tpu.memref_slice %arg6[%add3A_443, %dma_start3A_449] : memref<158x128xi32, #tpu.memory_space<vmem>> -> memref<1x128xi32, #tpu.memory_space<vmem>>
      %dma_start3A_451 = tpu.memref_squeeze %dma_start3A_450 : memref<1x128xi32, #tpu.memory_space<vmem>> -> memref<128xi32, #tpu.memory_space<vmem>>
      %dma_start3A_452 = arith.constant 0 : i32
      %dma_start3A_453 = arith.constant 0 : i32
      %dma_start3A_454 = tpu.memref_slice %arg2[%dma_start3A_452, %dma_start3A_453] : memref<20000x64xf32, #tpu.memory_space<hbm>> -> memref<20000x64xf32, #tpu.memory_space<hbm>>
      tpu.enqueue_indirect_dma source(%dma_start3A_454 : memref<20000x64xf32, #tpu.memory_space<hbm>>) target(%dma_start3A_448 : memref<128x64xf32, #tpu.memory_space<vmem>>) offsets(%dma_start3A_451 : memref<128xi32, #tpu.memory_space<vmem>>) semaphore(%arg12 : memref<!tpu.dma_semaphore, #tpu.memory_space<semaphore_mem>>)
      %mul3A_455 = arith.constant 4 : i32
      %mul3A_456 = arith.muli %scan3A_346, %mul3A_455 : i32
      %add3A_457 = arith.constant 2 : i32
      %add3A_458 = arith.addi %mul3A_456, %add3A_457 : i32
      %add3A_459 = arith.constant 2 : i32
      %add3A_460 = arith.addi %add3A_458, %add3A_459 : i32
      %dma_wait3A_461 = arith.constant 0 : i32
      %dma_wait3A_462 = arith.constant 0 : i32
      %dma_wait3A_463 = arith.constant 0 : i32
      %dma_wait3A_464 = tpu.memref_slice %arg8[%dma_wait3A_461, %dma_wait3A_462, %dma_wait3A_463] : memref<4x128x64xf32, #tpu.memory_space<vmem>> -> memref<1x128x64xf32, #tpu.memory_space<vmem>>
      %dma_wait3A_465 = tpu.memref_squeeze %dma_wait3A_464 : memref<1x128x64xf32, #tpu.memory_space<vmem>> -> memref<128x64xf32, #tpu.memory_space<vmem>>
      %dma_wait3A_466 = arith.constant 0 : i32
      %dma_wait3A_467 = tpu.memref_slice %arg6[%add3A_460, %dma_wait3A_466] : memref<158x128xi32, #tpu.memory_space<vmem>> -> memref<1x128xi32, #tpu.memory_space<vmem>>
      %dma_wait3A_468 = tpu.memref_squeeze %dma_wait3A_467 : memref<1x128xi32, #tpu.memory_space<vmem>> -> memref<128xi32, #tpu.memory_space<vmem>>
      %dma_wait3A_469 = arith.constant 0 : i32
      %dma_wait3A_470 = arith.constant 0 : i32
      %dma_wait3A_471 = tpu.memref_slice %arg2[%dma_wait3A_469, %dma_wait3A_470] : memref<20000x64xf32, #tpu.memory_space<hbm>> -> memref<20000x64xf32, #tpu.memory_space<hbm>>
      tpu.wait_indirect_dma semaphore(%arg11 : memref<!tpu.dma_semaphore, #tpu.memory_space<semaphore_mem>>) src(%dma_wait3A_471 : memref<20000x64xf32, #tpu.memory_space<hbm>>) dst(%dma_wait3A_465 : memref<128x64xf32, #tpu.memory_space<vmem>>)
      %dma_start3A_472 = arith.constant 0 : i32
      %dma_start3A_473 = arith.constant 0 : i32
      %dma_start3A_474 = arith.constant 0 : i32
      %dma_start3A_475 = tpu.memref_slice %arg8[%dma_start3A_472, %dma_start3A_473, %dma_start3A_474] : memref<4x128x64xf32, #tpu.memory_space<vmem>> -> memref<1x128x64xf32, #tpu.memory_space<vmem>>
      %dma_start3A_476 = tpu.memref_squeeze %dma_start3A_475 : memref<1x128x64xf32, #tpu.memory_space<vmem>> -> memref<128x64xf32, #tpu.memory_space<vmem>>
      %dma_start3A_477 = arith.constant 0 : i32
      %dma_start3A_478 = tpu.memref_slice %arg7[%add3A_460, %dma_start3A_477] : memref<158x128xi32, #tpu.memory_space<vmem>> -> memref<1x128xi32, #tpu.memory_space<vmem>>
      %dma_start3A_479 = tpu.memref_squeeze %dma_start3A_478 : memref<1x128xi32, #tpu.memory_space<vmem>> -> memref<128xi32, #tpu.memory_space<vmem>>
      %dma_start3A_480 = arith.constant 0 : i32
      %dma_start3A_481 = arith.constant 0 : i32
      %dma_start3A_482 = tpu.memref_slice %arg10[%dma_start3A_480, %dma_start3A_481] : memref<10240x64xf32, #tpu.memory_space<vmem_shared>> -> memref<10240x64xf32, #tpu.memory_space<vmem_shared>>
      tpu.enqueue_indirect_dma source(%dma_start3A_476 : memref<128x64xf32, #tpu.memory_space<vmem>>) target(%dma_start3A_482 : memref<10240x64xf32, #tpu.memory_space<vmem_shared>>) offsets(%dma_start3A_479 : memref<128xi32, #tpu.memory_space<vmem>>) semaphore(%arg15 : memref<!tpu.dma_semaphore, #tpu.memory_space<semaphore_mem>>) {add = true}
      %sub3A_483 = arith.constant 2 : i32
      %sub3A_484 = arith.subi %add3A_460, %sub3A_483 : i32
      %dma_wait3A_485 = arith.constant 2 : i32
      %dma_wait3A_486 = arith.constant 0 : i32
      %dma_wait3A_487 = arith.constant 0 : i32
      %dma_wait3A_488 = tpu.memref_slice %arg8[%dma_wait3A_485, %dma_wait3A_486, %dma_wait3A_487] : memref<4x128x64xf32, #tpu.memory_space<vmem>> -> memref<1x128x64xf32, #tpu.memory_space<vmem>>
      %dma_wait3A_489 = tpu.memref_squeeze %dma_wait3A_488 : memref<1x128x64xf32, #tpu.memory_space<vmem>> -> memref<128x64xf32, #tpu.memory_space<vmem>>
      %dma_wait3A_490 = arith.constant 0 : i32
      %dma_wait3A_491 = tpu.memref_slice %arg7[%sub3A_484, %dma_wait3A_490] : memref<158x128xi32, #tpu.memory_space<vmem>> -> memref<1x128xi32, #tpu.memory_space<vmem>>
      %dma_wait3A_492 = tpu.memref_squeeze %dma_wait3A_491 : memref<1x128xi32, #tpu.memory_space<vmem>> -> memref<128xi32, #tpu.memory_space<vmem>>
      %dma_wait3A_493 = arith.constant 0 : i32
      %dma_wait3A_494 = arith.constant 0 : i32
      %dma_wait3A_495 = tpu.memref_slice %arg10[%dma_wait3A_493, %dma_wait3A_494] : memref<10240x64xf32, #tpu.memory_space<vmem_shared>> -> memref<10240x64xf32, #tpu.memory_space<vmem_shared>>
      tpu.wait_indirect_dma semaphore(%arg17 : memref<!tpu.dma_semaphore, #tpu.memory_space<semaphore_mem>>) src(%dma_wait3A_489 : memref<128x64xf32, #tpu.memory_space<vmem>>) dst(%dma_wait3A_495 : memref<10240x64xf32, #tpu.memory_space<vmem_shared>>)
      %add3A_496 = arith.constant 2 : i32
      %add3A_497 = arith.addi %add3A_460, %add3A_496 : i32
      %dma_start3A_498 = arith.constant 2 : i32
      %dma_start3A_499 = arith.constant 0 : i32
      %dma_start3A_500 = arith.constant 0 : i32
      %dma_start3A_501 = tpu.memref_slice %arg8[%dma_start3A_498, %dma_start3A_499, %dma_start3A_500] : memref<4x128x64xf32, #tpu.memory_space<vmem>> -> memref<1x128x64xf32, #tpu.memory_space<vmem>>
      %dma_start3A_502 = tpu.memref_squeeze %dma_start3A_501 : memref<1x128x64xf32, #tpu.memory_space<vmem>> -> memref<128x64xf32, #tpu.memory_space<vmem>>
      %dma_start3A_503 = arith.constant 0 : i32
      %dma_start3A_504 = tpu.memref_slice %arg6[%add3A_497, %dma_start3A_503] : memref<158x128xi32, #tpu.memory_space<vmem>> -> memref<1x128xi32, #tpu.memory_space<vmem>>
      %dma_start3A_505 = tpu.memref_squeeze %dma_start3A_504 : memref<1x128xi32, #tpu.memory_space<vmem>> -> memref<128xi32, #tpu.memory_space<vmem>>
      %dma_start3A_506 = arith.constant 0 : i32
      %dma_start3A_507 = arith.constant 0 : i32
      %dma_start3A_508 = tpu.memref_slice %arg2[%dma_start3A_506, %dma_start3A_507] : memref<20000x64xf32, #tpu.memory_space<hbm>> -> memref<20000x64xf32, #tpu.memory_space<hbm>>
      tpu.enqueue_indirect_dma source(%dma_start3A_508 : memref<20000x64xf32, #tpu.memory_space<hbm>>) target(%dma_start3A_502 : memref<128x64xf32, #tpu.memory_space<vmem>>) offsets(%dma_start3A_505 : memref<128xi32, #tpu.memory_space<vmem>>) semaphore(%arg13 : memref<!tpu.dma_semaphore, #tpu.memory_space<semaphore_mem>>)
      %mul3A_509 = arith.constant 4 : i32
      %mul3A_510 = arith.muli %scan3A_346, %mul3A_509 : i32
      %add3A_511 = arith.constant 2 : i32
      %add3A_512 = arith.addi %mul3A_510, %add3A_511 : i32
      %add3A_513 = arith.constant 3 : i32
      %add3A_514 = arith.addi %add3A_512, %add3A_513 : i32
      %dma_wait3A_515 = arith.constant 1 : i32
      %dma_wait3A_516 = arith.constant 0 : i32
      %dma_wait3A_517 = arith.constant 0 : i32
      %dma_wait3A_518 = tpu.memref_slice %arg8[%dma_wait3A_515, %dma_wait3A_516, %dma_wait3A_517] : memref<4x128x64xf32, #tpu.memory_space<vmem>> -> memref<1x128x64xf32, #tpu.memory_space<vmem>>
      %dma_wait3A_519 = tpu.memref_squeeze %dma_wait3A_518 : memref<1x128x64xf32, #tpu.memory_space<vmem>> -> memref<128x64xf32, #tpu.memory_space<vmem>>
      %dma_wait3A_520 = arith.constant 0 : i32
      %dma_wait3A_521 = tpu.memref_slice %arg6[%add3A_514, %dma_wait3A_520] : memref<158x128xi32, #tpu.memory_space<vmem>> -> memref<1x128xi32, #tpu.memory_space<vmem>>
      %dma_wait3A_522 = tpu.memref_squeeze %dma_wait3A_521 : memref<1x128xi32, #tpu.memory_space<vmem>> -> memref<128xi32, #tpu.memory_space<vmem>>
      %dma_wait3A_523 = arith.constant 0 : i32
      %dma_wait3A_524 = arith.constant 0 : i32
      %dma_wait3A_525 = tpu.memref_slice %arg2[%dma_wait3A_523, %dma_wait3A_524] : memref<20000x64xf32, #tpu.memory_space<hbm>> -> memref<20000x64xf32, #tpu.memory_space<hbm>>
      tpu.wait_indirect_dma semaphore(%arg12 : memref<!tpu.dma_semaphore, #tpu.memory_space<semaphore_mem>>) src(%dma_wait3A_525 : memref<20000x64xf32, #tpu.memory_space<hbm>>) dst(%dma_wait3A_519 : memref<128x64xf32, #tpu.memory_space<vmem>>)
      %dma_start3A_526 = arith.constant 1 : i32
      %dma_start3A_527 = arith.constant 0 : i32
      %dma_start3A_528 = arith.constant 0 : i32
      %dma_start3A_529 = tpu.memref_slice %arg8[%dma_start3A_526, %dma_start3A_527, %dma_start3A_528] : memref<4x128x64xf32, #tpu.memory_space<vmem>> -> memref<1x128x64xf32, #tpu.memory_space<vmem>>
      %dma_start3A_530 = tpu.memref_squeeze %dma_start3A_529 : memref<1x128x64xf32, #tpu.memory_space<vmem>> -> memref<128x64xf32, #tpu.memory_space<vmem>>
      %dma_start3A_531 = arith.constant 0 : i32
      %dma_start3A_532 = tpu.memref_slice %arg7[%add3A_514, %dma_start3A_531] : memref<158x128xi32, #tpu.memory_space<vmem>> -> memref<1x128xi32, #tpu.memory_space<vmem>>
      %dma_start3A_533 = tpu.memref_squeeze %dma_start3A_532 : memref<1x128xi32, #tpu.memory_space<vmem>> -> memref<128xi32, #tpu.memory_space<vmem>>
      %dma_start3A_534 = arith.constant 0 : i32
      %dma_start3A_535 = arith.constant 0 : i32
      %dma_start3A_536 = tpu.memref_slice %arg10[%dma_start3A_534, %dma_start3A_535] : memref<10240x64xf32, #tpu.memory_space<vmem_shared>> -> memref<10240x64xf32, #tpu.memory_space<vmem_shared>>
      tpu.enqueue_indirect_dma source(%dma_start3A_530 : memref<128x64xf32, #tpu.memory_space<vmem>>) target(%dma_start3A_536 : memref<10240x64xf32, #tpu.memory_space<vmem_shared>>) offsets(%dma_start3A_533 : memref<128xi32, #tpu.memory_space<vmem>>) semaphore(%arg16 : memref<!tpu.dma_semaphore, #tpu.memory_space<semaphore_mem>>) {add = true}
      %sub3A_537 = arith.constant 2 : i32
      %sub3A_538 = arith.subi %add3A_514, %sub3A_537 : i32
      %dma_wait3A_539 = arith.constant 3 : i32
      %dma_wait3A_540 = arith.constant 0 : i32
      %dma_wait3A_541 = arith.constant 0 : i32
      %dma_wait3A_542 = tpu.memref_slice %arg8[%dma_wait3A_539, %dma_wait3A_540, %dma_wait3A_541] : memref<4x128x64xf32, #tpu.memory_space<vmem>> -> memref<1x128x64xf32, #tpu.memory_space<vmem>>
      %dma_wait3A_543 = tpu.memref_squeeze %dma_wait3A_542 : memref<1x128x64xf32, #tpu.memory_space<vmem>> -> memref<128x64xf32, #tpu.memory_space<vmem>>
      %dma_wait3A_544 = arith.constant 0 : i32
      %dma_wait3A_545 = tpu.memref_slice %arg7[%sub3A_538, %dma_wait3A_544] : memref<158x128xi32, #tpu.memory_space<vmem>> -> memref<1x128xi32, #tpu.memory_space<vmem>>
      %dma_wait3A_546 = tpu.memref_squeeze %dma_wait3A_545 : memref<1x128xi32, #tpu.memory_space<vmem>> -> memref<128xi32, #tpu.memory_space<vmem>>
      %dma_wait3A_547 = arith.constant 0 : i32
      %dma_wait3A_548 = arith.constant 0 : i32
      %dma_wait3A_549 = tpu.memref_slice %arg10[%dma_wait3A_547, %dma_wait3A_548] : memref<10240x64xf32, #tpu.memory_space<vmem_shared>> -> memref<10240x64xf32, #tpu.memory_space<vmem_shared>>
      tpu.wait_indirect_dma semaphore(%arg18 : memref<!tpu.dma_semaphore, #tpu.memory_space<semaphore_mem>>) src(%dma_wait3A_543 : memref<128x64xf32, #tpu.memory_space<vmem>>) dst(%dma_wait3A_549 : memref<10240x64xf32, #tpu.memory_space<vmem_shared>>)
      %add3A_550 = arith.constant 2 : i32
      %add3A_551 = arith.addi %add3A_514, %add3A_550 : i32
      %dma_start3A_552 = arith.constant 3 : i32
      %dma_start3A_553 = arith.constant 0 : i32
      %dma_start3A_554 = arith.constant 0 : i32
      %dma_start3A_555 = tpu.memref_slice %arg8[%dma_start3A_552, %dma_start3A_553, %dma_start3A_554] : memref<4x128x64xf32, #tpu.memory_space<vmem>> -> memref<1x128x64xf32, #tpu.memory_space<vmem>>
      %dma_start3A_556 = tpu.memref_squeeze %dma_start3A_555 : memref<1x128x64xf32, #tpu.memory_space<vmem>> -> memref<128x64xf32, #tpu.memory_space<vmem>>
      %dma_start3A_557 = arith.constant 0 : i32
      %dma_start3A_558 = tpu.memref_slice %arg6[%add3A_551, %dma_start3A_557] : memref<158x128xi32, #tpu.memory_space<vmem>> -> memref<1x128xi32, #tpu.memory_space<vmem>>
      %dma_start3A_559 = tpu.memref_squeeze %dma_start3A_558 : memref<1x128xi32, #tpu.memory_space<vmem>> -> memref<128xi32, #tpu.memory_space<vmem>>
      %dma_start3A_560 = arith.constant 0 : i32
      %dma_start3A_561 = arith.constant 0 : i32
      %dma_start3A_562 = tpu.memref_slice %arg2[%dma_start3A_560, %dma_start3A_561] : memref<20000x64xf32, #tpu.memory_space<hbm>> -> memref<20000x64xf32, #tpu.memory_space<hbm>>
      tpu.enqueue_indirect_dma source(%dma_start3A_562 : memref<20000x64xf32, #tpu.memory_space<hbm>>) target(%dma_start3A_556 : memref<128x64xf32, #tpu.memory_space<vmem>>) offsets(%dma_start3A_559 : memref<128xi32, #tpu.memory_space<vmem>>) semaphore(%arg14 : memref<!tpu.dma_semaphore, #tpu.memory_space<semaphore_mem>>)
    }
    %scan3A_124 = arith.constant 38 : i32
    %dma_wait3A_125 = arith.constant 154 : i32
    %dma_wait3A_126 = arith.constant 2 : i32
    %dma_wait3A_127 = arith.constant 0 : i32
    %dma_wait3A_128 = arith.constant 0 : i32
    %dma_wait3A_129 = tpu.memref_slice %arg8[%dma_wait3A_126, %dma_wait3A_127, %dma_wait3A_128] : memref<4x128x64xf32, #tpu.memory_space<vmem>> -> memref<1x128x64xf32, #tpu.memory_space<vmem>>
    %dma_wait3A_130 = tpu.memref_squeeze %dma_wait3A_129 : memref<1x128x64xf32, #tpu.memory_space<vmem>> -> memref<128x64xf32, #tpu.memory_space<vmem>>
    %dma_wait3A_131 = arith.constant 0 : i32
    %dma_wait3A_132 = tpu.memref_slice %arg6[%dma_wait3A_125, %dma_wait3A_131] : memref<158x128xi32, #tpu.memory_space<vmem>> -> memref<1x128xi32, #tpu.memory_space<vmem>>
    %dma_wait3A_133 = tpu.memref_squeeze %dma_wait3A_132 : memref<1x128xi32, #tpu.memory_space<vmem>> -> memref<128xi32, #tpu.memory_space<vmem>>
    %dma_wait3A_134 = arith.constant 0 : i32
    %dma_wait3A_135 = arith.constant 0 : i32
    %dma_wait3A_136 = tpu.memref_slice %arg2[%dma_wait3A_134, %dma_wait3A_135] : memref<20000x64xf32, #tpu.memory_space<hbm>> -> memref<20000x64xf32, #tpu.memory_space<hbm>>
    tpu.wait_indirect_dma semaphore(%arg13 : memref<!tpu.dma_semaphore, #tpu.memory_space<semaphore_mem>>) src(%dma_wait3A_136 : memref<20000x64xf32, #tpu.memory_space<hbm>>) dst(%dma_wait3A_130 : memref<128x64xf32, #tpu.memory_space<vmem>>)
    %dma_start3A_137 = arith.constant 2 : i32
    %dma_start3A_138 = arith.constant 154 : i32
    %dma_start3A_139 = arith.constant 0 : i32
    %dma_start3A_140 = arith.constant 0 : i32
    %dma_start3A_141 = tpu.memref_slice %arg8[%dma_start3A_137, %dma_start3A_139, %dma_start3A_140] : memref<4x128x64xf32, #tpu.memory_space<vmem>> -> memref<1x128x64xf32, #tpu.memory_space<vmem>>
    %dma_start3A_142 = tpu.memref_squeeze %dma_start3A_141 : memref<1x128x64xf32, #tpu.memory_space<vmem>> -> memref<128x64xf32, #tpu.memory_space<vmem>>
    %dma_start3A_143 = arith.constant 0 : i32
    %dma_start3A_144 = tpu.memref_slice %arg7[%dma_start3A_138, %dma_start3A_143] : memref<158x128xi32, #tpu.memory_space<vmem>> -> memref<1x128xi32, #tpu.memory_space<vmem>>
    %dma_start3A_145 = tpu.memref_squeeze %dma_start3A_144 : memref<1x128xi32, #tpu.memory_space<vmem>> -> memref<128xi32, #tpu.memory_space<vmem>>
    %dma_start3A_146 = arith.constant 0 : i32
    %dma_start3A_147 = arith.constant 0 : i32
    %dma_start3A_148 = tpu.memref_slice %arg10[%dma_start3A_146, %dma_start3A_147] : memref<10240x64xf32, #tpu.memory_space<vmem_shared>> -> memref<10240x64xf32, #tpu.memory_space<vmem_shared>>
    tpu.enqueue_indirect_dma source(%dma_start3A_142 : memref<128x64xf32, #tpu.memory_space<vmem>>) target(%dma_start3A_148 : memref<10240x64xf32, #tpu.memory_space<vmem_shared>>) offsets(%dma_start3A_145 : memref<128xi32, #tpu.memory_space<vmem>>) semaphore(%arg17 : memref<!tpu.dma_semaphore, #tpu.memory_space<semaphore_mem>>) {add = true}
    %dma_wait3A_149 = arith.constant 0 : i32
    %dma_wait3A_150 = arith.constant 152 : i32
    %dma_wait3A_151 = arith.constant 0 : i32
    %dma_wait3A_152 = arith.constant 0 : i32
    %dma_wait3A_153 = tpu.memref_slice %arg8[%dma_wait3A_149, %dma_wait3A_151, %dma_wait3A_152] : memref<4x128x64xf32, #tpu.memory_space<vmem>> -> memref<1x128x64xf32, #tpu.memory_space<vmem>>
    %dma_wait3A_154 = tpu.memref_squeeze %dma_wait3A_153 : memref<1x128x64xf32, #tpu.memory_space<vmem>> -> memref<128x64xf32, #tpu.memory_space<vmem>>
    %dma_wait3A_155 = arith.constant 0 : i32
    %dma_wait3A_156 = tpu.memref_slice %arg7[%dma_wait3A_150, %dma_wait3A_155] : memref<158x128xi32, #tpu.memory_space<vmem>> -> memref<1x128xi32, #tpu.memory_space<vmem>>
    %dma_wait3A_157 = tpu.memref_squeeze %dma_wait3A_156 : memref<1x128xi32, #tpu.memory_space<vmem>> -> memref<128xi32, #tpu.memory_space<vmem>>
    %dma_wait3A_158 = arith.constant 0 : i32
    %dma_wait3A_159 = arith.constant 0 : i32
    %dma_wait3A_160 = tpu.memref_slice %arg10[%dma_wait3A_158, %dma_wait3A_159] : memref<10240x64xf32, #tpu.memory_space<vmem_shared>> -> memref<10240x64xf32, #tpu.memory_space<vmem_shared>>
    tpu.wait_indirect_dma semaphore(%arg15 : memref<!tpu.dma_semaphore, #tpu.memory_space<semaphore_mem>>) src(%dma_wait3A_154 : memref<128x64xf32, #tpu.memory_space<vmem>>) dst(%dma_wait3A_160 : memref<10240x64xf32, #tpu.memory_space<vmem_shared>>)
    %dma_start3A_161 = arith.constant 156 : i32
    %dma_start3A_162 = arith.constant 0 : i32
    %dma_start3A_163 = arith.constant 0 : i32
    %dma_start3A_164 = arith.constant 0 : i32
    %dma_start3A_165 = tpu.memref_slice %arg8[%dma_start3A_162, %dma_start3A_163, %dma_start3A_164] : memref<4x128x64xf32, #tpu.memory_space<vmem>> -> memref<1x128x64xf32, #tpu.memory_space<vmem>>
    %dma_start3A_166 = tpu.memref_squeeze %dma_start3A_165 : memref<1x128x64xf32, #tpu.memory_space<vmem>> -> memref<128x64xf32, #tpu.memory_space<vmem>>
    %dma_start3A_167 = arith.constant 0 : i32
    %dma_start3A_168 = tpu.memref_slice %arg6[%dma_start3A_161, %dma_start3A_167] : memref<158x128xi32, #tpu.memory_space<vmem>> -> memref<1x128xi32, #tpu.memory_space<vmem>>
    %dma_start3A_169 = tpu.memref_squeeze %dma_start3A_168 : memref<1x128xi32, #tpu.memory_space<vmem>> -> memref<128xi32, #tpu.memory_space<vmem>>
    %dma_start3A_170 = arith.constant 0 : i32
    %dma_start3A_171 = arith.constant 0 : i32
    %dma_start3A_172 = tpu.memref_slice %arg2[%dma_start3A_170, %dma_start3A_171] : memref<20000x64xf32, #tpu.memory_space<hbm>> -> memref<20000x64xf32, #tpu.memory_space<hbm>>
    tpu.enqueue_indirect_dma source(%dma_start3A_172 : memref<20000x64xf32, #tpu.memory_space<hbm>>) target(%dma_start3A_166 : memref<128x64xf32, #tpu.memory_space<vmem>>) offsets(%dma_start3A_169 : memref<128xi32, #tpu.memory_space<vmem>>) semaphore(%arg11 : memref<!tpu.dma_semaphore, #tpu.memory_space<semaphore_mem>>)
    %dma_wait3A_173 = arith.constant 155 : i32
    %dma_wait3A_174 = arith.constant 3 : i32
    %dma_wait3A_175 = arith.constant 0 : i32
    %dma_wait3A_176 = arith.constant 0 : i32
    %dma_wait3A_177 = tpu.memref_slice %arg8[%dma_wait3A_174, %dma_wait3A_175, %dma_wait3A_176] : memref<4x128x64xf32, #tpu.memory_space<vmem>> -> memref<1x128x64xf32, #tpu.memory_space<vmem>>
    %dma_wait3A_178 = tpu.memref_squeeze %dma_wait3A_177 : memref<1x128x64xf32, #tpu.memory_space<vmem>> -> memref<128x64xf32, #tpu.memory_space<vmem>>
    %dma_wait3A_179 = arith.constant 0 : i32
    %dma_wait3A_180 = tpu.memref_slice %arg6[%dma_wait3A_173, %dma_wait3A_179] : memref<158x128xi32, #tpu.memory_space<vmem>> -> memref<1x128xi32, #tpu.memory_space<vmem>>
    %dma_wait3A_181 = tpu.memref_squeeze %dma_wait3A_180 : memref<1x128xi32, #tpu.memory_space<vmem>> -> memref<128xi32, #tpu.memory_space<vmem>>
    %dma_wait3A_182 = arith.constant 0 : i32
    %dma_wait3A_183 = arith.constant 0 : i32
    %dma_wait3A_184 = tpu.memref_slice %arg2[%dma_wait3A_182, %dma_wait3A_183] : memref<20000x64xf32, #tpu.memory_space<hbm>> -> memref<20000x64xf32, #tpu.memory_space<hbm>>
    tpu.wait_indirect_dma semaphore(%arg14 : memref<!tpu.dma_semaphore, #tpu.memory_space<semaphore_mem>>) src(%dma_wait3A_184 : memref<20000x64xf32, #tpu.memory_space<hbm>>) dst(%dma_wait3A_178 : memref<128x64xf32, #tpu.memory_space<vmem>>)
    %dma_start3A_185 = arith.constant 3 : i32
    %dma_start3A_186 = arith.constant 155 : i32
    %dma_start3A_187 = arith.constant 0 : i32
    %dma_start3A_188 = arith.constant 0 : i32
    %dma_start3A_189 = tpu.memref_slice %arg8[%dma_start3A_185, %dma_start3A_187, %dma_start3A_188] : memref<4x128x64xf32, #tpu.memory_space<vmem>> -> memref<1x128x64xf32, #tpu.memory_space<vmem>>
    %dma_start3A_190 = tpu.memref_squeeze %dma_start3A_189 : memref<1x128x64xf32, #tpu.memory_space<vmem>> -> memref<128x64xf32, #tpu.memory_space<vmem>>
    %dma_start3A_191 = arith.constant 0 : i32
    %dma_start3A_192 = tpu.memref_slice %arg7[%dma_start3A_186, %dma_start3A_191] : memref<158x128xi32, #tpu.memory_space<vmem>> -> memref<1x128xi32, #tpu.memory_space<vmem>>
    %dma_start3A_193 = tpu.memref_squeeze %dma_start3A_192 : memref<1x128xi32, #tpu.memory_space<vmem>> -> memref<128xi32, #tpu.memory_space<vmem>>
    %dma_start3A_194 = arith.constant 0 : i32
    %dma_start3A_195 = arith.constant 0 : i32
    %dma_start3A_196 = tpu.memref_slice %arg10[%dma_start3A_194, %dma_start3A_195] : memref<10240x64xf32, #tpu.memory_space<vmem_shared>> -> memref<10240x64xf32, #tpu.memory_space<vmem_shared>>
    tpu.enqueue_indirect_dma source(%dma_start3A_190 : memref<128x64xf32, #tpu.memory_space<vmem>>) target(%dma_start3A_196 : memref<10240x64xf32, #tpu.memory_space<vmem_shared>>) offsets(%dma_start3A_193 : memref<128xi32, #tpu.memory_space<vmem>>) semaphore(%arg18 : memref<!tpu.dma_semaphore, #tpu.memory_space<semaphore_mem>>) {add = true}
    %dma_wait3A_197 = arith.constant 1 : i32
    %dma_wait3A_198 = arith.constant 153 : i32
    %dma_wait3A_199 = arith.constant 0 : i32
    %dma_wait3A_200 = arith.constant 0 : i32
    %dma_wait3A_201 = tpu.memref_slice %arg8[%dma_wait3A_197, %dma_wait3A_199, %dma_wait3A_200] : memref<4x128x64xf32, #tpu.memory_space<vmem>> -> memref<1x128x64xf32, #tpu.memory_space<vmem>>
    %dma_wait3A_202 = tpu.memref_squeeze %dma_wait3A_201 : memref<1x128x64xf32, #tpu.memory_space<vmem>> -> memref<128x64xf32, #tpu.memory_space<vmem>>
    %dma_wait3A_203 = arith.constant 0 : i32
    %dma_wait3A_204 = tpu.memref_slice %arg7[%dma_wait3A_198, %dma_wait3A_203] : memref<158x128xi32, #tpu.memory_space<vmem>> -> memref<1x128xi32, #tpu.memory_space<vmem>>
    %dma_wait3A_205 = tpu.memref_squeeze %dma_wait3A_204 : memref<1x128xi32, #tpu.memory_space<vmem>> -> memref<128xi32, #tpu.memory_space<vmem>>
    %dma_wait3A_206 = arith.constant 0 : i32
    %dma_wait3A_207 = arith.constant 0 : i32
    %dma_wait3A_208 = tpu.memref_slice %arg10[%dma_wait3A_206, %dma_wait3A_207] : memref<10240x64xf32, #tpu.memory_space<vmem_shared>> -> memref<10240x64xf32, #tpu.memory_space<vmem_shared>>
    tpu.wait_indirect_dma semaphore(%arg16 : memref<!tpu.dma_semaphore, #tpu.memory_space<semaphore_mem>>) src(%dma_wait3A_202 : memref<128x64xf32, #tpu.memory_space<vmem>>) dst(%dma_wait3A_208 : memref<10240x64xf32, #tpu.memory_space<vmem_shared>>)
    %dma_start3A_209 = arith.constant 157 : i32
    %dma_start3A_210 = arith.constant 1 : i32
    %dma_start3A_211 = arith.constant 0 : i32
    %dma_start3A_212 = arith.constant 0 : i32
    %dma_start3A_213 = tpu.memref_slice %arg8[%dma_start3A_210, %dma_start3A_211, %dma_start3A_212] : memref<4x128x64xf32, #tpu.memory_space<vmem>> -> memref<1x128x64xf32, #tpu.memory_space<vmem>>
    %dma_start3A_214 = tpu.memref_squeeze %dma_start3A_213 : memref<1x128x64xf32, #tpu.memory_space<vmem>> -> memref<128x64xf32, #tpu.memory_space<vmem>>
    %dma_start3A_215 = arith.constant 0 : i32
    %dma_start3A_216 = tpu.memref_slice %arg6[%dma_start3A_209, %dma_start3A_215] : memref<158x128xi32, #tpu.memory_space<vmem>> -> memref<1x128xi32, #tpu.memory_space<vmem>>
    %dma_start3A_217 = tpu.memref_squeeze %dma_start3A_216 : memref<1x128xi32, #tpu.memory_space<vmem>> -> memref<128xi32, #tpu.memory_space<vmem>>
    %dma_start3A_218 = arith.constant 0 : i32
    %dma_start3A_219 = arith.constant 0 : i32
    %dma_start3A_220 = tpu.memref_slice %arg2[%dma_start3A_218, %dma_start3A_219] : memref<20000x64xf32, #tpu.memory_space<hbm>> -> memref<20000x64xf32, #tpu.memory_space<hbm>>
    tpu.enqueue_indirect_dma source(%dma_start3A_220 : memref<20000x64xf32, #tpu.memory_space<hbm>>) target(%dma_start3A_214 : memref<128x64xf32, #tpu.memory_space<vmem>>) offsets(%dma_start3A_217 : memref<128xi32, #tpu.memory_space<vmem>>) semaphore(%arg12 : memref<!tpu.dma_semaphore, #tpu.memory_space<semaphore_mem>>)
    %dma_wait3A_221 = arith.constant 156 : i32
    %dma_wait3A_222 = arith.constant 0 : i32
    %dma_wait3A_223 = arith.constant 0 : i32
    %dma_wait3A_224 = arith.constant 0 : i32
    %dma_wait3A_225 = tpu.memref_slice %arg8[%dma_wait3A_222, %dma_wait3A_223, %dma_wait3A_224] : memref<4x128x64xf32, #tpu.memory_space<vmem>> -> memref<1x128x64xf32, #tpu.memory_space<vmem>>
    %dma_wait3A_226 = tpu.memref_squeeze %dma_wait3A_225 : memref<1x128x64xf32, #tpu.memory_space<vmem>> -> memref<128x64xf32, #tpu.memory_space<vmem>>
    %dma_wait3A_227 = arith.constant 0 : i32
    %dma_wait3A_228 = tpu.memref_slice %arg6[%dma_wait3A_221, %dma_wait3A_227] : memref<158x128xi32, #tpu.memory_space<vmem>> -> memref<1x128xi32, #tpu.memory_space<vmem>>
    %dma_wait3A_229 = tpu.memref_squeeze %dma_wait3A_228 : memref<1x128xi32, #tpu.memory_space<vmem>> -> memref<128xi32, #tpu.memory_space<vmem>>
    %dma_wait3A_230 = arith.constant 0 : i32
    %dma_wait3A_231 = arith.constant 0 : i32
    %dma_wait3A_232 = tpu.memref_slice %arg2[%dma_wait3A_230, %dma_wait3A_231] : memref<20000x64xf32, #tpu.memory_space<hbm>> -> memref<20000x64xf32, #tpu.memory_space<hbm>>
    tpu.wait_indirect_dma semaphore(%arg11 : memref<!tpu.dma_semaphore, #tpu.memory_space<semaphore_mem>>) src(%dma_wait3A_232 : memref<20000x64xf32, #tpu.memory_space<hbm>>) dst(%dma_wait3A_226 : memref<128x64xf32, #tpu.memory_space<vmem>>)
    %dma_start3A_233 = arith.constant 0 : i32
    %dma_start3A_234 = arith.constant 156 : i32
    %dma_start3A_235 = arith.constant 0 : i32
    %dma_start3A_236 = arith.constant 0 : i32
    %dma_start3A_237 = tpu.memref_slice %arg8[%dma_start3A_233, %dma_start3A_235, %dma_start3A_236] : memref<4x128x64xf32, #tpu.memory_space<vmem>> -> memref<1x128x64xf32, #tpu.memory_space<vmem>>
    %dma_start3A_238 = tpu.memref_squeeze %dma_start3A_237 : memref<1x128x64xf32, #tpu.memory_space<vmem>> -> memref<128x64xf32, #tpu.memory_space<vmem>>
    %dma_start3A_239 = arith.constant 0 : i32
    %dma_start3A_240 = tpu.memref_slice %arg7[%dma_start3A_234, %dma_start3A_239] : memref<158x128xi32, #tpu.memory_space<vmem>> -> memref<1x128xi32, #tpu.memory_space<vmem>>
    %dma_start3A_241 = tpu.memref_squeeze %dma_start3A_240 : memref<1x128xi32, #tpu.memory_space<vmem>> -> memref<128xi32, #tpu.memory_space<vmem>>
    %dma_start3A_242 = arith.constant 0 : i32
    %dma_start3A_243 = arith.constant 0 : i32
    %dma_start3A_244 = tpu.memref_slice %arg10[%dma_start3A_242, %dma_start3A_243] : memref<10240x64xf32, #tpu.memory_space<vmem_shared>> -> memref<10240x64xf32, #tpu.memory_space<vmem_shared>>
    tpu.enqueue_indirect_dma source(%dma_start3A_238 : memref<128x64xf32, #tpu.memory_space<vmem>>) target(%dma_start3A_244 : memref<10240x64xf32, #tpu.memory_space<vmem_shared>>) offsets(%dma_start3A_241 : memref<128xi32, #tpu.memory_space<vmem>>) semaphore(%arg15 : memref<!tpu.dma_semaphore, #tpu.memory_space<semaphore_mem>>) {add = true}
    %dma_wait3A_245 = arith.constant 157 : i32
    %dma_wait3A_246 = arith.constant 1 : i32
    %dma_wait3A_247 = arith.constant 0 : i32
    %dma_wait3A_248 = arith.constant 0 : i32
    %dma_wait3A_249 = tpu.memref_slice %arg8[%dma_wait3A_246, %dma_wait3A_247, %dma_wait3A_248] : memref<4x128x64xf32, #tpu.memory_space<vmem>> -> memref<1x128x64xf32, #tpu.memory_space<vmem>>
    %dma_wait3A_250 = tpu.memref_squeeze %dma_wait3A_249 : memref<1x128x64xf32, #tpu.memory_space<vmem>> -> memref<128x64xf32, #tpu.memory_space<vmem>>
    %dma_wait3A_251 = arith.constant 0 : i32
    %dma_wait3A_252 = tpu.memref_slice %arg6[%dma_wait3A_245, %dma_wait3A_251] : memref<158x128xi32, #tpu.memory_space<vmem>> -> memref<1x128xi32, #tpu.memory_space<vmem>>
    %dma_wait3A_253 = tpu.memref_squeeze %dma_wait3A_252 : memref<1x128xi32, #tpu.memory_space<vmem>> -> memref<128xi32, #tpu.memory_space<vmem>>
    %dma_wait3A_254 = arith.constant 0 : i32
    %dma_wait3A_255 = arith.constant 0 : i32
    %dma_wait3A_256 = tpu.memref_slice %arg2[%dma_wait3A_254, %dma_wait3A_255] : memref<20000x64xf32, #tpu.memory_space<hbm>> -> memref<20000x64xf32, #tpu.memory_space<hbm>>
    tpu.wait_indirect_dma semaphore(%arg12 : memref<!tpu.dma_semaphore, #tpu.memory_space<semaphore_mem>>) src(%dma_wait3A_256 : memref<20000x64xf32, #tpu.memory_space<hbm>>) dst(%dma_wait3A_250 : memref<128x64xf32, #tpu.memory_space<vmem>>)
    %dma_start3A_257 = arith.constant 1 : i32
    %dma_start3A_258 = arith.constant 157 : i32
    %dma_start3A_259 = arith.constant 0 : i32
    %dma_start3A_260 = arith.constant 0 : i32
    %dma_start3A_261 = tpu.memref_slice %arg8[%dma_start3A_257, %dma_start3A_259, %dma_start3A_260] : memref<4x128x64xf32, #tpu.memory_space<vmem>> -> memref<1x128x64xf32, #tpu.memory_space<vmem>>
    %dma_start3A_262 = tpu.memref_squeeze %dma_start3A_261 : memref<1x128x64xf32, #tpu.memory_space<vmem>> -> memref<128x64xf32, #tpu.memory_space<vmem>>
    %dma_start3A_263 = arith.constant 0 : i32
    %dma_start3A_264 = tpu.memref_slice %arg7[%dma_start3A_258, %dma_start3A_263] : memref<158x128xi32, #tpu.memory_space<vmem>> -> memref<1x128xi32, #tpu.memory_space<vmem>>
    %dma_start3A_265 = tpu.memref_squeeze %dma_start3A_264 : memref<1x128xi32, #tpu.memory_space<vmem>> -> memref<128xi32, #tpu.memory_space<vmem>>
    %dma_start3A_266 = arith.constant 0 : i32
    %dma_start3A_267 = arith.constant 0 : i32
    %dma_start3A_268 = tpu.memref_slice %arg10[%dma_start3A_266, %dma_start3A_267] : memref<10240x64xf32, #tpu.memory_space<vmem_shared>> -> memref<10240x64xf32, #tpu.memory_space<vmem_shared>>
    tpu.enqueue_indirect_dma source(%dma_start3A_262 : memref<128x64xf32, #tpu.memory_space<vmem>>) target(%dma_start3A_268 : memref<10240x64xf32, #tpu.memory_space<vmem_shared>>) offsets(%dma_start3A_265 : memref<128xi32, #tpu.memory_space<vmem>>) semaphore(%arg16 : memref<!tpu.dma_semaphore, #tpu.memory_space<semaphore_mem>>) {add = true}
    %dma_wait3A_269 = arith.constant 2 : i32
    %dma_wait3A_270 = arith.constant 154 : i32
    %dma_wait3A_271 = arith.constant 0 : i32
    %dma_wait3A_272 = arith.constant 0 : i32
    %dma_wait3A_273 = tpu.memref_slice %arg8[%dma_wait3A_269, %dma_wait3A_271, %dma_wait3A_272] : memref<4x128x64xf32, #tpu.memory_space<vmem>> -> memref<1x128x64xf32, #tpu.memory_space<vmem>>
    %dma_wait3A_274 = tpu.memref_squeeze %dma_wait3A_273 : memref<1x128x64xf32, #tpu.memory_space<vmem>> -> memref<128x64xf32, #tpu.memory_space<vmem>>
    %dma_wait3A_275 = arith.constant 0 : i32
    %dma_wait3A_276 = tpu.memref_slice %arg7[%dma_wait3A_270, %dma_wait3A_275] : memref<158x128xi32, #tpu.memory_space<vmem>> -> memref<1x128xi32, #tpu.memory_space<vmem>>
    %dma_wait3A_277 = tpu.memref_squeeze %dma_wait3A_276 : memref<1x128xi32, #tpu.memory_space<vmem>> -> memref<128xi32, #tpu.memory_space<vmem>>
    %dma_wait3A_278 = arith.constant 0 : i32
    %dma_wait3A_279 = arith.constant 0 : i32
    %dma_wait3A_280 = tpu.memref_slice %arg10[%dma_wait3A_278, %dma_wait3A_279] : memref<10240x64xf32, #tpu.memory_space<vmem_shared>> -> memref<10240x64xf32, #tpu.memory_space<vmem_shared>>
    tpu.wait_indirect_dma semaphore(%arg17 : memref<!tpu.dma_semaphore, #tpu.memory_space<semaphore_mem>>) src(%dma_wait3A_274 : memref<128x64xf32, #tpu.memory_space<vmem>>) dst(%dma_wait3A_280 : memref<10240x64xf32, #tpu.memory_space<vmem_shared>>)
    %dma_wait3A_281 = arith.constant 3 : i32
    %dma_wait3A_282 = arith.constant 155 : i32
    %dma_wait3A_283 = arith.constant 0 : i32
    %dma_wait3A_284 = arith.constant 0 : i32
    %dma_wait3A_285 = tpu.memref_slice %arg8[%dma_wait3A_281, %dma_wait3A_283, %dma_wait3A_284] : memref<4x128x64xf32, #tpu.memory_space<vmem>> -> memref<1x128x64xf32, #tpu.memory_space<vmem>>
    %dma_wait3A_286 = tpu.memref_squeeze %dma_wait3A_285 : memref<1x128x64xf32, #tpu.memory_space<vmem>> -> memref<128x64xf32, #tpu.memory_space<vmem>>
    %dma_wait3A_287 = arith.constant 0 : i32
    %dma_wait3A_288 = tpu.memref_slice %arg7[%dma_wait3A_282, %dma_wait3A_287] : memref<158x128xi32, #tpu.memory_space<vmem>> -> memref<1x128xi32, #tpu.memory_space<vmem>>
    %dma_wait3A_289 = tpu.memref_squeeze %dma_wait3A_288 : memref<1x128xi32, #tpu.memory_space<vmem>> -> memref<128xi32, #tpu.memory_space<vmem>>
    %dma_wait3A_290 = arith.constant 0 : i32
    %dma_wait3A_291 = arith.constant 0 : i32
    %dma_wait3A_292 = tpu.memref_slice %arg10[%dma_wait3A_290, %dma_wait3A_291] : memref<10240x64xf32, #tpu.memory_space<vmem_shared>> -> memref<10240x64xf32, #tpu.memory_space<vmem_shared>>
    tpu.wait_indirect_dma semaphore(%arg18 : memref<!tpu.dma_semaphore, #tpu.memory_space<semaphore_mem>>) src(%dma_wait3A_286 : memref<128x64xf32, #tpu.memory_space<vmem>>) dst(%dma_wait3A_292 : memref<10240x64xf32, #tpu.memory_space<vmem_shared>>)
    %dma_wait3A_293 = arith.constant 0 : i32
    %dma_wait3A_294 = arith.constant 156 : i32
    %dma_wait3A_295 = arith.constant 0 : i32
    %dma_wait3A_296 = arith.constant 0 : i32
    %dma_wait3A_297 = tpu.memref_slice %arg8[%dma_wait3A_293, %dma_wait3A_295, %dma_wait3A_296] : memref<4x128x64xf32, #tpu.memory_space<vmem>> -> memref<1x128x64xf32, #tpu.memory_space<vmem>>
    %dma_wait3A_298 = tpu.memref_squeeze %dma_wait3A_297 : memref<1x128x64xf32, #tpu.memory_space<vmem>> -> memref<128x64xf32, #tpu.memory_space<vmem>>
    %dma_wait3A_299 = arith.constant 0 : i32
    %dma_wait3A_300 = tpu.memref_slice %arg7[%dma_wait3A_294, %dma_wait3A_299] : memref<158x128xi32, #tpu.memory_space<vmem>> -> memref<1x128xi32, #tpu.memory_space<vmem>>
    %dma_wait3A_301 = tpu.memref_squeeze %dma_wait3A_300 : memref<1x128xi32, #tpu.memory_space<vmem>> -> memref<128xi32, #tpu.memory_space<vmem>>
    %dma_wait3A_302 = arith.constant 0 : i32
    %dma_wait3A_303 = arith.constant 0 : i32
    %dma_wait3A_304 = tpu.memref_slice %arg10[%dma_wait3A_302, %dma_wait3A_303] : memref<10240x64xf32, #tpu.memory_space<vmem_shared>> -> memref<10240x64xf32, #tpu.memory_space<vmem_shared>>
    tpu.wait_indirect_dma semaphore(%arg15 : memref<!tpu.dma_semaphore, #tpu.memory_space<semaphore_mem>>) src(%dma_wait3A_298 : memref<128x64xf32, #tpu.memory_space<vmem>>) dst(%dma_wait3A_304 : memref<10240x64xf32, #tpu.memory_space<vmem_shared>>)
    %dma_wait3A_305 = arith.constant 1 : i32
    %dma_wait3A_306 = arith.constant 157 : i32
    %dma_wait3A_307 = arith.constant 0 : i32
    %dma_wait3A_308 = arith.constant 0 : i32
    %dma_wait3A_309 = tpu.memref_slice %arg8[%dma_wait3A_305, %dma_wait3A_307, %dma_wait3A_308] : memref<4x128x64xf32, #tpu.memory_space<vmem>> -> memref<1x128x64xf32, #tpu.memory_space<vmem>>
    %dma_wait3A_310 = tpu.memref_squeeze %dma_wait3A_309 : memref<1x128x64xf32, #tpu.memory_space<vmem>> -> memref<128x64xf32, #tpu.memory_space<vmem>>
    %dma_wait3A_311 = arith.constant 0 : i32
    %dma_wait3A_312 = tpu.memref_slice %arg7[%dma_wait3A_306, %dma_wait3A_311] : memref<158x128xi32, #tpu.memory_space<vmem>> -> memref<1x128xi32, #tpu.memory_space<vmem>>
    %dma_wait3A_313 = tpu.memref_squeeze %dma_wait3A_312 : memref<1x128xi32, #tpu.memory_space<vmem>> -> memref<128xi32, #tpu.memory_space<vmem>>
    %dma_wait3A_314 = arith.constant 0 : i32
    %dma_wait3A_315 = arith.constant 0 : i32
    %dma_wait3A_316 = tpu.memref_slice %arg10[%dma_wait3A_314, %dma_wait3A_315] : memref<10240x64xf32, #tpu.memory_space<vmem_shared>> -> memref<10240x64xf32, #tpu.memory_space<vmem_shared>>
    tpu.wait_indirect_dma semaphore(%arg16 : memref<!tpu.dma_semaphore, #tpu.memory_space<semaphore_mem>>) src(%dma_wait3A_310 : memref<128x64xf32, #tpu.memory_space<vmem>>) dst(%dma_wait3A_316 : memref<10240x64xf32, #tpu.memory_space<vmem_shared>>)
    %barrier3A_317 = arith.constant 0 : index
    tpu.barrier barrier_id(%barrier3A_317)
    %sub3A = arith.constant 10000 : i32
    %sub3A_318 = arith.subi %sub3A, %mul3A_6 : i32
    %min3A = arith.constant 640 : i32
    %min3A_319 = arith.minsi %min3A, %sub3A_318 : i32
    %jit3A = arith.constant 80 : i32
    %div3A = arith.divsi %min3A_319, %jit3A : i32
    %sign3A = arith.constant 0 : i32
    %sign3A_320 = arith.cmpi sgt, %min3A_319, %sign3A : i32
    %sign3A_321 = arith.extui %sign3A_320 : i1 to i32
    %sign3A_322 = arith.constant 0 : i32
    %sign3A_323 = arith.cmpi slt, %min3A_319, %sign3A_322 : i32
    %sign3A_324 = arith.extui %sign3A_323 : i1 to i32
    %sign3A_325 = arith.subi %sign3A_321, %sign3A_324 : i32
    %sign3A_326 = arith.constant 0 : i32
    %sign3A_327 = arith.cmpi sgt, %jit3A, %sign3A_326 : i32
    %sign3A_328 = arith.extui %sign3A_327 : i1 to i32
    %sign3A_329 = arith.constant 0 : i32
    %sign3A_330 = arith.cmpi slt, %jit3A, %sign3A_329 : i32
    %sign3A_331 = arith.extui %sign3A_330 : i1 to i32
    %sign3A_332 = arith.subi %sign3A_328, %sign3A_331 : i32
    %ne3A = arith.cmpi ne, %sign3A_325, %sign3A_332 : i32
    %rem3A = arith.remsi %min3A_319, %jit3A : i32
    %ne3A_333 = arith.constant 0 : i32
    %ne3A_334 = arith.cmpi ne, %rem3A, %ne3A_333 : i32
    %and3A = arith.andi %ne3A, %ne3A_334 : i1
    %sub3A_335 = arith.constant 1 : i32
    %sub3A_336 = arith.subi %div3A, %sub3A_335 : i32
    %select_n3A = arith.select %and3A, %sub3A_336, %div3A : i32
    %while3A = arith.constant 0 : i32
    %while3A_337 = arith.constant 0 : i32
    %while3A_338 = arith.subi %select_n3A, %while3A_337 : i32
    %while3A_339 = arith.addi %while3A_337, %while3A_338 : i32
    %while3A_340 = arith.constant 1 : i32
    %while3A_341 = arith.divsi %while3A_338, %while3A_340 : i32
    %while3A_342 = arith.muli %while3A_341, %while3A_340 : i32
    %while3A_343 = arith.addi %while3A_337, %while3A_342 : i32
    %while3A_344 = arith.constant 1 : i32
    scf.for %while3A_346 = %while3A_337 to %while3A_343 step %while3A_344  : i32 {
      %mul3A_347 = arith.constant 80 : i32
      %mul3A_348 = arith.muli %while3A_346, %mul3A_347 : i32
      %add3A_349 = arith.addi %mul3A_6, %mul3A_348 : i32
      "tpu.region"() ({
        %run_scoped3A = tpu.sem_alloc : memref<!tpu.dma_semaphore, #tpu.memory_space<semaphore_mem>>
        %dma_start3A_353 = arith.constant 0 : i32
        %dma_start3A_354 = tpu.memref_slice %arg10[%add3A_349, %dma_start3A_353] : memref<10240x64xf32, #tpu.memory_space<vmem_shared>> -> memref<80x64xf32, #tpu.memory_space<vmem_shared>>
        %dma_start3A_355 = arith.constant 0 : i32
        %dma_start3A_356 = tpu.memref_slice %arg10[%add3A_349, %dma_start3A_355] : memref<10240x64xf32, #tpu.memory_space<vmem_shared>> -> memref<80x64xf32, #tpu.memory_space<vmem_shared>>
        tpu.enqueue_dma source(%dma_start3A_356 : memref<80x64xf32, #tpu.memory_space<vmem_shared>>) target(%arg9 : memref<80x64xf32, #tpu.memory_space<vmem>>) target_semaphore(%run_scoped3A : memref<!tpu.dma_semaphore, #tpu.memory_space<semaphore_mem>>)
        %dma_wait3A_357 = arith.constant 0 : i32
        %dma_wait3A_358 = tpu.memref_slice %arg10[%add3A_349, %dma_wait3A_357] : memref<10240x64xf32, #tpu.memory_space<vmem_shared>> -> memref<80x64xf32, #tpu.memory_space<vmem_shared>>
        %dma_wait3A_359 = arith.constant 0 : i32
        %dma_wait3A_360 = tpu.memref_slice %arg10[%add3A_349, %dma_wait3A_359] : memref<10240x64xf32, #tpu.memory_space<vmem_shared>> -> memref<80x64xf32, #tpu.memory_space<vmem_shared>>
        tpu.wait_dma2 semaphore(%run_scoped3A : memref<!tpu.dma_semaphore, #tpu.memory_space<semaphore_mem>>) src(%dma_wait3A_360 : memref<80x64xf32, #tpu.memory_space<vmem_shared>>) dst(%arg9 : memref<80x64xf32, #tpu.memory_space<vmem>>)
        tpu.yield
      }) : () -> ()
      %mul3A_350 = arith.constant 10000 : i32
      %mul3A_351 = arith.muli %arg0, %mul3A_350 : i32
      %add3A_352 = arith.addi %mul3A_351, %add3A_349 : i32
      "tpu.region"() ({
        %run_scoped3A = tpu.sem_alloc : memref<!tpu.dma_semaphore, #tpu.memory_space<semaphore_mem>>
        %dma_start3A_353 = arith.constant 0 : i32
        %dma_start3A_354 = tpu.memref_slice %arg5[%add3A_352, %dma_start3A_353] : memref<20000x64xf32, #tpu.memory_space<hbm>> -> memref<80x64xf32, #tpu.memory_space<hbm>>
        %dma_start3A_355 = arith.constant 0 : i32
        %dma_start3A_356 = tpu.memref_slice %arg5[%add3A_352, %dma_start3A_355] : memref<20000x64xf32, #tpu.memory_space<hbm>> -> memref<80x64xf32, #tpu.memory_space<hbm>>
        tpu.enqueue_dma source(%arg9 : memref<80x64xf32, #tpu.memory_space<vmem>>) target(%dma_start3A_356 : memref<80x64xf32, #tpu.memory_space<hbm>>) target_semaphore(%run_scoped3A : memref<!tpu.dma_semaphore, #tpu.memory_space<semaphore_mem>>)
        %dma_wait3A_357 = arith.constant 0 : i32
        %dma_wait3A_358 = tpu.memref_slice %arg5[%add3A_352, %dma_wait3A_357] : memref<20000x64xf32, #tpu.memory_space<hbm>> -> memref<80x64xf32, #tpu.memory_space<hbm>>
        %dma_wait3A_359 = arith.constant 0 : i32
        %dma_wait3A_360 = tpu.memref_slice %arg5[%add3A_352, %dma_wait3A_359] : memref<20000x64xf32, #tpu.memory_space<hbm>> -> memref<80x64xf32, #tpu.memory_space<hbm>>
        tpu.wait_dma2 semaphore(%run_scoped3A : memref<!tpu.dma_semaphore, #tpu.memory_space<semaphore_mem>>) src(%arg9 : memref<80x64xf32, #tpu.memory_space<vmem>>) dst(%dma_wait3A_360 : memref<80x64xf32, #tpu.memory_space<hbm>>)
        tpu.yield
      }) : () -> ()
    }
    %while3A_345 = arith.constant 1 : i32
    scf.for %while3A_346 = %while3A_343 to %while3A_339 step %while3A_345  : i32 {
      %mul3A_347 = arith.constant 80 : i32
      %mul3A_348 = arith.muli %while3A_346, %mul3A_347 : i32
      %add3A_349 = arith.addi %mul3A_6, %mul3A_348 : i32
      "tpu.region"() ({
        %run_scoped3A = tpu.sem_alloc : memref<!tpu.dma_semaphore, #tpu.memory_space<semaphore_mem>>
        %dma_start3A_353 = arith.constant 0 : i32
        %dma_start3A_354 = tpu.memref_slice %arg10[%add3A_349, %dma_start3A_353] : memref<10240x64xf32, #tpu.memory_space<vmem_shared>> -> memref<80x64xf32, #tpu.memory_space<vmem_shared>>
        %dma_start3A_355 = arith.constant 0 : i32
        %dma_start3A_356 = tpu.memref_slice %arg10[%add3A_349, %dma_start3A_355] : memref<10240x64xf32, #tpu.memory_space<vmem_shared>> -> memref<80x64xf32, #tpu.memory_space<vmem_shared>>
        tpu.enqueue_dma source(%dma_start3A_356 : memref<80x64xf32, #tpu.memory_space<vmem_shared>>) target(%arg9 : memref<80x64xf32, #tpu.memory_space<vmem>>) target_semaphore(%run_scoped3A : memref<!tpu.dma_semaphore, #tpu.memory_space<semaphore_mem>>)
        %dma_wait3A_357 = arith.constant 0 : i32
        %dma_wait3A_358 = tpu.memref_slice %arg10[%add3A_349, %dma_wait3A_357] : memref<10240x64xf32, #tpu.memory_space<vmem_shared>> -> memref<80x64xf32, #tpu.memory_space<vmem_shared>>
        %dma_wait3A_359 = arith.constant 0 : i32
        %dma_wait3A_360 = tpu.memref_slice %arg10[%add3A_349, %dma_wait3A_359] : memref<10240x64xf32, #tpu.memory_space<vmem_shared>> -> memref<80x64xf32, #tpu.memory_space<vmem_shared>>
        tpu.wait_dma2 semaphore(%run_scoped3A : memref<!tpu.dma_semaphore, #tpu.memory_space<semaphore_mem>>) src(%dma_wait3A_360 : memref<80x64xf32, #tpu.memory_space<vmem_shared>>) dst(%arg9 : memref<80x64xf32, #tpu.memory_space<vmem>>)
        tpu.yield
      }) : () -> ()
      %mul3A_350 = arith.constant 10000 : i32
      %mul3A_351 = arith.muli %arg0, %mul3A_350 : i32
      %add3A_352 = arith.addi %mul3A_351, %add3A_349 : i32
      "tpu.region"() ({
        %run_scoped3A = tpu.sem_alloc : memref<!tpu.dma_semaphore, #tpu.memory_space<semaphore_mem>>
        %dma_start3A_353 = arith.constant 0 : i32
        %dma_start3A_354 = tpu.memref_slice %arg5[%add3A_352, %dma_start3A_353] : memref<20000x64xf32, #tpu.memory_space<hbm>> -> memref<80x64xf32, #tpu.memory_space<hbm>>
        %dma_start3A_355 = arith.constant 0 : i32
        %dma_start3A_356 = tpu.memref_slice %arg5[%add3A_352, %dma_start3A_355] : memref<20000x64xf32, #tpu.memory_space<hbm>> -> memref<80x64xf32, #tpu.memory_space<hbm>>
        tpu.enqueue_dma source(%arg9 : memref<80x64xf32, #tpu.memory_space<vmem>>) target(%dma_start3A_356 : memref<80x64xf32, #tpu.memory_space<hbm>>) target_semaphore(%run_scoped3A : memref<!tpu.dma_semaphore, #tpu.memory_space<semaphore_mem>>)
        %dma_wait3A_357 = arith.constant 0 : i32
        %dma_wait3A_358 = tpu.memref_slice %arg5[%add3A_352, %dma_wait3A_357] : memref<20000x64xf32, #tpu.memory_space<hbm>> -> memref<80x64xf32, #tpu.memory_space<hbm>>
        %dma_wait3A_359 = arith.constant 0 : i32
        %dma_wait3A_360 = tpu.memref_slice %arg5[%add3A_352, %dma_wait3A_359] : memref<20000x64xf32, #tpu.memory_space<hbm>> -> memref<80x64xf32, #tpu.memory_space<hbm>>
        tpu.wait_dma2 semaphore(%run_scoped3A : memref<!tpu.dma_semaphore, #tpu.memory_space<semaphore_mem>>) src(%arg9 : memref<80x64xf32, #tpu.memory_space<vmem>>) dst(%dma_wait3A_360 : memref<80x64xf32, #tpu.memory_space<hbm>>)
        tpu.yield
      }) : () -> ()
    }
    return
  }
}

module attributes {stable_mosaic.version = 14 : i64} {
  func.func @body(%arg0: i32, %arg1: memref<1xf32, #tpu.memory_space<smem>>, %arg2: memref<2000x128xf32, #tpu.memory_space<vmem>>, %arg3: memref<2000x64xf32, #tpu.memory_space<vmem>>, %arg4: memref<2000x64xf32, #tpu.memory_space<vmem>>, %arg5: memref<64x128xf32, #tpu.memory_space<vmem>>, %arg6: memref<64x128xf32, #tpu.memory_space<vmem>>, %arg7: memref<1x128xf32, #tpu.memory_space<vmem>>, %arg8: memref<128x128xf32, #tpu.memory_space<vmem>>, %arg9: memref<1x128xf32, #tpu.memory_space<vmem>>, %arg10: memref<2x2000x64xf32, #tpu.memory_space<vmem>>) attributes {dimension_semantics = [#tpu.dimension_semantics<arbitrary>], iteration_bounds = array<i64: 5>, scalar_prefetch = 0 : i64, scratch_operands = 0 : i64, tpu.core_type = #tpu.core_type<tc>, window_params = [{transform_indices = @transform_0, window_bounds = array<i64: 1>}, {transform_indices = @transform_1, window_bounds = array<i64: 2000, 128>}, {transform_indices = @transform_2, window_bounds = array<i64: 2000, 64>}, {transform_indices = @transform_3, window_bounds = array<i64: 2000, 64>}, {pipeline_mode = #tpu.pipeline_mode<synchronous>, transform_indices = @transform_4, window_bounds = array<i64: 64, 128>}, {pipeline_mode = #tpu.pipeline_mode<synchronous>, transform_indices = @transform_5, window_bounds = array<i64: 64, 128>}, {pipeline_mode = #tpu.pipeline_mode<synchronous>, transform_indices = @transform_6, window_bounds = array<i64: 1, 128>}, {pipeline_mode = #tpu.pipeline_mode<synchronous>, transform_indices = @transform_7, window_bounds = array<i64: 128, 128>}, {pipeline_mode = #tpu.pipeline_mode<synchronous>, transform_indices = @transform_8, window_bounds = array<i64: 1, 128>}, {transform_indices = @transform_9, window_bounds = array<i64: 2, 2000, 64>}]} {
    %get3A = arith.constant 0 : index
    %get3A_0 = memref.load %arg1[%get3A] : memref<1xf32, #tpu.memory_space<smem>>
    %get3A_1 = arith.constant 0 : index
    %get3A_2 = arith.constant 0 : index
    %get3A_3 = vector.load %arg2[%get3A_1, %get3A_2] : memref<2000x128xf32, #tpu.memory_space<vmem>>, vector<2000x64xf32>
    %mul3A = vector.broadcast %get3A_0 : f32 to vector<2000x64xf32>
    %mul3A_4 = arith.mulf %get3A_3, %mul3A : vector<2000x64xf32>
    %get3A_5 = arith.constant 0 : index
    %get3A_6 = arith.constant 0 : index
    %get3A_7 = vector.load %arg3[%get3A_5, %get3A_6] : memref<2000x64xf32, #tpu.memory_space<vmem>>, vector<2000x64xf32>
    %add3A = arith.addf %mul3A_4, %get3A_7 : vector<2000x64xf32>
    %get3A_8 = arith.constant 0 : index
    %get3A_9 = arith.constant 64 : index
    %get3A_10 = vector.load %arg2[%get3A_8, %get3A_9] : memref<2000x128xf32, #tpu.memory_space<vmem>>, vector<2000x64xf32>
    %mul3A_11 = vector.broadcast %get3A_0 : f32 to vector<2000x64xf32>
    %mul3A_12 = arith.mulf %get3A_10, %mul3A_11 : vector<2000x64xf32>
    %get3A_13 = arith.constant 0 : index
    %get3A_14 = arith.constant 0 : index
    %get3A_15 = vector.load %arg4[%get3A_13, %get3A_14] : memref<2000x64xf32, #tpu.memory_space<vmem>>, vector<2000x64xf32>
    %add3A_16 = arith.addf %mul3A_12, %get3A_15 : vector<2000x64xf32>
    %get3A_17 = arith.constant 0 : index
    %get3A_18 = arith.constant 0 : index
    %get3A_19 = vector.load %arg5[%get3A_17, %get3A_18] : memref<64x128xf32, #tpu.memory_space<vmem>>, vector<64x128xf32>
    %get3A_20 = arith.constant 0 : index
    %get3A_21 = arith.constant 0 : index
    %get3A_22 = vector.load %arg6[%get3A_20, %get3A_21] : memref<64x128xf32, #tpu.memory_space<vmem>>, vector<64x128xf32>
    %get3A_23 = arith.constant 0 : index
    %get3A_24 = arith.constant 0 : index
    %get3A_25 = vector.load %arg7[%get3A_23, %get3A_24] : memref<1x128xf32, #tpu.memory_space<vmem>>, vector<1x128xf32>
    %get3A_26 = arith.constant 0 : index
    %get3A_27 = arith.constant 0 : index
    %get3A_28 = vector.load %arg8[%get3A_26, %get3A_27] : memref<128x128xf32, #tpu.memory_space<vmem>>, vector<128x128xf32>
    %get3A_29 = arith.constant 0 : index
    %get3A_30 = arith.constant 0 : index
    %get3A_31 = vector.load %arg9[%get3A_29, %get3A_30] : memref<1x128xf32, #tpu.memory_space<vmem>>, vector<1x128xf32>
    %dot_general3A = arith.constant dense<0.000000e+00> : vector<2000x128xf32>
    %dot_general3A_32 = tpu.matmul %add3A, %get3A_19, %dot_general3A {dimension_numbers = #tpu.dot_dimension_numbers<[1], [0], [0], [1], [0, 0, 1, 1], [], []>, transpose_lhs_hint = false} : vector<2000x64xf32>, vector<64x128xf32>, vector<2000x128xf32> -> vector<2000x128xf32>
    %dot_general3A_33 = arith.constant dense<0.000000e+00> : vector<2000x128xf32>
    %dot_general3A_34 = tpu.matmul %add3A_16, %get3A_22, %dot_general3A_33 {dimension_numbers = #tpu.dot_dimension_numbers<[1], [0], [0], [1], [0, 0, 1, 1], [], []>, transpose_lhs_hint = false} : vector<2000x64xf32>, vector<64x128xf32>, vector<2000x128xf32> -> vector<2000x128xf32>
    %add3A_35 = arith.addf %dot_general3A_32, %dot_general3A_34 : vector<2000x128xf32>
    %add3A_36 = vector.broadcast %get3A_25 : vector<1x128xf32> to vector<2000x128xf32>
    %add3A_37 = arith.addf %add3A_35, %add3A_36 : vector<2000x128xf32>
    %max3A = arith.constant 0.000000e+00 : f32
    %max3A_38 = vector.broadcast %max3A : f32 to vector<2000x128xf32>
    %max3A_39 = arith.maximumf %add3A_37, %max3A_38 : vector<2000x128xf32>
    %dot_general3A_40 = arith.constant dense<0.000000e+00> : vector<2000x128xf32>
    %dot_general3A_41 = tpu.matmul %max3A_39, %get3A_28, %dot_general3A_40 {dimension_numbers = #tpu.dot_dimension_numbers<[1], [0], [0], [1], [0, 0, 1, 1], [], []>, transpose_lhs_hint = false} : vector<2000x128xf32>, vector<128x128xf32>, vector<2000x128xf32> -> vector<2000x128xf32>
    %add3A_42 = vector.broadcast %get3A_31 : vector<1x128xf32> to vector<2000x128xf32>
    %add3A_43 = arith.addf %dot_general3A_41, %add3A_42 : vector<2000x128xf32>
    %max3A_44 = arith.constant 0.000000e+00 : f32
    %max3A_45 = vector.broadcast %max3A_44 : f32 to vector<2000x128xf32>
    %max3A_46 = arith.maximumf %add3A_43, %max3A_45 : vector<2000x128xf32>
    %slice3A = vector.extract_strided_slice %max3A_46 {offsets = [0, 0], sizes = [2000, 64], strides = [1, 1]} : vector<2000x128xf32> to vector<2000x64xf32>
    %swap3A = arith.constant 0 : index
    %swap3A_47 = arith.constant 0 : index
    %swap3A_48 = arith.constant 0 : index
    %swap3A_49 = vector.load %arg10[%swap3A, %swap3A_47, %swap3A_48] : memref<2x2000x64xf32, #tpu.memory_space<vmem>>, vector<1x2000x64xf32>
    %swap3A_50 = vector.shape_cast %swap3A_49 : vector<1x2000x64xf32> to vector<2000x64xf32>
    %swap3A_51 = vector.shape_cast %slice3A : vector<2000x64xf32> to vector<1x2000x64xf32>
    tpu.vector_store %arg10[%swap3A, %swap3A_47, %swap3A_48], %swap3A_51 {strides = array<i32>} : memref<2x2000x64xf32, #tpu.memory_space<vmem>>, vector<1x2000x64xf32>,
    %slice3A_52 = vector.extract_strided_slice %max3A_46 {offsets = [0, 64], sizes = [2000, 64], strides = [1, 1]} : vector<2000x128xf32> to vector<2000x64xf32>
    %swap3A_53 = arith.constant 1 : index
    %swap3A_54 = arith.constant 0 : index
    %swap3A_55 = arith.constant 0 : index
    %swap3A_56 = vector.load %arg10[%swap3A_53, %swap3A_54, %swap3A_55] : memref<2x2000x64xf32, #tpu.memory_space<vmem>>, vector<1x2000x64xf32>
    %swap3A_57 = vector.shape_cast %swap3A_56 : vector<1x2000x64xf32> to vector<2000x64xf32>
    %swap3A_58 = vector.shape_cast %slice3A_52 : vector<2000x64xf32> to vector<1x2000x64xf32>
    tpu.vector_store %arg10[%swap3A_53, %swap3A_54, %swap3A_55], %swap3A_58 {strides = array<i32>} : memref<2x2000x64xf32, #tpu.memory_space<vmem>>, vector<1x2000x64xf32>,
    return
  }
  func.func @transform_0(%arg0: i32) -> i32 {
    %c0_i32 = arith.constant 0 : i32
    %c0_i32_0 = arith.constant 0 : i32
    return %c0_i32 : i32
  }
  func.func @transform_1(%arg0: i32) -> (i32, i32) {
    %c0_i32 = arith.constant 0 : i32
    %c0_i32_0 = arith.constant 0 : i32
    return %arg0, %c0_i32 : i32, i32
  }
  func.func @transform_2(%arg0: i32) -> (i32, i32) {
    %c0_i32 = arith.constant 0 : i32
    %c0_i32_0 = arith.constant 0 : i32
    return %arg0, %c0_i32 : i32, i32
  }
  func.func @transform_3(%arg0: i32) -> (i32, i32) {
    %add3A = arith.constant 5 : i32
    %add3A_0 = arith.addi %add3A, %arg0 : i32
    %c0_i32 = arith.constant 0 : i32
    %c0_i32_1 = arith.constant 0 : i32
    return %add3A_0, %c0_i32 : i32, i32
  }
  func.func @transform_4(%arg0: i32) -> (i32, i32) {
    %c0_i32 = arith.constant 0 : i32
    %c0_i32_0 = arith.constant 0 : i32
    %c0_i32_1 = arith.constant 0 : i32
    return %c0_i32, %c0_i32_0 : i32, i32
  }
  func.func @transform_5(%arg0: i32) -> (i32, i32) {
    %c0_i32 = arith.constant 0 : i32
    %c0_i32_0 = arith.constant 0 : i32
    %c0_i32_1 = arith.constant 0 : i32
    return %c0_i32, %c0_i32_0 : i32, i32
  }
  func.func @transform_6(%arg0: i32) -> (i32, i32) {
    %c0_i32 = arith.constant 0 : i32
    %c0_i32_0 = arith.constant 0 : i32
    %c0_i32_1 = arith.constant 0 : i32
    return %c0_i32, %c0_i32_0 : i32, i32
  }
  func.func @transform_7(%arg0: i32) -> (i32, i32) {
    %c0_i32 = arith.constant 0 : i32
    %c0_i32_0 = arith.constant 0 : i32
    %c0_i32_1 = arith.constant 0 : i32
    return %c0_i32, %c0_i32_0 : i32, i32
  }
  func.func @transform_8(%arg0: i32) -> (i32, i32) {
    %c0_i32 = arith.constant 0 : i32
    %c0_i32_0 = arith.constant 0 : i32
    %c0_i32_1 = arith.constant 0 : i32
    return %c0_i32, %c0_i32_0 : i32, i32
  }
  func.func @transform_9(%arg0: i32) -> (i32, i32, i32) {
    %c0_i32 = arith.constant 0 : i32
    %c0_i32_0 = arith.constant 0 : i32
    %c0_i32_1 = arith.constant 0 : i32
    return %c0_i32, %arg0, %c0_i32_0 : i32, i32, i32
  }
}

module attributes {stable_mosaic.version = 14 : i64} {
  func.func @body(%arg0: i32, %arg1: memref<1xf32, #tpu.memory_space<smem>>, %arg2: memref<2x2000x64xf32, #tpu.memory_space<vmem>>, %arg3: memref<2000x64xf32, #tpu.memory_space<vmem>>, %arg4: memref<2000x64xf32, #tpu.memory_space<vmem>>, %arg5: memref<64x128xf32, #tpu.memory_space<vmem>>, %arg6: memref<64x128xf32, #tpu.memory_space<vmem>>, %arg7: memref<1x128xf32, #tpu.memory_space<vmem>>, %arg8: memref<128x128xf32, #tpu.memory_space<vmem>>, %arg9: memref<1x128xf32, #tpu.memory_space<vmem>>, %arg10: memref<2000x128xf32, #tpu.memory_space<vmem>>) attributes {dimension_semantics = [#tpu.dimension_semantics<arbitrary>], iteration_bounds = array<i64: 5>, scalar_prefetch = 0 : i64, scratch_operands = 0 : i64, tpu.core_type = #tpu.core_type<tc>, window_params = [{transform_indices = @transform_0, window_bounds = array<i64: 1>}, {transform_indices = @transform_1, window_bounds = array<i64: 2, 2000, 64>}, {transform_indices = @transform_2, window_bounds = array<i64: 2000, 64>}, {transform_indices = @transform_3, window_bounds = array<i64: 2000, 64>}, {pipeline_mode = #tpu.pipeline_mode<synchronous>, transform_indices = @transform_4, window_bounds = array<i64: 64, 128>}, {pipeline_mode = #tpu.pipeline_mode<synchronous>, transform_indices = @transform_5, window_bounds = array<i64: 64, 128>}, {pipeline_mode = #tpu.pipeline_mode<synchronous>, transform_indices = @transform_6, window_bounds = array<i64: 1, 128>}, {pipeline_mode = #tpu.pipeline_mode<synchronous>, transform_indices = @transform_7, window_bounds = array<i64: 128, 128>}, {pipeline_mode = #tpu.pipeline_mode<synchronous>, transform_indices = @transform_8, window_bounds = array<i64: 1, 128>}, {transform_indices = @transform_9, window_bounds = array<i64: 2000, 128>}]} {
    %get3A = arith.constant 0 : index
    %get3A_0 = memref.load %arg1[%get3A] : memref<1xf32, #tpu.memory_space<smem>>
    %get3A_1 = arith.constant 0 : index
    %get3A_2 = arith.constant 0 : index
    %get3A_3 = arith.constant 0 : index
    %get3A_4 = vector.load %arg2[%get3A_1, %get3A_2, %get3A_3] : memref<2x2000x64xf32, #tpu.memory_space<vmem>>, vector<1x2000x64xf32>
    %get3A_5 = vector.shape_cast %get3A_4 : vector<1x2000x64xf32> to vector<2000x64xf32>
    %mul3A = vector.broadcast %get3A_0 : f32 to vector<2000x64xf32>
    %mul3A_6 = arith.mulf %get3A_5, %mul3A : vector<2000x64xf32>
    %get3A_7 = arith.constant 0 : index
    %get3A_8 = arith.constant 0 : index
    %get3A_9 = vector.load %arg3[%get3A_7, %get3A_8] : memref<2000x64xf32, #tpu.memory_space<vmem>>, vector<2000x64xf32>
    %add3A = arith.addf %mul3A_6, %get3A_9 : vector<2000x64xf32>
    %get3A_10 = arith.constant 1 : index
    %get3A_11 = arith.constant 0 : index
    %get3A_12 = arith.constant 0 : index
    %get3A_13 = vector.load %arg2[%get3A_10, %get3A_11, %get3A_12] : memref<2x2000x64xf32, #tpu.memory_space<vmem>>, vector<1x2000x64xf32>
    %get3A_14 = vector.shape_cast %get3A_13 : vector<1x2000x64xf32> to vector<2000x64xf32>
    %mul3A_15 = vector.broadcast %get3A_0 : f32 to vector<2000x64xf32>
    %mul3A_16 = arith.mulf %get3A_14, %mul3A_15 : vector<2000x64xf32>
    %get3A_17 = arith.constant 0 : index
    %get3A_18 = arith.constant 0 : index
    %get3A_19 = vector.load %arg4[%get3A_17, %get3A_18] : memref<2000x64xf32, #tpu.memory_space<vmem>>, vector<2000x64xf32>
    %add3A_20 = arith.addf %mul3A_16, %get3A_19 : vector<2000x64xf32>
    %get3A_21 = arith.constant 0 : index
    %get3A_22 = arith.constant 0 : index
    %get3A_23 = vector.load %arg5[%get3A_21, %get3A_22] : memref<64x128xf32, #tpu.memory_space<vmem>>, vector<64x128xf32>
    %get3A_24 = arith.constant 0 : index
    %get3A_25 = arith.constant 0 : index
    %get3A_26 = vector.load %arg6[%get3A_24, %get3A_25] : memref<64x128xf32, #tpu.memory_space<vmem>>, vector<64x128xf32>
    %get3A_27 = arith.constant 0 : index
    %get3A_28 = arith.constant 0 : index
    %get3A_29 = vector.load %arg7[%get3A_27, %get3A_28] : memref<1x128xf32, #tpu.memory_space<vmem>>, vector<1x128xf32>
    %get3A_30 = arith.constant 0 : index
    %get3A_31 = arith.constant 0 : index
    %get3A_32 = vector.load %arg8[%get3A_30, %get3A_31] : memref<128x128xf32, #tpu.memory_space<vmem>>, vector<128x128xf32>
    %get3A_33 = arith.constant 0 : index
    %get3A_34 = arith.constant 0 : index
    %get3A_35 = vector.load %arg9[%get3A_33, %get3A_34] : memref<1x128xf32, #tpu.memory_space<vmem>>, vector<1x128xf32>
    %dot_general3A = arith.constant dense<0.000000e+00> : vector<2000x128xf32>
    %dot_general3A_36 = tpu.matmul %add3A, %get3A_23, %dot_general3A {dimension_numbers = #tpu.dot_dimension_numbers<[1], [0], [0], [1], [0, 0, 1, 1], [], []>, transpose_lhs_hint = false} : vector<2000x64xf32>, vector<64x128xf32>, vector<2000x128xf32> -> vector<2000x128xf32>
    %dot_general3A_37 = arith.constant dense<0.000000e+00> : vector<2000x128xf32>
    %dot_general3A_38 = tpu.matmul %add3A_20, %get3A_26, %dot_general3A_37 {dimension_numbers = #tpu.dot_dimension_numbers<[1], [0], [0], [1], [0, 0, 1, 1], [], []>, transpose_lhs_hint = false} : vector<2000x64xf32>, vector<64x128xf32>, vector<2000x128xf32> -> vector<2000x128xf32>
    %add3A_39 = arith.addf %dot_general3A_36, %dot_general3A_38 : vector<2000x128xf32>
    %add3A_40 = vector.broadcast %get3A_29 : vector<1x128xf32> to vector<2000x128xf32>
    %add3A_41 = arith.addf %add3A_39, %add3A_40 : vector<2000x128xf32>
    %max3A = arith.constant 0.000000e+00 : f32
    %max3A_42 = vector.broadcast %max3A : f32 to vector<2000x128xf32>
    %max3A_43 = arith.maximumf %add3A_41, %max3A_42 : vector<2000x128xf32>
    %dot_general3A_44 = arith.constant dense<0.000000e+00> : vector<2000x128xf32>
    %dot_general3A_45 = tpu.matmul %max3A_43, %get3A_32, %dot_general3A_44 {dimension_numbers = #tpu.dot_dimension_numbers<[1], [0], [0], [1], [0, 0, 1, 1], [], []>, transpose_lhs_hint = false} : vector<2000x128xf32>, vector<128x128xf32>, vector<2000x128xf32> -> vector<2000x128xf32>
    %add3A_46 = vector.broadcast %get3A_35 : vector<1x128xf32> to vector<2000x128xf32>
    %add3A_47 = arith.addf %dot_general3A_45, %add3A_46 : vector<2000x128xf32>
    %swap3A = arith.constant 0 : index
    %swap3A_48 = arith.constant 0 : index
    %swap3A_49 = vector.load %arg10[%swap3A, %swap3A_48] : memref<2000x128xf32, #tpu.memory_space<vmem>>, vector<2000x128xf32>
    tpu.vector_store %arg10[%swap3A, %swap3A_48], %add3A_47 {strides = array<i32>} : memref<2000x128xf32, #tpu.memory_space<vmem>>, vector<2000x128xf32>,
    return
  }
  func.func @transform_0(%arg0: i32) -> i32 {
    %c0_i32 = arith.constant 0 : i32
    %c0_i32_0 = arith.constant 0 : i32
    return %c0_i32 : i32
  }
  func.func @transform_1(%arg0: i32) -> (i32, i32, i32) {
    %c0_i32 = arith.constant 0 : i32
    %c0_i32_0 = arith.constant 0 : i32
    %c0_i32_1 = arith.constant 0 : i32
    return %c0_i32, %arg0, %c0_i32_0 : i32, i32, i32
  }
  func.func @transform_2(%arg0: i32) -> (i32, i32) {
    %c0_i32 = arith.constant 0 : i32
    %c0_i32_0 = arith.constant 0 : i32
    return %arg0, %c0_i32 : i32, i32
  }
  func.func @transform_3(%arg0: i32) -> (i32, i32) {
    %add3A = arith.constant 5 : i32
    %add3A_0 = arith.addi %add3A, %arg0 : i32
    %c0_i32 = arith.constant 0 : i32
    %c0_i32_1 = arith.constant 0 : i32
    return %add3A_0, %c0_i32 : i32, i32
  }
  func.func @transform_4(%arg0: i32) -> (i32, i32) {
    %c0_i32 = arith.constant 0 : i32
    %c0_i32_0 = arith.constant 0 : i32
    %c0_i32_1 = arith.constant 0 : i32
    return %c0_i32, %c0_i32_0 : i32, i32
  }
  func.func @transform_5(%arg0: i32) -> (i32, i32) {
    %c0_i32 = arith.constant 0 : i32
    %c0_i32_0 = arith.constant 0 : i32
    %c0_i32_1 = arith.constant 0 : i32
    return %c0_i32, %c0_i32_0 : i32, i32
  }
  func.func @transform_6(%arg0: i32) -> (i32, i32) {
    %c0_i32 = arith.constant 0 : i32
    %c0_i32_0 = arith.constant 0 : i32
    %c0_i32_1 = arith.constant 0 : i32
    return %c0_i32, %c0_i32_0 : i32, i32
  }
  func.func @transform_7(%arg0: i32) -> (i32, i32) {
    %c0_i32 = arith.constant 0 : i32
    %c0_i32_0 = arith.constant 0 : i32
    %c0_i32_1 = arith.constant 0 : i32
    return %c0_i32, %c0_i32_0 : i32, i32
  }
  func.func @transform_8(%arg0: i32) -> (i32, i32) {
    %c0_i32 = arith.constant 0 : i32
    %c0_i32_0 = arith.constant 0 : i32
    %c0_i32_1 = arith.constant 0 : i32
    return %c0_i32, %c0_i32_0 : i32, i32
  }
  func.func @transform_9(%arg0: i32) -> (i32, i32) {
    %c0_i32 = arith.constant 0 : i32
    %c0_i32_0 = arith.constant 0 : i32
    return %arg0, %c0_i32 : i32, i32
  }
}

</mosaic_0001>

<sc_bundles>
// kernel: kernel.6.cloned.1.call-start
scs
__scs_entry_jumppad:
0x0: {  	(pc) =	sbr.rel $0x88, $3  }
0x1: {  	(tag) =	ssettag $0x0;
	lr =	simm.s32 $0x1  }
0x2: {  	[smem:$0x3F95] =	sst lr;
	_ =	strace $0xD0000000  }
0x3: {  	_ = 	snop  }
0x4: {  	_ = 	snop  }
0x5: {  	_ = 	snop  }
0x6: {  	_ = 	snop  }
0x7: {  	_ = 	snop  }
__scs_overlays_trampoline_lowered:
0x8: {  	[smem:$0x3FA4] =	sst s0  }
0x9: {  	[smem:$0x3FA5] =	sst s1  }
0xa: {  	[smem:$0x3FA6] =	sst s2  }
0xb: {  	[smem:$0x3FA7] =	sst s3  }
0xc: {  	[smem:$0x3FA8] =	sst s4  }
0xd: {  	[smem:$0x3FA9] =	sst s5  }
0xe: {  	[smem:$0x3FAA] =	sst s6  }
0xf: {  	[smem:$0x3FAB] =	sst s7  }
0x10: {  	[smem:$0x3FAC] =	sst s8  }
0x11: {  	[smem:$0x3FAD] =	sst s9;
	s0 =	simm.s32 @!p0 $0x0  }
0x12: {  	s1 =	sld [smem:$0x3F93];
	s0 =	simm.s32 @p0 $0x1  }
0x13: {  	[smem:$0x3FAE] =	sst s0;
	s0 =	simm.s32 @!p1 $0x0  }
0x14: {  	s2 =	sld [smem:$0x3F92];
	s0 =	simm.s32 @p1 $0x1  }
0x15: {  	[smem:$0x3FAF] =	sst s0;
	s0 =	simm.s32 @!p2 $0x0  }
0x16: {  	s3 =	sld [smem:$0x3FDB];
	s0 =	simm.s32 @p2 $0x1  }
0x17: {  	s4 =	simm.s32 $0x1BF5;
	[smem:$0x3FB1] =	sst s0  }
0x18: {  	s0 =	sld [smem:$0x3F94];
	_ =	swait.ge [sflag:s4], $0x0  }
0x19: {  	s7 =	sld [smem:$0x3F95]  }
0x1a: {  	s8 =	sadd.s32 $0xFFFFE003, lr  }
0x1b: {  	s9 =	sadd.s32 $0xFFFFFEF7, lr;
	s5 =	simm.s32 $0xFFFFFFFF;
	p2 =	slt.u32 s8, $0xFFFFF086  }
0x1c: {  	p1 =	slt.u32 s9, $0xF7A;
	s5 =	simm.s32 @!p2 $0x0  }
0x1d: {  	s5 =	simm.s32 @p1 $0x1;
	p0 =	seq.s32 s7, s2  }
0x1e: {  	s7 =	smul.u32 @!p0 $0xF7A, s2;
	p2 =	seq.s32 @!p0 s5, $0x0  }
0x1f: {  	s9 =	smul.u32 $0xF7A, s1;
	s8 =	simm.s32 @!p0 $0x1BF5;
	p2 =	por !p2, p0  }
0x20: {  	[sflag:s8] =	ssyncset.s32 @!p0 $0xFFFFF086;
	s6 =	sadd.s32 @!p0 s3, s7;
	s7 =	simm.s32 @!p0 $0x108  }
0x21: {  	s3 =	sadd.s32 s3, s9;
	s6 =	sadd.s32 @!p0 $0x88, s6;
	s7 =	simm.s32 @p2 $0x1082  }
0x22: {  	[simem:s7], [sflag:s8] =	dma.local @!p0 [hbm:s6], $0xF7A  }
0x23: {  	s9 =	sor.u32 $0xD0000000, s2;
	s6 =	simm.s32 $0x108;
	_ =	swait.ge @!p0 [sflag:s8], $0x0  }
0x24: {  	s3 =	sadd.s32 $0x88, s3;
	s6 =	simm.s32 @!p1 $0x1082;
	[sflag:s4] =	ssyncset.s32 $0xFFFFF086  }
0x25: {  	[simem:s6], [sflag:s4] =	dma.local [hbm:s3], $0xF7A  }
0x26: {  	[smem:$0x3F95] =	sst s1;
	(tag) =	ssettag s2;
	_ =	strace s9  }
0x27: {  	s1 =	sld [smem:$0x3FA5]  }
0x28: {  	s2 =	sld [smem:$0x3FA6]  }
0x29: {  	s4 =	sld [smem:$0x3FA8]  }
0x2a: {  	p0 =	seq.s32 s5, $0x0;
	s5 =	sld [smem:$0x3FA9]  }
0x2b: {  	s6 =	sld [smem:$0x3FAA]  }
0x2c: {  	s7 =	sld [smem:$0x3FAB]  }
0x2d: {  	s3 =	simm.s32 $0x108;
	s8 =	sld [smem:$0x3FAC]  }
0x2e: {  	s3 =	simm.s32 @!p0 $0x1082;
	s9 =	sld [smem:$0x3FAD]  }
0x2f: {  	lr =	sadd.s32 s0, s3;
	s0 =	sld [smem:$0x3FA4]  }
0x30: {  	s3 =	sld [smem:$0x3FA7]  }
0x31: {  	[smem:$0x3FB0] =	sst s10  }
0x32: {  	s10 =	sld [smem:$0x3FAE];
	_ =	sdelay $0x3  }
0x33: {  	p0 =	seq.s32 s10, $0x1;
	s10 =	sld [smem:$0x3FB0];
	_ =	sdelay $0x3  }
0x34: {  	[smem:$0x3FB0] =	sst s10  }
0x35: {  	s10 =	sld [smem:$0x3FAF];
	_ =	sdelay $0x3  }
0x36: {  	p1 =	seq.s32 s10, $0x1;
	s10 =	sld [smem:$0x3FB0];
	_ =	sdelay $0x3  }
0x37: {  	[smem:$0x3FB0] =	sst s10  }
0x38: {  	s10 =	sld [smem:$0x3FB1]  }
0x39: {  	_ = 	snop;
	(pc) =	sbr.ind lr, $3  }
0x3a: {  	_ = 	snop  }
0x3b: {  	_ = 	snop  }
0x3c: {  	p2 =	seq.s32 s10, $0x1;
	s10 =	sld [smem:$0x3FB0]  }
0x3d: {  	_ =	shalt  }
0x3e: {  	_ =	shalt  }
0x3f: {  	_ =	shalt  }
0x40: {  	_ =	shalt  }
0x41: {  	_ =	shalt  }
0x42: {  	_ =	shalt  }
0x43: {  	_ =	shalt  }
0x44: {  	_ =	shalt  }
0x45: {  	_ =	shalt  }
0x46: {  	_ =	shalt  }
0x47: {  	_ =	shalt  }
0x48: {  	_ =	shalt  }
0x49: {  	_ =	shalt  }
0x4a: {  	_ =	shalt  }
0x4b: {  	_ =	shalt  }
0x4c: {  	_ =	shalt  }
0x4d: {  	_ =	shalt  }
0x4e: {  	_ =	shalt  }
0x4f: {  	_ =	shalt  }
0x50: {  	_ =	shalt  }
0x51: {  	_ =	shalt  }
0x52: {  	_ =	shalt  }
0x53: {  	_ =	shalt  }
0x54: {  	_ =	shalt  }
0x55: {  	_ =	shalt  }
0x56: {  	_ =	shalt  }
0x57: {  	_ =	shalt  }
0x58: {  	_ =	shalt  }
0x59: {  	_ =	shalt  }
0x5a: {  	_ =	shalt  }
0x5b: {  	_ =	shalt  }
0x5c: {  	_ =	shalt  }
0x5d: {  	_ =	shalt  }
0x5e: {  	_ =	shalt  }
0x5f: {  	_ =	shalt  }
0x60: {  	_ =	shalt  }
0x61: {  	_ =	shalt  }
0x62: {  	_ =	shalt  }
0x63: {  	_ =	shalt  }
0x64: {  	_ =	shalt  }
0x65: {  	_ =	shalt  }
0x66: {  	_ =	shalt  }
0x67: {  	_ =	shalt  }
0x68: {  	_ =	shalt  }
0x69: {  	_ =	shalt  }
0x6a: {  	_ =	shalt  }
0x6b: {  	_ =	shalt  }
0x6c: {  	_ =	shalt  }
0x6d: {  	_ =	shalt  }
0x6e: {  	_ =	shalt  }
0x6f: {  	_ =	shalt  }
0x70: {  	_ =	shalt  }
0x71: {  	_ =	shalt  }
0x72: {  	_ =	shalt  }
0x73: {  	_ =	shalt  }
0x74: {  	_ =	shalt  }
0x75: {  	_ =	shalt  }
0x76: {  	_ =	shalt  }
0x77: {  	_ =	shalt  }
0x78: {  	_ =	shalt  }
0x79: {  	_ =	shalt  }
0x7a: {  	_ =	shalt  }
0x7b: {  	_ =	shalt  }
0x7c: {  	_ =	shalt  }
0x7d: {  	_ =	shalt  }
0x7e: {  	_ =	shalt  }
0x7f: {  	_ =	shalt  }
0x80: {  	_ =	shalt  }
0x81: {  	_ =	shalt  }
0x82: {  	_ =	shalt  }
0x83: {  	_ =	shalt  }
0x84: {  	_ =	shalt  }
0x85: {  	_ =	shalt  }
0x86: {  	_ =	shalt  }
0x87: {  	_ =	shalt  }
.Lfunc_end0:
.L_simem_size_0:
called_computation_lowered:
.L_overlay_start_0:
0x88: {  	s2 =	sld [smem:$0x3FD9]  }
0x89: {  	s3 =	sld [smem:$0x3FFE];
	_ =	sdelay $0x1  }
0x8a: {  	s1 =	srdreg.scid  }
0x8b: {  	s0 =	sand.u32 $0x1, s1  }
0x8c: {  	s17 =	sshll.u32 s0, $0xA;
	s2 =	sadd.s32 s3, s2  }
0x8d: {  	s2 =	sadd.s32 s2, s17  }
0x8e: {  	[smem:$0x3FBC] =	sst s2  }
0x8f: {  	_ = 	snop  }
0x90: {  	s2 =	sld [smem:$0x3FD0];
	(tm) =	ssettm $0x1  }
0x91: {  	s18 =	sld [smem:$0x3FFB];
	_ =	sdelay $0x3  }
0x92: {  	_ =	strace s18  }
0x93: {  	s3 =	sld [smem:$0x3FFC];
	_ =	sdelay $0x3  }
0x94: {  	_ =	strace s3  }
0x95: {  	s3 =	sld [smem:$0x3FFD];
	_ =	sdelay $0x3  }
0x96: {  	_ =	strace s3  }
0x97: {  	_ =	strace $0x8FFFFFFF  }
0x98: {  	s19 =	sld [smem:$0x3FDB];
	_ =	sdelay $0x1  }
0x99: {  	s4 =	simm.s32 $_scs_section_size  }
0x9a: {  	s5 =	simm.s32 $_size__tile_overlayer_lowered;
	s6 =	simm.s32 $_tile_overlayer_lowered  }
0x9b: {  	s22 =	simm.s32 $0x1BFF;
	s21 =	sshll.u32 s6, $0x1;
	s3 =	sadd.s32 s4, s19  }
0x9c: {  	s7 =	simm.s32 $0x0;
	s20 =	sshll.u32 s5, $0x1;
	s5 =	sadd.s32 s21, s3  }
0x9d: {  	[timem:s7], [sflag:s22] =	dma.local [hbm:s5], s20  }
0x9e: {  	_ =	swait.ge [sflag:s22], s20  }
0x9f: {  	s4 =	ssub.s32 $0x0, s20;
	[sflag:s22] =	ssyncset.done $0x0  }
0xa0: {  	[sflag:s22] =	ssyncadd.s32 s4;
	_ =	sdelay $0x1  }
0xa1: {  	s23 =	simm.s32 $0x1B8B  }
0xa2: {  	_ =	swait.ge [sflag:s23], $0x1  }
0xa3: {  	[sflag:s23] =	ssyncset.done $0x0  }
0xa4: {  	s25 =	simm.s32 $0x1B8E;
	s24 =	sld [smem:$0x3FFE];
	[sflag:s23] =	ssyncadd.s32 $0xFFFFFFFF  }
0xa5: {  	s26 =	simm.s32 $execute0_lowered;
	[smem:$0x3FD2] =	sst s25  }
0xa6: {  	s5 =	sshll.u32 s26, $0x1;
	_ =	strace $0x80000046;
	[dreg:$0x1] =	wrdreg $0xFFFFFFFF  }
0xa7: {  	s28 =	simm.s32 $_size_execute0_lowered;
	s3 =	sadd.s32 s3, s5;
	[dreg:$0x0] =	wrdreg $0x0  }
0xa8: {  	s5 =	sshll.u32 s28, $0x1;
	[dreg:$0x2] =	wrdreg s3  }
0xa9: {  	[dreg:$0x3] =	wrdreg s5  }
0xaa: {  	[dreg:$0x4] =	wrdreg $0xC0  }
0xab: {  	_ =	task [dreg:s7], $0x5FFFF  }
0xac: {  	[dreg:$0x1] =	wrdreg $0xFFFFFFFF  }
0xad: {  	[dreg:$0x0] =	wrdreg $0x60  }
0xae: {  	[dreg:$0x2] =	wrdreg s2  }
0xaf: {  	[dreg:$0x3] =	wrdreg s24  }
0xb0: {  	[dreg:$0x4] =	wrdreg $0x132000  }
0xb1: {  	[dreg:$0x5] =	wrdreg $0x9  }
0xb2: {  	_ =	task.clear_ibuf [dreg:s7], $0x6FFFF;
	_ =	strace $0x90000046  }
0xb3: {  	s29 =	simm.s32 $0x9;
	_ =	strace $0x80000048  }
0xb4: {  	_ =	swait.ge [sflag:s29], $0x1  }
0xb5: {  	[sflag:s29] =	ssyncadd.s32 $0xFFFFFFFF  }
0xb6: {  	_ =	strace $0x90000048  }
0xb7: {  	_ =	sfence  }
0xb8: {  	s30 =	sld [smem:$0x0];
	_ =	sdelay $0x2  }
0xb9: {  	s31 =	sshll.u32 s1, $0xD;
	s1 =	sshrl.u32 s1, $0x2  }
0xba: {  	s3 =	sand.u32 $0x4000, s31;
	s1 =	sadd.s32 s1, s30  }
0xbb: {  	s0 =	sor.u32 s3, s0;
	s1 =	sshll.u32 s1, $0x11  }
0xbc: {  	s0 =	sor.u32 s1, s0  }
0xbd: {  	s0 =	sadd.s32 $0x8F2B, s0  }
0xbe: {  	[sflag:s0] =	ssyncadd.remote.s32 $0x1  }
0xbf: {  	_ =	sfence.sel $0xFFFF  }
0xc0: {  	[dreg:$0x0] =	wrdreg $0xFFFFFFFF;
	(pc) =	sbr.abs _section_cstart, $3  }
0xc1: {  	[dreg:$0x1] =	wrdreg $0xFFFFFFFF  }
0xc2: {  	_ =	task.clear_ibuf [dreg:s7], $0x2FFFF;
	_ =	strace $0x9FFFFFFF  }
0xc3: {  	(tm) =	ssettm $0x7FFFFFFF  }
tec
execute0_lowered:
.L_overlay_start_1:
0x0: {  	(tag) =	ssettag $0x1  }
0x1: {  	s0 =	srdreg.scid;
	s1 =	rddreg [dreg:$0x0]  }
0x2: {  	s10 =	stileid.u32;
	s5 =	rddreg [dreg:$0x1]  }
0x3: {  	s3 =	rddreg [dreg:$0x2];
	s6 =	smul.u32 $0x9E0, s10  }
0x4: {  	s4 =	simm.s32 $0x0;
	s28 =	simm.s32 $0x2;
	s8 =	smul.u32 $0x28000, s10  }
0x5: {  	s31 =	simm.s32 $0xFE00;
	s29 =	simm.s32 $0x6;
	s9 =	smul.u32 $0x280, s10  }
0x6: {  	s30 =	simm.s32 $0x7;
	s0 =	sand.u32 $0x1, s0;
	s25 =	smul.u32 $0x1400, s10  }
0x7: {  	[smem:$0x7FF] =	sst s4;
	s2 =	sshll.u32 s0, $0x4;
	s7 =	smul.u32 $0x13880, s0  }
0x8: {  	_ =	strace $0x80000047;
	s0 =	ssub.s32 $0x2, s0;
	s2 =	sor.u32 s10, s2  }
0x9: {  	s6 =	sadd.s32 s6, s5;
	s18 =	sshrl.u32 s0, $0x1;
	s8 =	sshrl.u32 s8, $0x2  }
0xa: {  	s19 =	ssub.s32 $0x2710, s9;
	s2 =	smul.u32 $0x9E0, s2;
	s7 =	sadd.s32 s7, s5  }
0xb: {  	s0 =	ssub.s32 s0, s18;
	s14 =	sadd.s32 $0x15A00, s6;
	s18 =	simm.s32 $0x11E00  }
0xc: {  	s6 =	simm.s32 $0x8;
	s16 =	smax.u32 s0, $0x1;
	s26 =	sadd.s32 s25, s7  }
0xd: {  	s0 =	simm.s32 $0x5;
	s25 =	simm.s32 $0x4;
	s7 =	simm.s32 $0x0  }
0xe: {  	s2 =	sadd.s32 s2, s5;
	s5 =	sadd.s32 s8, s3;
	s8 =	smin.u32 s19, $0x280  }
0xf: {  	s10 =	sadd.s32 $0x1F800, s26;
	s19 =	simm.s32 $0x9;
	s20 =	sadd.s32 $0x1400, s5  }
0x10: {  	s26 =	simm.s32 $0xDE00;
	s21 =	sadd.s32 $0x2800, s5;
	[dreg:$0x4] =	wrdreg s20  }
0x11: {  	s22 =	sadd.s32 $0x3C00, s5;
	s23 =	sadd.s32 $0x5000, s5;
	[dreg:$0x5] =	wrdreg s21  }
0x12: {  	s8 =	smul.u32 $0x334, s8;
	s24 =	sadd.s32 $0x6400, s5;
	[dreg:$0x6] =	wrdreg s22  }
0x13: {  	s11 =	sadd.s32 $0x7800, s5;
	s12 =	sadd.s32 $0x8C00, s5;
	[dreg:$0x7] =	wrdreg s23  }
0x14: {  	s13 =	sadd.s32 $0x1E00, s2;
	s2 =	simm.s32 $0x3;
	[dreg:$0x8] =	wrdreg s24  }
0x15: {  	s20 =	simm.s32 $0x4F00;
	s21 =	simm.s32 $0x80;
	s22 =	simm.s32 $0x9E00  }
0x16: {  	v0 =	vimm.f32 $0.0e+00;
	s23 =	simm.s32 $0xBE00;
	s24 =	simm.s32 $0x1;
	s15 =	sshrl.u32 s8, $0x10  }
.LBB2_1:
0x17: {  	s9 =	simm.s32 $0x100;
	s8 =	simm.s32 $0x0  }
.LBB2_2:
0x18: {  	p0 =	sne.s32 s9, $0x4F00;
	[tilespmem:s8+$0x11E30] =	vst v0;
	s17 =	smov.u32 s9;
	s9 =	sadd.s32 $0x100, s9  }
.Ltmp0:
0x19: {  	[tilespmem:s8+$0x11E20] =	vst v0;
	(pc) =	sbr.rel @p0 .LBB2_2-.Ltmp0, $3  }
0x1a: {  	[tilespmem:s8+$0x11E00] =	vst v0  }
0x1b: {  	[tilespmem:s8+$0x11E10] =	vst v0;
	_ =	sdelay $0x1  }
0x1c: {  	s8 =	sshra.s32 s17, $0x2  }
0x1d: {  	[tilespmem:s8+$0x11E30] =	vst v0  }
0x1e: {  	[tilespmem:s8+$0x11E20] =	vst v0  }
0x1f: {  	[tilespmem:s8+$0x11E00] =	vst v0  }
0x20: {  	[tilespmem:s8+$0x11E10] =	vst v0  }
0x21: {  	[spmem:s5] =	stream.linear.scatter [tilespmem:s18], [sflag:$0x9], $0x1400, $0x38;
	[tilespmem:$0x1D200] =	vst v63  }
0x22: {  	_ =	swait.ge [sflag:s19], $0x1400  }
0x23: {  	[sflag:s19] =	ssyncset.done $0x0  }
0x24: {  	s9 =	rddreg [dreg:$0x4];
	[sflag:s19] =	ssyncadd.s32 $0xFFFFEC00  }
0x25: {  	[spmem:s9] =	stream.linear.scatter [tilespmem:s18], [sflag:$0x9], $0x1400, $0x38;
	[tilespmem:$0x1D200] =	vst v63  }
0x26: {  	_ =	swait.ge [sflag:s19], $0x1400  }
0x27: {  	[sflag:s19] =	ssyncset.done $0x0  }
0x28: {  	s17 =	rddreg [dreg:$0x5];
	[sflag:s19] =	ssyncadd.s32 $0xFFFFEC00  }
0x29: {  	[spmem:s17] =	stream.linear.scatter [tilespmem:s18], [sflag:$0x9], $0x1400, $0x38;
	[tilespmem:$0x1D200] =	vst v63  }
0x2a: {  	_ =	swait.ge [sflag:s19], $0x1400  }
0x2b: {  	[sflag:s19] =	ssyncset.done $0x0  }
0x2c: {  	s9 =	rddreg [dreg:$0x6];
	[sflag:s19] =	ssyncadd.s32 $0xFFFFEC00  }
0x2d: {  	[spmem:s9] =	stream.linear.scatter [tilespmem:s18], [sflag:$0x9], $0x1400, $0x38;
	[tilespmem:$0x1D200] =	vst v63  }
0x2e: {  	_ =	swait.ge [sflag:s19], $0x1400  }
0x2f: {  	[sflag:s19] =	ssyncset.done $0x0  }
0x30: {  	s17 =	rddreg [dreg:$0x7];
	[sflag:s19] =	ssyncadd.s32 $0xFFFFEC00  }
0x31: {  	[spmem:s17] =	stream.linear.scatter [tilespmem:s18], [sflag:$0x9], $0x1400, $0x38;
	[tilespmem:$0x1D200] =	vst v63  }
0x32: {  	_ =	swait.ge [sflag:s19], $0x1400  }
0x33: {  	[sflag:s19] =	ssyncset.done $0x0  }
0x34: {  	s9 =	rddreg [dreg:$0x8];
	[sflag:s19] =	ssyncadd.s32 $0xFFFFEC00  }
0x35: {  	[spmem:s9] =	stream.linear.scatter [tilespmem:s18], [sflag:$0x9], $0x1400, $0x38;
	[tilespmem:$0x1D200] =	vst v63  }
0x36: {  	_ =	swait.ge [sflag:s19], $0x1400  }
0x37: {  	[sflag:s19] =	ssyncset.done $0x0  }
0x38: {  	[sflag:s19] =	ssyncadd.s32 $0xFFFFEC00  }
0x39: {  	[spmem:s11] =	stream.linear.scatter [tilespmem:s18], [sflag:$0x9], $0x1400, $0x38;
	[tilespmem:$0x1D200] =	vst v63  }
0x3a: {  	_ =	swait.ge [sflag:s19], $0x1400  }
0x3b: {  	[sflag:s19] =	ssyncset.done $0x0  }
0x3c: {  	[sflag:s19] =	ssyncadd.s32 $0xFFFFEC00  }
0x3d: {  	[spmem:s12] =	stream.linear.scatter [tilespmem:s18], [sflag:$0x9], $0x1400, $0x38;
	[tilespmem:$0x1D200] =	vst v63  }
0x3e: {  	_ =	swait.ge [sflag:s19], $0x1400  }
0x3f: {  	[sflag:s19] =	ssyncset.done $0x0  }
0x40: {  	[sflag:s19] =	ssyncadd.s32 $0xFFFFEC00  }
0x41: {  	s17 =	simm.s32 $0x0;
	[bflag:$0x0] =	sbarrier.arrive $0xFFFF  }
0x42: {  	[tilespmem:s17], [sflag:$0x9] =	stream.linear.gather [hbm4b:s13+s17], $0x4F00, $0x38;
	[tilespmem:$0x1D200] =	vst v63  }
0x43: {  	_ =	swait.ge [sflag:s19], $0x4F00  }
0x44: {  	[sflag:s19] =	ssyncset.done $0x0  }
0x45: {  	[sflag:s19] =	ssyncadd.s32 $0xFFFFB100  }
0x46: {  	[tilespmem:s20], [sflag:$0x9] =	stream.linear.gather [hbm4b:s14+s17], $0x4F00, $0x38;
	[tilespmem:$0x1D200] =	vst v63  }
0x47: {  	_ =	swait.ge [sflag:s19], $0x4F00  }
0x48: {  	[sflag:s19] =	ssyncset.done $0x0  }
0x49: {  	[sflag:s19] =	ssyncadd.s32 $0xFFFFB100  }
0x4a: {  	[tilespmem:s22], [sflag:$0x1] =	stream.indirect.gather [hbm4b:s1+s21], $0x40, s17, s21, $0xb8;
	[tilespmem:$0x1D200] =	vst v63  }
0x4b: {  	_ = 	snop  }
0x4c: {  	[tilespmem:s23], [sflag:$0x2] =	stream.indirect.gather [hbm4b:s1+s21], $0x40, s21, s21, $0xb8;
	[tilespmem:$0x1D200] =	vst v63  }
0x4d: {  	_ =	swait.ge [sflag:s24], $0x2000  }
0x4e: {  	[sflag:s24] =	ssyncset.done $0x0  }
0x4f: {  	[sflag:s24] =	ssyncadd.s32 $0xFFFFE000  }
0x50: {  	[spmem:s3] =	stream.indirect.scatter.add.f32 [tilespmem:s22], [sflag:$0x5], $0x40, s20, s21, $0xb8;
	[tilespmem:$0x1D200] =	vst v63  }
0x51: {  	s9 =	simm.s32 $0x100  }
0x52: {  	[tilespmem:s26], [sflag:$0x3] =	stream.indirect.gather [hbm4b:s1+s21], $0x40, s9, s21, $0xb8;
	[tilespmem:$0x1D200] =	vst v63  }
0x53: {  	_ =	swait.ge [sflag:s28], $0x2000  }
0x54: {  	[sflag:s28] =	ssyncset.done $0x0  }
0x55: {  	s17 =	simm.s32 $0x4F80;
	[sflag:s28] =	ssyncadd.s32 $0xFFFFE000  }
0x56: {  	[spmem:s3] =	stream.indirect.scatter.add.f32 [tilespmem:s23], [sflag:$0x6], $0x40, s17, s21, $0xb8;
	[tilespmem:$0x1D200] =	vst v63  }
0x57: {  	s9 =	simm.s32 $0x180  }
0x58: {  	[tilespmem:s31], [sflag:$0x4] =	stream.indirect.gather [hbm4b:s1+s21], $0x40, s9, s21, $0xb8;
	[tilespmem:$0x1D200] =	vst v63  }
0x59: {  	_ =	swait.ge [sflag:s2], $0x2000  }
0x5a: {  	[sflag:s2] =	ssyncset.done $0x0  }
0x5b: {  	s17 =	simm.s32 $0x5000;
	[sflag:s2] =	ssyncadd.s32 $0xFFFFE000  }
0x5c: {  	[spmem:s3] =	stream.indirect.scatter.add.f32 [tilespmem:s26], [sflag:$0x7], $0x40, s17, s21, $0xb8;
	[tilespmem:$0x1D200] =	vst v63  }
0x5d: {  	_ =	swait.ge [sflag:s0], $0x2000  }
0x5e: {  	[sflag:s0] =	ssyncset.done $0x0  }
0x5f: {  	s9 =	simm.s32 $0x200;
	[sflag:s0] =	ssyncadd.s32 $0xFFFFE000  }
0x60: {  	[tilespmem:s22], [sflag:$0x1] =	stream.indirect.gather [hbm4b:s1+s21], $0x40, s9, s21, $0xb8;
	[tilespmem:$0x1D200] =	vst v63  }
0x61: {  	_ =	swait.ge [sflag:s25], $0x2000  }
0x62: {  	[sflag:s25] =	ssyncset.done $0x0  }
0x63: {  	s17 =	simm.s32 $0x5080;
	[sflag:s25] =	ssyncadd.s32 $0xFFFFE000  }
0x64: {  	[spmem:s3] =	stream.indirect.scatter.add.f32 [tilespmem:s31], [sflag:$0x8], $0x40, s17, s21, $0xb8;
	[tilespmem:$0x1D200] =	vst v63  }
0x65: {  	_ =	swait.ge [sflag:s29], $0x2000  }
0x66: {  	[sflag:s29] =	ssyncset.done $0x0  }
0x67: {  	s9 =	simm.s32 $0x280;
	[sflag:s29] =	ssyncadd.s32 $0xFFFFE000  }
0x68: {  	[tilespmem:s23], [sflag:$0x2] =	stream.indirect.gather [hbm4b:s1+s21], $0x40, s9, s21, $0xb8;
	[tilespmem:$0x1D200] =	vst v63  }
0x69: {  	_ =	swait.ge [sflag:s24], $0x2000  }
0x6a: {  	[sflag:s24] =	ssyncset.done $0x0  }
0x6b: {  	s17 =	simm.s32 $0x5100;
	[sflag:s24] =	ssyncadd.s32 $0xFFFFE000  }
0x6c: {  	[spmem:s3] =	stream.indirect.scatter.add.f32 [tilespmem:s22], [sflag:$0x5], $0x40, s17, s21, $0xb8;
	[tilespmem:$0x1D200] =	vst v63  }
0x6d: {  	_ =	swait.ge [sflag:s30], $0x2000  }
0x6e: {  	[sflag:s30] =	ssyncset.done $0x0  }
0x6f: {  	s9 =	simm.s32 $0x300;
	[sflag:s30] =	ssyncadd.s32 $0xFFFFE000  }
0x70: {  	[tilespmem:s26], [sflag:$0x3] =	stream.indirect.gather [hbm4b:s1+s21], $0x40, s9, s21, $0xb8;
	[tilespmem:$0x1D200] =	vst v63  }
0x71: {  	_ =	swait.ge [sflag:s28], $0x2000  }
0x72: {  	[sflag:s28] =	ssyncset.done $0x0  }
0x73: {  	s17 =	simm.s32 $0x5180;
	[sflag:s28] =	ssyncadd.s32 $0xFFFFE000  }
0x74: {  	[spmem:s3] =	stream.indirect.scatter.add.f32 [tilespmem:s23], [sflag:$0x6], $0x40, s17, s21, $0xb8;
	[tilespmem:$0x1D200] =	vst v63  }
0x75: {  	_ =	swait.ge [sflag:s6], $0x2000  }
0x76: {  	[sflag:s6] =	ssyncset.done $0x0  }
0x77: {  	s8 =	simm.s32 $0x800;
	s9 =	simm.s32 $0x380;
	[sflag:s6] =	ssyncadd.s32 $0xFFFFE000  }
.LBB2_4:
0x78: {  	[tilespmem:s31], [sflag:$0x4] =	stream.indirect.gather [hbm4b:s1+s21], $0x40, s9, s21, $0xb8;
	[tilespmem:$0x1D200] =	vst v63  }
0x79: {  	s9 =	smov.u32 s8  }
0x7a: {  	p0 =	sne.s32 s8, $0x12800;
	s8 =	sadd.s32 $0x800, s8;
	_ =	swait.ge [sflag:s2], $0x2000  }
0x7b: {  	s9 =	sshra.s32 s9, $0x2;
	[sflag:s2] =	ssyncset.done $0x0  }
0x7c: {  	s17 =	sadd.s32 $0x5000, s9;
	[sflag:s2] =	ssyncadd.s32 $0xFFFFE000  }
0x7d: {  	[spmem:s3] =	stream.indirect.scatter.add.f32 [tilespmem:s26], [sflag:$0x7], $0x40, s17, s21, $0xb8;
	[tilespmem:$0x1D200] =	vst v63  }
0x7e: {  	_ =	swait.ge [sflag:s0], $0x2000  }
0x7f: {  	[sflag:s0] =	ssyncset.done $0x0  }
0x80: {  	s17 =	sadd.s32 $0x200, s9;
	[sflag:s0] =	ssyncadd.s32 $0xFFFFE000  }
0x81: {  	[tilespmem:s22], [sflag:$0x1] =	stream.indirect.gather [hbm4b:s1+s21], $0x40, s17, s21, $0xb8;
	[tilespmem:$0x1D200] =	vst v63  }
0x82: {  	_ =	swait.ge [sflag:s25], $0x2000  }
0x83: {  	[sflag:s25] =	ssyncset.done $0x0  }
0x84: {  	s17 =	sadd.s32 $0x5080, s9;
	[sflag:s25] =	ssyncadd.s32 $0xFFFFE000  }
0x85: {  	[spmem:s3] =	stream.indirect.scatter.add.f32 [tilespmem:s31], [sflag:$0x8], $0x40, s17, s21, $0xb8;
	[tilespmem:$0x1D200] =	vst v63  }
0x86: {  	_ =	swait.ge [sflag:s29], $0x2000  }
0x87: {  	[sflag:s29] =	ssyncset.done $0x0  }
0x88: {  	s17 =	sadd.s32 $0x280, s9;
	[sflag:s29] =	ssyncadd.s32 $0xFFFFE000  }
0x89: {  	[tilespmem:s23], [sflag:$0x2] =	stream.indirect.gather [hbm4b:s1+s21], $0x40, s17, s21, $0xb8;
	[tilespmem:$0x1D200] =	vst v63  }
0x8a: {  	_ =	swait.ge [sflag:s24], $0x2000  }
0x8b: {  	[sflag:s24] =	ssyncset.done $0x0  }
0x8c: {  	s17 =	sadd.s32 $0x5100, s9;
	[sflag:s24] =	ssyncadd.s32 $0xFFFFE000  }
0x8d: {  	[spmem:s3] =	stream.indirect.scatter.add.f32 [tilespmem:s22], [sflag:$0x5], $0x40, s17, s21, $0xb8;
	[tilespmem:$0x1D200] =	vst v63  }
0x8e: {  	_ =	swait.ge [sflag:s30], $0x2000  }
0x8f: {  	[sflag:s30] =	ssyncset.done $0x0  }
0x90: {  	s17 =	sadd.s32 $0x300, s9;
	[sflag:s30] =	ssyncadd.s32 $0xFFFFE000  }
0x91: {  	[tilespmem:s26], [sflag:$0x3] =	stream.indirect.gather [hbm4b:s1+s21], $0x40, s17, s21, $0xb8;
	[tilespmem:$0x1D200] =	vst v63  }
0x92: {  	_ =	swait.ge [sflag:s28], $0x2000  }
0x93: {  	[sflag:s28] =	ssyncset.done $0x0  }
.Ltmp1:
0x94: {  	s17 =	sadd.s32 $0x5180, s9;
	[sflag:s28] =	ssyncadd.s32 $0xFFFFE000;
	(pc) =	sbr.rel @p0 .LBB2_4-.Ltmp1, $4  }
0x95: {  	[spmem:s3] =	stream.indirect.scatter.add.f32 [tilespmem:s23], [sflag:$0x6], $0x40, s17, s21, $0xb8;
	[tilespmem:$0x1D200] =	vst v63  }
0x96: {  	_ =	swait.ge [sflag:s6], $0x2000  }
0x97: {  	[sflag:s6] =	ssyncset.done $0x0  }
0x98: {  	s9 =	sadd.s32 $0x380, s9;
	[sflag:s6] =	ssyncadd.s32 $0xFFFFE000  }
0x99: {  	[tilespmem:s31], [sflag:$0x4] =	stream.indirect.gather [hbm4b:s1+s21], $0x40, s9, s21, $0xb8;
	[tilespmem:$0x1D200] =	vst v63  }
0x9a: {  	_ =	swait.ge [sflag:s2], $0x2000  }
0x9b: {  	[sflag:s2] =	ssyncset.done $0x0  }
0x9c: {  	s8 =	simm.s32 $0x9C00;
	[sflag:s2] =	ssyncadd.s32 $0xFFFFE000  }
0x9d: {  	[spmem:s3] =	stream.indirect.scatter.add.f32 [tilespmem:s26], [sflag:$0x7], $0x40, s8, s21, $0xb8;
	[tilespmem:$0x1D200] =	vst v63  }
0x9e: {  	_ =	swait.ge [sflag:s0], $0x2000  }
0x9f: {  	[sflag:s0] =	ssyncset.done $0x0  }
0xa0: {  	s17 =	simm.s32 $0x4E00;
	[sflag:s0] =	ssyncadd.s32 $0xFFFFE000  }
0xa1: {  	[tilespmem:s22], [sflag:$0x1] =	stream.indirect.gather [hbm4b:s1+s21], $0x40, s17, s21, $0xb8;
	[tilespmem:$0x1D200] =	vst v63  }
0xa2: {  	_ =	swait.ge [sflag:s25], $0x2000  }
0xa3: {  	[sflag:s25] =	ssyncset.done $0x0  }
0xa4: {  	s9 =	simm.s32 $0x9C80;
	[sflag:s25] =	ssyncadd.s32 $0xFFFFE000  }
0xa5: {  	[spmem:s3] =	stream.indirect.scatter.add.f32 [tilespmem:s31], [sflag:$0x8], $0x40, s9, s21, $0xb8;
	[tilespmem:$0x1D200] =	vst v63  }
0xa6: {  	_ =	swait.ge [sflag:s29], $0x2000  }
0xa7: {  	[sflag:s29] =	ssyncset.done $0x0  }
0xa8: {  	s17 =	simm.s32 $0x4E80;
	[sflag:s29] =	ssyncadd.s32 $0xFFFFE000  }
0xa9: {  	[tilespmem:s23], [sflag:$0x2] =	stream.indirect.gather [hbm4b:s1+s21], $0x40, s17, s21, $0xb8;
	[tilespmem:$0x1D200] =	vst v63  }
0xaa: {  	_ =	swait.ge [sflag:s24], $0x2000  }
0xab: {  	[sflag:s24] =	ssyncset.done $0x0  }
0xac: {  	s9 =	simm.s32 $0x9D00;
	[sflag:s24] =	ssyncadd.s32 $0xFFFFE000  }
0xad: {  	[spmem:s3] =	stream.indirect.scatter.add.f32 [tilespmem:s22], [sflag:$0x5], $0x40, s9, s21, $0xb8;
	[tilespmem:$0x1D200] =	vst v63  }
0xae: {  	_ =	swait.ge [sflag:s28], $0x2000  }
0xaf: {  	[sflag:s28] =	ssyncset.done $0x0  }
0xb0: {  	s17 =	simm.s32 $0x9D80;
	[sflag:s28] =	ssyncadd.s32 $0xFFFFE000  }
0xb1: {  	[spmem:s3] =	stream.indirect.scatter.add.f32 [tilespmem:s23], [sflag:$0x6], $0x40, s17, s21, $0xb8;
	[tilespmem:$0x1D200] =	vst v63  }
0xb2: {  	_ =	swait.ge [sflag:s30], $0x2000  }
0xb3: {  	[sflag:s30] =	ssyncset.done $0x0  }
0xb4: {  	[sflag:s30] =	ssyncadd.s32 $0xFFFFE000  }
0xb5: {  	_ =	swait.ge [sflag:s6], $0x2000  }
0xb6: {  	[sflag:s6] =	ssyncset.done $0x0  }
0xb7: {  	[sflag:s6] =	ssyncadd.s32 $0xFFFFE000  }
0xb8: {  	_ =	swait.ge [sflag:s0], $0x2000  }
0xb9: {  	[sflag:s0] =	ssyncset.done $0x0  }
0xba: {  	[sflag:s0] =	ssyncadd.s32 $0xFFFFE000  }
0xbb: {  	_ =	swait.ge [sflag:s29], $0x2000  }
0xbc: {  	[sflag:s29] =	ssyncset.done $0x0  }
0xbd: {  	[sflag:s29] =	ssyncadd.s32 $0xFFFFE000  }
0xbe: {  	[bflag:$0x0] =	sbarrier.arrive $0xFFFF  }
0xbf: {  	[tilespmem:s18], [sflag:$0x9] =	stream.linear.gather [spmem:s5], $0x1400, $0x38;
	[tilespmem:$0x1D200] =	vst v63  }
0xc0: {  	p0 =	sne.s32 s15, $0x1;
	_ =	swait.ge [sflag:s19], $0x1400  }
.Ltmp2:
0xc1: {  	[sflag:s19] =	ssyncset.done $0x0;
	(pc) =	sbr.rel @!p0 .LBB2_7-.Ltmp2, $4  }
0xc2: {  	[sflag:s19] =	ssyncadd.s32 $0xFFFFEC00  }
0xc3: {  	[hbm4b:s10+s4] =	stream.linear.scatter [tilespmem:s18], [sflag:$0x9], $0x1400, $0x38;
	[tilespmem:$0x1D200] =	vst v63  }
0xc4: {  	s8 =	sadd.s32 $0xFFFFFFFF, s15;
	_ =	swait.ge [sflag:s19], $0x1400  }
0xc5: {  	s9 =	smov.u32 s5;
	s17 =	smov.u32 s10;
	[sflag:s19] =	ssyncset.done $0x0  }
.LBB2_6:
0xc6: {  	[sflag:s19] =	ssyncadd.s32 $0xFFFFEC00;
	s9 =	sadd.s32 $0x1400, s9;
	s17 =	sadd.s32 $0x280, s17  }
0xc7: {  	[tilespmem:s18], [sflag:$0x9] =	stream.linear.gather [spmem:s9], $0x1400, $0x38;
	[tilespmem:$0x1D200] =	vst v63  }
0xc8: {  	p0 =	sne.s32 s8, $0x1;
	s8 =	sadd.s32 $0xFFFFFFFF, s8;
	_ =	swait.ge [sflag:s19], $0x1400  }
.Ltmp3:
0xc9: {  	[sflag:s19] =	ssyncset.done $0x0;
	(pc) =	sbr.rel @p0 .LBB2_6-.Ltmp3, $4  }
0xca: {  	[sflag:s19] =	ssyncadd.s32 $0xFFFFEC00  }
0xcb: {  	[hbm4b:s17+s4] =	stream.linear.scatter [tilespmem:s18], [sflag:$0x9], $0x1400, $0x38;
	[tilespmem:$0x1D200] =	vst v63  }
0xcc: {  	_ =	swait.ge [sflag:s19], $0x1400  }
0xcd: {  	[sflag:s19] =	ssyncset.done $0x0  }
.LBB2_7:
0xce: {  	s7 =	sadd.s32 $0x1, s7  }
0xcf: {  	p0 =	sne.s32 s7, s16  }
.Ltmp4:
0xd0: {  	_ = 	snop;
	(pc) =	sbr.rel @p0 .LBB2_1-.Ltmp4, $2  }
0xd1: {  	_ =	sdelay $0x2  }
0xd2: {  	[sflag:s19] =	ssyncadd.s32 $0xFFFFEC00  }
0xd3: {  	_ =	sfence.sel $0x180000  }
0xd4: {  	[bflag:$0x0] =	sbarrier.arrive $0xFFFF  }
0xd5: {  	_ =	strace $0x90000047  }
0xd6: {  	s0 =	stileid.u32;
	[bflag:$0x2] =	sbarrier.arrive $0xFFFF  }
0xd7: {  	p0 =	sne.s32 s0, $0x0;
	s0 =	rddreg [dreg:$0x3]  }
0xd8: {  	s0 =	sadd.s32 @!p0 $0x100000, s0  }
0xd9: {  	[sflag:s0] =	ssyncadd.tile.s32 @!p0 $0x1;
	_ =	shalt  }
.Lfunc_end2:
_tile_overlayer_lowered:
.L_overlay_start_2:
0xda: {  	(tag) =	ssettag $0x2  }
0xdb: {  	s0 =	rddreg [dreg:$0x0];
	s2 =	stileid.u32  }
0xdc: {  	s1 =	rddreg [dreg:$0x1];
	p0 =	sne.s32 s2, $0x0  }
0xdd: {  	s3 =	rddreg [dreg:$0x2];
	[bflag:$0x3] =	sbarrier.arrive $0xFFFF;
	s2 =	simm.s32 @!p0 $0x1C09  }
0xde: {  	[timem:s3], [sflag:s2] =	dma.local @!p0 [hbm:s0], s1  }
0xdf: {  	s0 =	simm.s32 @!p0 $0x9  }
0xe0: {  	_ =	swait.ge @!p0 [sflag:s0], s1  }
0xe1: {  	s1 =	ssub.s32 @!p0 $0x0, s1;
	[sflag:s0] =	ssyncset.done @!p0 $0x0  }
0xe2: {  	[sflag:s0] =	ssyncadd.s32 @!p0 s1  }
0xe3: {  	[bflag:$0x3] =	sbarrier.arrive $0xFFFF  }
0xe4: {  	_ =	shalt  }

// kernel: kernel.9.cloned.1.call-start
scs
__scs_entry_jumppad:
0x0: {  	(pc) =	sbr.rel $0x88, $3  }
0x1: {  	(tag) =	ssettag $0x0;
	lr =	simm.s32 $0x1  }
0x2: {  	[smem:$0x3F95] =	sst lr;
	_ =	strace $0xD0000000  }
0x3: {  	_ = 	snop  }
0x4: {  	_ = 	snop  }
0x5: {  	_ = 	snop  }
0x6: {  	_ = 	snop  }
0x7: {  	_ = 	snop  }
__scs_overlays_trampoline_lowered:
0x8: {  	[smem:$0x3FA4] =	sst s0  }
0x9: {  	[smem:$0x3FA5] =	sst s1  }
0xa: {  	[smem:$0x3FA6] =	sst s2  }
0xb: {  	[smem:$0x3FA7] =	sst s3  }
0xc: {  	[smem:$0x3FA8] =	sst s4  }
0xd: {  	[smem:$0x3FA9] =	sst s5  }
0xe: {  	[smem:$0x3FAA] =	sst s6  }
0xf: {  	[smem:$0x3FAB] =	sst s7  }
0x10: {  	[smem:$0x3FAC] =	sst s8  }
0x11: {  	[smem:$0x3FAD] =	sst s9;
	s0 =	simm.s32 @!p0 $0x0  }
0x12: {  	s1 =	sld [smem:$0x3F93];
	s0 =	simm.s32 @p0 $0x1  }
0x13: {  	[smem:$0x3FAE] =	sst s0;
	s0 =	simm.s32 @!p1 $0x0  }
0x14: {  	s2 =	sld [smem:$0x3F92];
	s0 =	simm.s32 @p1 $0x1  }
0x15: {  	[smem:$0x3FAF] =	sst s0;
	s0 =	simm.s32 @!p2 $0x0  }
0x16: {  	s3 =	sld [smem:$0x3FDB];
	s0 =	simm.s32 @p2 $0x1  }
0x17: {  	s4 =	simm.s32 $0x1BF5;
	[smem:$0x3FB1] =	sst s0  }
0x18: {  	s0 =	sld [smem:$0x3F94];
	_ =	swait.ge [sflag:s4], $0x0  }
0x19: {  	s7 =	sld [smem:$0x3F95]  }
0x1a: {  	s8 =	sadd.s32 $0xFFFFE003, lr  }
0x1b: {  	s9 =	sadd.s32 $0xFFFFFEF7, lr;
	s5 =	simm.s32 $0xFFFFFFFF;
	p2 =	slt.u32 s8, $0xFFFFF086  }
0x1c: {  	p1 =	slt.u32 s9, $0xF7A;
	s5 =	simm.s32 @!p2 $0x0  }
0x1d: {  	s5 =	simm.s32 @p1 $0x1;
	p0 =	seq.s32 s7, s2  }
0x1e: {  	s7 =	smul.u32 @!p0 $0xF7A, s2;
	p2 =	seq.s32 @!p0 s5, $0x0  }
0x1f: {  	s9 =	smul.u32 $0xF7A, s1;
	s8 =	simm.s32 @!p0 $0x1BF5;
	p2 =	por !p2, p0  }
0x20: {  	[sflag:s8] =	ssyncset.s32 @!p0 $0xFFFFF086;
	s6 =	sadd.s32 @!p0 s3, s7;
	s7 =	simm.s32 @!p0 $0x108  }
0x21: {  	s3 =	sadd.s32 s3, s9;
	s6 =	sadd.s32 @!p0 $0x88, s6;
	s7 =	simm.s32 @p2 $0x1082  }
0x22: {  	[simem:s7], [sflag:s8] =	dma.local @!p0 [hbm:s6], $0xF7A  }
0x23: {  	s9 =	sor.u32 $0xD0000000, s2;
	s6 =	simm.s32 $0x108;
	_ =	swait.ge @!p0 [sflag:s8], $0x0  }
0x24: {  	s3 =	sadd.s32 $0x88, s3;
	s6 =	simm.s32 @!p1 $0x1082;
	[sflag:s4] =	ssyncset.s32 $0xFFFFF086  }
0x25: {  	[simem:s6], [sflag:s4] =	dma.local [hbm:s3], $0xF7A  }
0x26: {  	[smem:$0x3F95] =	sst s1;
	(tag) =	ssettag s2;
	_ =	strace s9  }
0x27: {  	s1 =	sld [smem:$0x3FA5]  }
0x28: {  	s2 =	sld [smem:$0x3FA6]  }
0x29: {  	s4 =	sld [smem:$0x3FA8]  }
0x2a: {  	p0 =	seq.s32 s5, $0x0;
	s5 =	sld [smem:$0x3FA9]  }
0x2b: {  	s6 =	sld [smem:$0x3FAA]  }
0x2c: {  	s7 =	sld [smem:$0x3FAB]  }
0x2d: {  	s3 =	simm.s32 $0x108;
	s8 =	sld [smem:$0x3FAC]  }
0x2e: {  	s3 =	simm.s32 @!p0 $0x1082;
	s9 =	sld [smem:$0x3FAD]  }
0x2f: {  	lr =	sadd.s32 s0, s3;
	s0 =	sld [smem:$0x3FA4]  }
0x30: {  	s3 =	sld [smem:$0x3FA7]  }
0x31: {  	[smem:$0x3FB0] =	sst s10  }
0x32: {  	s10 =	sld [smem:$0x3FAE];
	_ =	sdelay $0x3  }
0x33: {  	p0 =	seq.s32 s10, $0x1;
	s10 =	sld [smem:$0x3FB0];
	_ =	sdelay $0x3  }
0x34: {  	[smem:$0x3FB0] =	sst s10  }
0x35: {  	s10 =	sld [smem:$0x3FAF];
	_ =	sdelay $0x3  }
0x36: {  	p1 =	seq.s32 s10, $0x1;
	s10 =	sld [smem:$0x3FB0];
	_ =	sdelay $0x3  }
0x37: {  	[smem:$0x3FB0] =	sst s10  }
0x38: {  	s10 =	sld [smem:$0x3FB1]  }
0x39: {  	_ = 	snop;
	(pc) =	sbr.ind lr, $3  }
0x3a: {  	_ = 	snop  }
0x3b: {  	_ = 	snop  }
0x3c: {  	p2 =	seq.s32 s10, $0x1;
	s10 =	sld [smem:$0x3FB0]  }
0x3d: {  	_ =	shalt  }
0x3e: {  	_ =	shalt  }
0x3f: {  	_ =	shalt  }
0x40: {  	_ =	shalt  }
0x41: {  	_ =	shalt  }
0x42: {  	_ =	shalt  }
0x43: {  	_ =	shalt  }
0x44: {  	_ =	shalt  }
0x45: {  	_ =	shalt  }
0x46: {  	_ =	shalt  }
0x47: {  	_ =	shalt  }
0x48: {  	_ =	shalt  }
0x49: {  	_ =	shalt  }
0x4a: {  	_ =	shalt  }
0x4b: {  	_ =	shalt  }
0x4c: {  	_ =	shalt  }
0x4d: {  	_ =	shalt  }
0x4e: {  	_ =	shalt  }
0x4f: {  	_ =	shalt  }
0x50: {  	_ =	shalt  }
0x51: {  	_ =	shalt  }
0x52: {  	_ =	shalt  }
0x53: {  	_ =	shalt  }
0x54: {  	_ =	shalt  }
0x55: {  	_ =	shalt  }
0x56: {  	_ =	shalt  }
0x57: {  	_ =	shalt  }
0x58: {  	_ =	shalt  }
0x59: {  	_ =	shalt  }
0x5a: {  	_ =	shalt  }
0x5b: {  	_ =	shalt  }
0x5c: {  	_ =	shalt  }
0x5d: {  	_ =	shalt  }
0x5e: {  	_ =	shalt  }
0x5f: {  	_ =	shalt  }
0x60: {  	_ =	shalt  }
0x61: {  	_ =	shalt  }
0x62: {  	_ =	shalt  }
0x63: {  	_ =	shalt  }
0x64: {  	_ =	shalt  }
0x65: {  	_ =	shalt  }
0x66: {  	_ =	shalt  }
0x67: {  	_ =	shalt  }
0x68: {  	_ =	shalt  }
0x69: {  	_ =	shalt  }
0x6a: {  	_ =	shalt  }
0x6b: {  	_ =	shalt  }
0x6c: {  	_ =	shalt  }
0x6d: {  	_ =	shalt  }
0x6e: {  	_ =	shalt  }
0x6f: {  	_ =	shalt  }
0x70: {  	_ =	shalt  }
0x71: {  	_ =	shalt  }
0x72: {  	_ =	shalt  }
0x73: {  	_ =	shalt  }
0x74: {  	_ =	shalt  }
0x75: {  	_ =	shalt  }
0x76: {  	_ =	shalt  }
0x77: {  	_ =	shalt  }
0x78: {  	_ =	shalt  }
0x79: {  	_ =	shalt  }
0x7a: {  	_ =	shalt  }
0x7b: {  	_ =	shalt  }
0x7c: {  	_ =	shalt  }
0x7d: {  	_ =	shalt  }
0x7e: {  	_ =	shalt  }
0x7f: {  	_ =	shalt  }
0x80: {  	_ =	shalt  }
0x81: {  	_ =	shalt  }
0x82: {  	_ =	shalt  }
0x83: {  	_ =	shalt  }
0x84: {  	_ =	shalt  }
0x85: {  	_ =	shalt  }
0x86: {  	_ =	shalt  }
0x87: {  	_ =	shalt  }
.Lfunc_end0:
.L_simem_size_0:
called_computation.1_lowered:
.L_overlay_start_0:
0x88: {  	s2 =	sld [smem:$0x3FD9]  }
0x89: {  	s3 =	sld [smem:$0x3FFE];
	_ =	sdelay $0x1  }
0x8a: {  	s1 =	srdreg.scid  }
0x8b: {  	s0 =	sand.u32 $0x1, s1  }
0x8c: {  	s17 =	sshll.u32 s0, $0xA;
	s2 =	sadd.s32 s3, s2  }
0x8d: {  	s2 =	sadd.s32 s2, s17  }
0x8e: {  	[smem:$0x3FBC] =	sst s2  }
0x8f: {  	_ = 	snop  }
0x90: {  	s2 =	sld [smem:$0x3FD0];
	(tm) =	ssettm $0x1  }
0x91: {  	s18 =	sld [smem:$0x3FFB];
	_ =	sdelay $0x3  }
0x92: {  	_ =	strace s18  }
0x93: {  	s3 =	sld [smem:$0x3FFC];
	_ =	sdelay $0x3  }
0x94: {  	_ =	strace s3  }
0x95: {  	s3 =	sld [smem:$0x3FFD];
	_ =	sdelay $0x3  }
0x96: {  	_ =	strace s3  }
0x97: {  	_ =	strace $0x8FFFFFFF  }
0x98: {  	s19 =	sld [smem:$0x3FDB];
	_ =	sdelay $0x1  }
0x99: {  	s4 =	simm.s32 $_scs_section_size  }
0x9a: {  	s5 =	simm.s32 $_size__tile_overlayer_lowered;
	s6 =	simm.s32 $_tile_overlayer_lowered  }
0x9b: {  	s22 =	simm.s32 $0x1BFF;
	s21 =	sshll.u32 s6, $0x1;
	s3 =	sadd.s32 s4, s19  }
0x9c: {  	s7 =	simm.s32 $0x0;
	s20 =	sshll.u32 s5, $0x1;
	s5 =	sadd.s32 s21, s3  }
0x9d: {  	[timem:s7], [sflag:s22] =	dma.local [hbm:s5], s20  }
0x9e: {  	_ =	swait.ge [sflag:s22], s20  }
0x9f: {  	s4 =	ssub.s32 $0x0, s20;
	[sflag:s22] =	ssyncset.done $0x0  }
0xa0: {  	[sflag:s22] =	ssyncadd.s32 s4;
	_ =	sdelay $0x1  }
0xa1: {  	s23 =	simm.s32 $0x1B8B  }
0xa2: {  	_ =	swait.ge [sflag:s23], $0x1  }
0xa3: {  	[sflag:s23] =	ssyncset.done $0x0  }
0xa4: {  	s25 =	simm.s32 $0x1B8E;
	s24 =	sld [smem:$0x3FFE];
	[sflag:s23] =	ssyncadd.s32 $0xFFFFFFFF  }
0xa5: {  	s26 =	simm.s32 $execute0_lowered;
	[smem:$0x3FD2] =	sst s25  }
0xa6: {  	s5 =	sshll.u32 s26, $0x1;
	_ =	strace $0x80000049;
	[dreg:$0x1] =	wrdreg $0xFFFFFFFF  }
0xa7: {  	s28 =	simm.s32 $_size_execute0_lowered;
	s3 =	sadd.s32 s3, s5;
	[dreg:$0x0] =	wrdreg $0x0  }
0xa8: {  	s5 =	sshll.u32 s28, $0x1;
	[dreg:$0x2] =	wrdreg s3  }
0xa9: {  	[dreg:$0x3] =	wrdreg s5  }
0xaa: {  	[dreg:$0x4] =	wrdreg $0xC0  }
0xab: {  	_ =	task [dreg:s7], $0x5FFFF  }
0xac: {  	[dreg:$0x1] =	wrdreg $0xFFFFFFFF  }
0xad: {  	[dreg:$0x0] =	wrdreg $0x60  }
0xae: {  	[dreg:$0x2] =	wrdreg s2  }
0xaf: {  	[dreg:$0x3] =	wrdreg s24  }
0xb0: {  	[dreg:$0x4] =	wrdreg $0x132000  }
0xb1: {  	[dreg:$0x5] =	wrdreg $0x9  }
0xb2: {  	_ =	task.clear_ibuf [dreg:s7], $0x6FFFF;
	_ =	strace $0x90000049  }
0xb3: {  	s29 =	simm.s32 $0x9;
	_ =	strace $0x8000004B  }
0xb4: {  	_ =	swait.ge [sflag:s29], $0x1  }
0xb5: {  	[sflag:s29] =	ssyncadd.s32 $0xFFFFFFFF  }
0xb6: {  	_ =	strace $0x9000004B  }
0xb7: {  	_ =	sfence  }
0xb8: {  	s30 =	sld [smem:$0x0];
	_ =	sdelay $0x2  }
0xb9: {  	s31 =	sshll.u32 s1, $0xD;
	s1 =	sshrl.u32 s1, $0x2  }
0xba: {  	s3 =	sand.u32 $0x4000, s31;
	s1 =	sadd.s32 s1, s30  }
0xbb: {  	s0 =	sor.u32 s3, s0;
	s1 =	sshll.u32 s1, $0x11  }
0xbc: {  	s0 =	sor.u32 s1, s0  }
0xbd: {  	s0 =	sadd.s32 $0x8F2B, s0  }
0xbe: {  	[sflag:s0] =	ssyncadd.remote.s32 $0x1  }
0xbf: {  	_ =	sfence.sel $0xFFFF  }
0xc0: {  	[dreg:$0x0] =	wrdreg $0xFFFFFFFF;
	(pc) =	sbr.abs _section_cstart, $3  }
0xc1: {  	[dreg:$0x1] =	wrdreg $0xFFFFFFFF  }
0xc2: {  	_ =	task.clear_ibuf [dreg:s7], $0x2FFFF;
	_ =	strace $0x9FFFFFFF  }
0xc3: {  	(tm) =	ssettm $0x7FFFFFFF  }
tec
execute0_lowered:
.L_overlay_start_1:
0x0: {  	(tag) =	ssettag $0x1  }
0x1: {  	s0 =	srdreg.scid;
	s1 =	rddreg [dreg:$0x0]  }
0x2: {  	s10 =	stileid.u32;
	s5 =	rddreg [dreg:$0x1]  }
0x3: {  	s3 =	rddreg [dreg:$0x2];
	s6 =	smul.u32 $0x9E0, s10  }
0x4: {  	s4 =	simm.s32 $0x0;
	s28 =	simm.s32 $0x2;
	s8 =	smul.u32 $0x28000, s10  }
0x5: {  	s31 =	simm.s32 $0xFE00;
	s29 =	simm.s32 $0x6;
	s9 =	smul.u32 $0x280, s10  }
0x6: {  	s30 =	simm.s32 $0x7;
	s0 =	sand.u32 $0x1, s0;
	s25 =	smul.u32 $0x1400, s10  }
0x7: {  	[smem:$0x7FF] =	sst s4;
	s2 =	sshll.u32 s0, $0x4;
	s7 =	smul.u32 $0x13880, s0  }
0x8: {  	_ =	strace $0x8000004A;
	s0 =	ssub.s32 $0x2, s0;
	s2 =	sor.u32 s10, s2  }
0x9: {  	s6 =	sadd.s32 s6, s5;
	s18 =	sshrl.u32 s0, $0x1;
	s8 =	sshrl.u32 s8, $0x2  }
0xa: {  	s19 =	ssub.s32 $0x2710, s9;
	s2 =	smul.u32 $0x9E0, s2;
	s7 =	sadd.s32 s7, s5  }
0xb: {  	s0 =	ssub.s32 s0, s18;
	s14 =	sadd.s32 $0x15A00, s6;
	s18 =	simm.s32 $0x11E00  }
0xc: {  	s6 =	simm.s32 $0x8;
	s16 =	smax.u32 s0, $0x1;
	s26 =	sadd.s32 s25, s7  }
0xd: {  	s0 =	simm.s32 $0x5;
	s25 =	simm.s32 $0x4;
	s7 =	simm.s32 $0x0  }
0xe: {  	s2 =	sadd.s32 s2, s5;
	s5 =	sadd.s32 s8, s3;
	s8 =	smin.u32 s19, $0x280  }
0xf: {  	s10 =	sadd.s32 $0x1F800, s26;
	s19 =	simm.s32 $0x9;
	s20 =	sadd.s32 $0x1400, s5  }
0x10: {  	s26 =	simm.s32 $0xDE00;
	s21 =	sadd.s32 $0x2800, s5;
	[dreg:$0x4] =	wrdreg s20  }
0x11: {  	s22 =	sadd.s32 $0x3C00, s5;
	s23 =	sadd.s32 $0x5000, s5;
	[dreg:$0x5] =	wrdreg s21  }
0x12: {  	s8 =	smul.u32 $0x334, s8;
	s24 =	sadd.s32 $0x6400, s5;
	[dreg:$0x6] =	wrdreg s22  }
0x13: {  	s11 =	sadd.s32 $0x7800, s5;
	s12 =	sadd.s32 $0x8C00, s5;
	[dreg:$0x7] =	wrdreg s23  }
0x14: {  	s13 =	sadd.s32 $0x1E00, s2;
	s2 =	simm.s32 $0x3;
	[dreg:$0x8] =	wrdreg s24  }
0x15: {  	s20 =	simm.s32 $0x4F00;
	s21 =	simm.s32 $0x80;
	s22 =	simm.s32 $0x9E00  }
0x16: {  	v0 =	vimm.f32 $0.0e+00;
	s23 =	simm.s32 $0xBE00;
	s24 =	simm.s32 $0x1;
	s15 =	sshrl.u32 s8, $0x10  }
.LBB2_1:
0x17: {  	s9 =	simm.s32 $0x100;
	s8 =	simm.s32 $0x0  }
.LBB2_2:
0x18: {  	p0 =	sne.s32 s9, $0x4F00;
	[tilespmem:s8+$0x11E30] =	vst v0;
	s17 =	smov.u32 s9;
	s9 =	sadd.s32 $0x100, s9  }
.Ltmp0:
0x19: {  	[tilespmem:s8+$0x11E20] =	vst v0;
	(pc) =	sbr.rel @p0 .LBB2_2-.Ltmp0, $3  }
0x1a: {  	[tilespmem:s8+$0x11E00] =	vst v0  }
0x1b: {  	[tilespmem:s8+$0x11E10] =	vst v0;
	_ =	sdelay $0x1  }
0x1c: {  	s8 =	sshra.s32 s17, $0x2  }
0x1d: {  	[tilespmem:s8+$0x11E30] =	vst v0  }
0x1e: {  	[tilespmem:s8+$0x11E20] =	vst v0  }
0x1f: {  	[tilespmem:s8+$0x11E00] =	vst v0  }
0x20: {  	[tilespmem:s8+$0x11E10] =	vst v0  }
0x21: {  	[spmem:s5] =	stream.linear.scatter [tilespmem:s18], [sflag:$0x9], $0x1400, $0x38;
	[tilespmem:$0x1D200] =	vst v63  }
0x22: {  	_ =	swait.ge [sflag:s19], $0x1400  }
0x23: {  	[sflag:s19] =	ssyncset.done $0x0  }
0x24: {  	s9 =	rddreg [dreg:$0x4];
	[sflag:s19] =	ssyncadd.s32 $0xFFFFEC00  }
0x25: {  	[spmem:s9] =	stream.linear.scatter [tilespmem:s18], [sflag:$0x9], $0x1400, $0x38;
	[tilespmem:$0x1D200] =	vst v63  }
0x26: {  	_ =	swait.ge [sflag:s19], $0x1400  }
0x27: {  	[sflag:s19] =	ssyncset.done $0x0  }
0x28: {  	s17 =	rddreg [dreg:$0x5];
	[sflag:s19] =	ssyncadd.s32 $0xFFFFEC00  }
0x29: {  	[spmem:s17] =	stream.linear.scatter [tilespmem:s18], [sflag:$0x9], $0x1400, $0x38;
	[tilespmem:$0x1D200] =	vst v63  }
0x2a: {  	_ =	swait.ge [sflag:s19], $0x1400  }
0x2b: {  	[sflag:s19] =	ssyncset.done $0x0  }
0x2c: {  	s9 =	rddreg [dreg:$0x6];
	[sflag:s19] =	ssyncadd.s32 $0xFFFFEC00  }
0x2d: {  	[spmem:s9] =	stream.linear.scatter [tilespmem:s18], [sflag:$0x9], $0x1400, $0x38;
	[tilespmem:$0x1D200] =	vst v63  }
0x2e: {  	_ =	swait.ge [sflag:s19], $0x1400  }
0x2f: {  	[sflag:s19] =	ssyncset.done $0x0  }
0x30: {  	s17 =	rddreg [dreg:$0x7];
	[sflag:s19] =	ssyncadd.s32 $0xFFFFEC00  }
0x31: {  	[spmem:s17] =	stream.linear.scatter [tilespmem:s18], [sflag:$0x9], $0x1400, $0x38;
	[tilespmem:$0x1D200] =	vst v63  }
0x32: {  	_ =	swait.ge [sflag:s19], $0x1400  }
0x33: {  	[sflag:s19] =	ssyncset.done $0x0  }
0x34: {  	s9 =	rddreg [dreg:$0x8];
	[sflag:s19] =	ssyncadd.s32 $0xFFFFEC00  }
0x35: {  	[spmem:s9] =	stream.linear.scatter [tilespmem:s18], [sflag:$0x9], $0x1400, $0x38;
	[tilespmem:$0x1D200] =	vst v63  }
0x36: {  	_ =	swait.ge [sflag:s19], $0x1400  }
0x37: {  	[sflag:s19] =	ssyncset.done $0x0  }
0x38: {  	[sflag:s19] =	ssyncadd.s32 $0xFFFFEC00  }
0x39: {  	[spmem:s11] =	stream.linear.scatter [tilespmem:s18], [sflag:$0x9], $0x1400, $0x38;
	[tilespmem:$0x1D200] =	vst v63  }
0x3a: {  	_ =	swait.ge [sflag:s19], $0x1400  }
0x3b: {  	[sflag:s19] =	ssyncset.done $0x0  }
0x3c: {  	[sflag:s19] =	ssyncadd.s32 $0xFFFFEC00  }
0x3d: {  	[spmem:s12] =	stream.linear.scatter [tilespmem:s18], [sflag:$0x9], $0x1400, $0x38;
	[tilespmem:$0x1D200] =	vst v63  }
0x3e: {  	_ =	swait.ge [sflag:s19], $0x1400  }
0x3f: {  	[sflag:s19] =	ssyncset.done $0x0  }
0x40: {  	[sflag:s19] =	ssyncadd.s32 $0xFFFFEC00  }
0x41: {  	s17 =	simm.s32 $0x0;
	[bflag:$0x0] =	sbarrier.arrive $0xFFFF  }
0x42: {  	[tilespmem:s17], [sflag:$0x9] =	stream.linear.gather [hbm4b:s13+s17], $0x4F00, $0x38;
	[tilespmem:$0x1D200] =	vst v63  }
0x43: {  	_ =	swait.ge [sflag:s19], $0x4F00  }
0x44: {  	[sflag:s19] =	ssyncset.done $0x0  }
0x45: {  	[sflag:s19] =	ssyncadd.s32 $0xFFFFB100  }
0x46: {  	[tilespmem:s20], [sflag:$0x9] =	stream.linear.gather [hbm4b:s14+s17], $0x4F00, $0x38;
	[tilespmem:$0x1D200] =	vst v63  }
0x47: {  	_ =	swait.ge [sflag:s19], $0x4F00  }
0x48: {  	[sflag:s19] =	ssyncset.done $0x0  }
0x49: {  	[sflag:s19] =	ssyncadd.s32 $0xFFFFB100  }
0x4a: {  	[tilespmem:s22], [sflag:$0x1] =	stream.indirect.gather [hbm4b:s1+s21], $0x40, s17, s21, $0xb8;
	[tilespmem:$0x1D200] =	vst v63  }
0x4b: {  	_ = 	snop  }
0x4c: {  	[tilespmem:s23], [sflag:$0x2] =	stream.indirect.gather [hbm4b:s1+s21], $0x40, s21, s21, $0xb8;
	[tilespmem:$0x1D200] =	vst v63  }
0x4d: {  	_ =	swait.ge [sflag:s24], $0x2000  }
0x4e: {  	[sflag:s24] =	ssyncset.done $0x0  }
0x4f: {  	[sflag:s24] =	ssyncadd.s32 $0xFFFFE000  }
0x50: {  	[spmem:s3] =	stream.indirect.scatter.add.f32 [tilespmem:s22], [sflag:$0x5], $0x40, s20, s21, $0xb8;
	[tilespmem:$0x1D200] =	vst v63  }
0x51: {  	s9 =	simm.s32 $0x100  }
0x52: {  	[tilespmem:s26], [sflag:$0x3] =	stream.indirect.gather [hbm4b:s1+s21], $0x40, s9, s21, $0xb8;
	[tilespmem:$0x1D200] =	vst v63  }
0x53: {  	_ =	swait.ge [sflag:s28], $0x2000  }
0x54: {  	[sflag:s28] =	ssyncset.done $0x0  }
0x55: {  	s17 =	simm.s32 $0x4F80;
	[sflag:s28] =	ssyncadd.s32 $0xFFFFE000  }
0x56: {  	[spmem:s3] =	stream.indirect.scatter.add.f32 [tilespmem:s23], [sflag:$0x6], $0x40, s17, s21, $0xb8;
	[tilespmem:$0x1D200] =	vst v63  }
0x57: {  	s9 =	simm.s32 $0x180  }
0x58: {  	[tilespmem:s31], [sflag:$0x4] =	stream.indirect.gather [hbm4b:s1+s21], $0x40, s9, s21, $0xb8;
	[tilespmem:$0x1D200] =	vst v63  }
0x59: {  	_ =	swait.ge [sflag:s2], $0x2000  }
0x5a: {  	[sflag:s2] =	ssyncset.done $0x0  }
0x5b: {  	s17 =	simm.s32 $0x5000;
	[sflag:s2] =	ssyncadd.s32 $0xFFFFE000  }
0x5c: {  	[spmem:s3] =	stream.indirect.scatter.add.f32 [tilespmem:s26], [sflag:$0x7], $0x40, s17, s21, $0xb8;
	[tilespmem:$0x1D200] =	vst v63  }
0x5d: {  	_ =	swait.ge [sflag:s0], $0x2000  }
0x5e: {  	[sflag:s0] =	ssyncset.done $0x0  }
0x5f: {  	s9 =	simm.s32 $0x200;
	[sflag:s0] =	ssyncadd.s32 $0xFFFFE000  }
0x60: {  	[tilespmem:s22], [sflag:$0x1] =	stream.indirect.gather [hbm4b:s1+s21], $0x40, s9, s21, $0xb8;
	[tilespmem:$0x1D200] =	vst v63  }
0x61: {  	_ =	swait.ge [sflag:s25], $0x2000  }
0x62: {  	[sflag:s25] =	ssyncset.done $0x0  }
0x63: {  	s17 =	simm.s32 $0x5080;
	[sflag:s25] =	ssyncadd.s32 $0xFFFFE000  }
0x64: {  	[spmem:s3] =	stream.indirect.scatter.add.f32 [tilespmem:s31], [sflag:$0x8], $0x40, s17, s21, $0xb8;
	[tilespmem:$0x1D200] =	vst v63  }
0x65: {  	_ =	swait.ge [sflag:s29], $0x2000  }
0x66: {  	[sflag:s29] =	ssyncset.done $0x0  }
0x67: {  	s9 =	simm.s32 $0x280;
	[sflag:s29] =	ssyncadd.s32 $0xFFFFE000  }
0x68: {  	[tilespmem:s23], [sflag:$0x2] =	stream.indirect.gather [hbm4b:s1+s21], $0x40, s9, s21, $0xb8;
	[tilespmem:$0x1D200] =	vst v63  }
0x69: {  	_ =	swait.ge [sflag:s24], $0x2000  }
0x6a: {  	[sflag:s24] =	ssyncset.done $0x0  }
0x6b: {  	s17 =	simm.s32 $0x5100;
	[sflag:s24] =	ssyncadd.s32 $0xFFFFE000  }
0x6c: {  	[spmem:s3] =	stream.indirect.scatter.add.f32 [tilespmem:s22], [sflag:$0x5], $0x40, s17, s21, $0xb8;
	[tilespmem:$0x1D200] =	vst v63  }
0x6d: {  	_ =	swait.ge [sflag:s30], $0x2000  }
0x6e: {  	[sflag:s30] =	ssyncset.done $0x0  }
0x6f: {  	s9 =	simm.s32 $0x300;
	[sflag:s30] =	ssyncadd.s32 $0xFFFFE000  }
0x70: {  	[tilespmem:s26], [sflag:$0x3] =	stream.indirect.gather [hbm4b:s1+s21], $0x40, s9, s21, $0xb8;
	[tilespmem:$0x1D200] =	vst v63  }
0x71: {  	_ =	swait.ge [sflag:s28], $0x2000  }
0x72: {  	[sflag:s28] =	ssyncset.done $0x0  }
0x73: {  	s17 =	simm.s32 $0x5180;
	[sflag:s28] =	ssyncadd.s32 $0xFFFFE000  }
0x74: {  	[spmem:s3] =	stream.indirect.scatter.add.f32 [tilespmem:s23], [sflag:$0x6], $0x40, s17, s21, $0xb8;
	[tilespmem:$0x1D200] =	vst v63  }
0x75: {  	_ =	swait.ge [sflag:s6], $0x2000  }
0x76: {  	[sflag:s6] =	ssyncset.done $0x0  }
0x77: {  	s8 =	simm.s32 $0x800;
	s9 =	simm.s32 $0x380;
	[sflag:s6] =	ssyncadd.s32 $0xFFFFE000  }
.LBB2_4:
0x78: {  	[tilespmem:s31], [sflag:$0x4] =	stream.indirect.gather [hbm4b:s1+s21], $0x40, s9, s21, $0xb8;
	[tilespmem:$0x1D200] =	vst v63  }
0x79: {  	s9 =	smov.u32 s8  }
0x7a: {  	p0 =	sne.s32 s8, $0x12800;
	s8 =	sadd.s32 $0x800, s8;
	_ =	swait.ge [sflag:s2], $0x2000  }
0x7b: {  	s9 =	sshra.s32 s9, $0x2;
	[sflag:s2] =	ssyncset.done $0x0  }
0x7c: {  	s17 =	sadd.s32 $0x5000, s9;
	[sflag:s2] =	ssyncadd.s32 $0xFFFFE000  }
0x7d: {  	[spmem:s3] =	stream.indirect.scatter.add.f32 [tilespmem:s26], [sflag:$0x7], $0x40, s17, s21, $0xb8;
	[tilespmem:$0x1D200] =	vst v63  }
0x7e: {  	_ =	swait.ge [sflag:s0], $0x2000  }
0x7f: {  	[sflag:s0] =	ssyncset.done $0x0  }
0x80: {  	s17 =	sadd.s32 $0x200, s9;
	[sflag:s0] =	ssyncadd.s32 $0xFFFFE000  }
0x81: {  	[tilespmem:s22], [sflag:$0x1] =	stream.indirect.gather [hbm4b:s1+s21], $0x40, s17, s21, $0xb8;
	[tilespmem:$0x1D200] =	vst v63  }
0x82: {  	_ =	swait.ge [sflag:s25], $0x2000  }
0x83: {  	[sflag:s25] =	ssyncset.done $0x0  }
0x84: {  	s17 =	sadd.s32 $0x5080, s9;
	[sflag:s25] =	ssyncadd.s32 $0xFFFFE000  }
0x85: {  	[spmem:s3] =	stream.indirect.scatter.add.f32 [tilespmem:s31], [sflag:$0x8], $0x40, s17, s21, $0xb8;
	[tilespmem:$0x1D200] =	vst v63  }
0x86: {  	_ =	swait.ge [sflag:s29], $0x2000  }
0x87: {  	[sflag:s29] =	ssyncset.done $0x0  }
0x88: {  	s17 =	sadd.s32 $0x280, s9;
	[sflag:s29] =	ssyncadd.s32 $0xFFFFE000  }
0x89: {  	[tilespmem:s23], [sflag:$0x2] =	stream.indirect.gather [hbm4b:s1+s21], $0x40, s17, s21, $0xb8;
	[tilespmem:$0x1D200] =	vst v63  }
0x8a: {  	_ =	swait.ge [sflag:s24], $0x2000  }
0x8b: {  	[sflag:s24] =	ssyncset.done $0x0  }
0x8c: {  	s17 =	sadd.s32 $0x5100, s9;
	[sflag:s24] =	ssyncadd.s32 $0xFFFFE000  }
0x8d: {  	[spmem:s3] =	stream.indirect.scatter.add.f32 [tilespmem:s22], [sflag:$0x5], $0x40, s17, s21, $0xb8;
	[tilespmem:$0x1D200] =	vst v63  }
0x8e: {  	_ =	swait.ge [sflag:s30], $0x2000  }
0x8f: {  	[sflag:s30] =	ssyncset.done $0x0  }
0x90: {  	s17 =	sadd.s32 $0x300, s9;
	[sflag:s30] =	ssyncadd.s32 $0xFFFFE000  }
0x91: {  	[tilespmem:s26], [sflag:$0x3] =	stream.indirect.gather [hbm4b:s1+s21], $0x40, s17, s21, $0xb8;
	[tilespmem:$0x1D200] =	vst v63  }
0x92: {  	_ =	swait.ge [sflag:s28], $0x2000  }
0x93: {  	[sflag:s28] =	ssyncset.done $0x0  }
.Ltmp1:
0x94: {  	s17 =	sadd.s32 $0x5180, s9;
	[sflag:s28] =	ssyncadd.s32 $0xFFFFE000;
	(pc) =	sbr.rel @p0 .LBB2_4-.Ltmp1, $4  }
0x95: {  	[spmem:s3] =	stream.indirect.scatter.add.f32 [tilespmem:s23], [sflag:$0x6], $0x40, s17, s21, $0xb8;
	[tilespmem:$0x1D200] =	vst v63  }
0x96: {  	_ =	swait.ge [sflag:s6], $0x2000  }
0x97: {  	[sflag:s6] =	ssyncset.done $0x0  }
0x98: {  	s9 =	sadd.s32 $0x380, s9;
	[sflag:s6] =	ssyncadd.s32 $0xFFFFE000  }
0x99: {  	[tilespmem:s31], [sflag:$0x4] =	stream.indirect.gather [hbm4b:s1+s21], $0x40, s9, s21, $0xb8;
	[tilespmem:$0x1D200] =	vst v63  }
0x9a: {  	_ =	swait.ge [sflag:s2], $0x2000  }
0x9b: {  	[sflag:s2] =	ssyncset.done $0x0  }
0x9c: {  	s8 =	simm.s32 $0x9C00;
	[sflag:s2] =	ssyncadd.s32 $0xFFFFE000  }
0x9d: {  	[spmem:s3] =	stream.indirect.scatter.add.f32 [tilespmem:s26], [sflag:$0x7], $0x40, s8, s21, $0xb8;
	[tilespmem:$0x1D200] =	vst v63  }
0x9e: {  	_ =	swait.ge [sflag:s0], $0x2000  }
0x9f: {  	[sflag:s0] =	ssyncset.done $0x0  }
0xa0: {  	s17 =	simm.s32 $0x4E00;
	[sflag:s0] =	ssyncadd.s32 $0xFFFFE000  }
0xa1: {  	[tilespmem:s22], [sflag:$0x1] =	stream.indirect.gather [hbm4b:s1+s21], $0x40, s17, s21, $0xb8;
	[tilespmem:$0x1D200] =	vst v63  }
0xa2: {  	_ =	swait.ge [sflag:s25], $0x2000  }
0xa3: {  	[sflag:s25] =	ssyncset.done $0x0  }
0xa4: {  	s9 =	simm.s32 $0x9C80;
	[sflag:s25] =	ssyncadd.s32 $0xFFFFE000  }
0xa5: {  	[spmem:s3] =	stream.indirect.scatter.add.f32 [tilespmem:s31], [sflag:$0x8], $0x40, s9, s21, $0xb8;
	[tilespmem:$0x1D200] =	vst v63  }
0xa6: {  	_ =	swait.ge [sflag:s29], $0x2000  }
0xa7: {  	[sflag:s29] =	ssyncset.done $0x0  }
0xa8: {  	s17 =	simm.s32 $0x4E80;
	[sflag:s29] =	ssyncadd.s32 $0xFFFFE000  }
0xa9: {  	[tilespmem:s23], [sflag:$0x2] =	stream.indirect.gather [hbm4b:s1+s21], $0x40, s17, s21, $0xb8;
	[tilespmem:$0x1D200] =	vst v63  }
0xaa: {  	_ =	swait.ge [sflag:s24], $0x2000  }
0xab: {  	[sflag:s24] =	ssyncset.done $0x0  }
0xac: {  	s9 =	simm.s32 $0x9D00;
	[sflag:s24] =	ssyncadd.s32 $0xFFFFE000  }
0xad: {  	[spmem:s3] =	stream.indirect.scatter.add.f32 [tilespmem:s22], [sflag:$0x5], $0x40, s9, s21, $0xb8;
	[tilespmem:$0x1D200] =	vst v63  }
0xae: {  	_ =	swait.ge [sflag:s28], $0x2000  }
0xaf: {  	[sflag:s28] =	ssyncset.done $0x0  }
0xb0: {  	s17 =	simm.s32 $0x9D80;
	[sflag:s28] =	ssyncadd.s32 $0xFFFFE000  }
0xb1: {  	[spmem:s3] =	stream.indirect.scatter.add.f32 [tilespmem:s23], [sflag:$0x6], $0x40, s17, s21, $0xb8;
	[tilespmem:$0x1D200] =	vst v63  }
0xb2: {  	_ =	swait.ge [sflag:s30], $0x2000  }
0xb3: {  	[sflag:s30] =	ssyncset.done $0x0  }
0xb4: {  	[sflag:s30] =	ssyncadd.s32 $0xFFFFE000  }
0xb5: {  	_ =	swait.ge [sflag:s6], $0x2000  }
0xb6: {  	[sflag:s6] =	ssyncset.done $0x0  }
0xb7: {  	[sflag:s6] =	ssyncadd.s32 $0xFFFFE000  }
0xb8: {  	_ =	swait.ge [sflag:s0], $0x2000  }
0xb9: {  	[sflag:s0] =	ssyncset.done $0x0  }
0xba: {  	[sflag:s0] =	ssyncadd.s32 $0xFFFFE000  }
0xbb: {  	_ =	swait.ge [sflag:s29], $0x2000  }
0xbc: {  	[sflag:s29] =	ssyncset.done $0x0  }
0xbd: {  	[sflag:s29] =	ssyncadd.s32 $0xFFFFE000  }
0xbe: {  	[bflag:$0x0] =	sbarrier.arrive $0xFFFF  }
0xbf: {  	[tilespmem:s18], [sflag:$0x9] =	stream.linear.gather [spmem:s5], $0x1400, $0x38;
	[tilespmem:$0x1D200] =	vst v63  }
0xc0: {  	p0 =	sne.s32 s15, $0x1;
	_ =	swait.ge [sflag:s19], $0x1400  }
.Ltmp2:
0xc1: {  	[sflag:s19] =	ssyncset.done $0x0;
	(pc) =	sbr.rel @!p0 .LBB2_7-.Ltmp2, $4  }
0xc2: {  	[sflag:s19] =	ssyncadd.s32 $0xFFFFEC00  }
0xc3: {  	[hbm4b:s10+s4] =	stream.linear.scatter [tilespmem:s18], [sflag:$0x9], $0x1400, $0x38;
	[tilespmem:$0x1D200] =	vst v63  }
0xc4: {  	s8 =	sadd.s32 $0xFFFFFFFF, s15;
	_ =	swait.ge [sflag:s19], $0x1400  }
0xc5: {  	s9 =	smov.u32 s5;
	s17 =	smov.u32 s10;
	[sflag:s19] =	ssyncset.done $0x0  }
.LBB2_6:
0xc6: {  	[sflag:s19] =	ssyncadd.s32 $0xFFFFEC00;
	s9 =	sadd.s32 $0x1400, s9;
	s17 =	sadd.s32 $0x280, s17  }
0xc7: {  	[tilespmem:s18], [sflag:$0x9] =	stream.linear.gather [spmem:s9], $0x1400, $0x38;
	[tilespmem:$0x1D200] =	vst v63  }
0xc8: {  	p0 =	sne.s32 s8, $0x1;
	s8 =	sadd.s32 $0xFFFFFFFF, s8;
	_ =	swait.ge [sflag:s19], $0x1400  }
.Ltmp3:
0xc9: {  	[sflag:s19] =	ssyncset.done $0x0;
	(pc) =	sbr.rel @p0 .LBB2_6-.Ltmp3, $4  }
0xca: {  	[sflag:s19] =	ssyncadd.s32 $0xFFFFEC00  }
0xcb: {  	[hbm4b:s17+s4] =	stream.linear.scatter [tilespmem:s18], [sflag:$0x9], $0x1400, $0x38;
	[tilespmem:$0x1D200] =	vst v63  }
0xcc: {  	_ =	swait.ge [sflag:s19], $0x1400  }
0xcd: {  	[sflag:s19] =	ssyncset.done $0x0  }
.LBB2_7:
0xce: {  	s7 =	sadd.s32 $0x1, s7  }
0xcf: {  	p0 =	sne.s32 s7, s16  }
.Ltmp4:
0xd0: {  	_ = 	snop;
	(pc) =	sbr.rel @p0 .LBB2_1-.Ltmp4, $2  }
0xd1: {  	_ =	sdelay $0x2  }
0xd2: {  	[sflag:s19] =	ssyncadd.s32 $0xFFFFEC00  }
0xd3: {  	_ =	sfence.sel $0x180000  }
0xd4: {  	[bflag:$0x0] =	sbarrier.arrive $0xFFFF  }
0xd5: {  	_ =	strace $0x9000004A  }
0xd6: {  	s0 =	stileid.u32;
	[bflag:$0x2] =	sbarrier.arrive $0xFFFF  }
0xd7: {  	p0 =	sne.s32 s0, $0x0;
	s0 =	rddreg [dreg:$0x3]  }
0xd8: {  	s0 =	sadd.s32 @!p0 $0x100000, s0  }
0xd9: {  	[sflag:s0] =	ssyncadd.tile.s32 @!p0 $0x1;
	_ =	shalt  }
.Lfunc_end2:
_tile_overlayer_lowered:
.L_overlay_start_2:
0xda: {  	(tag) =	ssettag $0x2  }
0xdb: {  	s0 =	rddreg [dreg:$0x0];
	s2 =	stileid.u32  }
0xdc: {  	s1 =	rddreg [dreg:$0x1];
	p0 =	sne.s32 s2, $0x0  }
0xdd: {  	s3 =	rddreg [dreg:$0x2];
	[bflag:$0x3] =	sbarrier.arrive $0xFFFF;
	s2 =	simm.s32 @!p0 $0x1C09  }
0xde: {  	[timem:s3], [sflag:s2] =	dma.local @!p0 [hbm:s0], s1  }
0xdf: {  	s0 =	simm.s32 @!p0 $0x9  }
0xe0: {  	_ =	swait.ge @!p0 [sflag:s0], s1  }
0xe1: {  	s1 =	ssub.s32 @!p0 $0x0, s1;
	[sflag:s0] =	ssyncset.done @!p0 $0x0  }
0xe2: {  	[sflag:s0] =	ssyncadd.s32 @!p0 s1  }
0xe3: {  	[bflag:$0x3] =	sbarrier.arrive $0xFFFF  }
0xe4: {  	_ =	shalt  }

</sc_bundles>
